<compile_context>
chip_gen: v7x
topology: tpu7x:2x2x1
jax: 0.10.2.dev20260603
libtpu: 0.0.44.dev20260713+nightly
codegen_flags: <defaults>
</compile_context>

<pallas_src>
import functools

import jax
import jax.numpy as jnp
from jax import lax
from jax.experimental import pallas as pl
from jax.experimental.pallas import tpu as pltpu
from jax.experimental.pallas import tpu_sc as plsc

NEG_SLOPE = 0.2
NC = 2
NS = 16
NW = NC * NS
CHUNK = 128
N_BLOCK = 512



def _edge_sc_body(npad, n_chunks, d,
                  h_hbm, src_hbm, dst_hbm, asrc_hbm, adst_hbm,
                  outS_hbm, outD_hbm,
                  asrc_l, adst_l, sidx, didx, e_ref, rows, gsem,
                  acc, den):
    c = lax.axis_index("c")
    s = lax.axis_index("s")
    wid = c * NS + s
    rpt = npad // NS

    def _zb_row(j, _):
        for k in range(d // 16):
            rows[j, pl.ds(k * 16, 16)] = jnp.zeros((16,), jnp.float32)
        return 0
    lax.fori_loop(0, CHUNK, _zb_row, 0)
    for j in range(CHUNK // 16):
        e_ref[pl.ds(j * 16, 16)] = jnp.zeros((16,), jnp.float32)

    for t in range(rpt // CHUNK):
        pltpu.sync_copy(rows, acc.at[pl.ds(s * rpt + t * CHUNK, CHUNK)])
        pltpu.sync_copy(e_ref, den.at[pl.ds(s * rpt + t * CHUNK, CHUNK)])

    pltpu.sync_copy(asrc_hbm, asrc_l)
    pltpu.sync_copy(adst_hbm, adst_l)

    plsc.subcore_barrier()

    def _chunk(ci, _):
        base = (wid * n_chunks + ci) * CHUNK
        pltpu.sync_copy(src_hbm.at[pl.ds(base, CHUNK)], sidx)
        pltpu.sync_copy(dst_hbm.at[pl.ds(base, CHUNK)], didx)
        cp = pltpu.async_copy(h_hbm.at[sidx], rows, gsem)
        for j in range(CHUNK // 16):
            si = sidx[pl.ds(j * 16, 16)]
            di = didx[pl.ds(j * 16, 16)]
            t = (plsc.load_gather(asrc_l, [si])
                 + plsc.load_gather(adst_l, [di]))
            e_ref[pl.ds(j * 16, 16)] = jnp.exp(jnp.maximum(t, NEG_SLOPE * t))
        cp.wait()

        def _scale(r4, _):
            for u in range(4):
                r = r4 * 4 + u
                ev = plsc.load_gather(
                    e_ref, [lax.broadcast_in_dim(r, (16,), ())])
                for k in range(d // 16):
                    rows[r, pl.ds(k * 16, 16)] = (
                        rows[r, pl.ds(k * 16, 16)] * ev)
            return 0
        lax.fori_loop(0, CHUNK // 4, _scale, 0)

        pltpu.sync_copy(e_ref, den.at[didx], add=True)
        pltpu.sync_copy(rows, acc.at[didx], add=True)
        return 0
    lax.fori_loop(0, n_chunks, _chunk, 0)

    plsc.subcore_barrier()
    pltpu.sync_copy(acc.at[pl.ds(s * rpt, rpt)],
                    outS_hbm.at[pl.ds(c * npad + s * rpt, rpt)])
    pltpu.sync_copy(den.at[pl.ds(s * rpt, rpt)],
                    outD_hbm.at[pl.ds(c * npad + s * rpt, rpt)])


def _edge_stage(h_pad, asrc_pad, adst_pad, src_pad, dst_pad):
    npad, d = h_pad.shape
    e_tot = src_pad.shape[0]
    epw = e_tot // NW
    n_chunks = epw // CHUNK
    mesh = plsc.VectorSubcoreMesh(core_axis_name="c", subcore_axis_name="s")

    outS, outD = pl.kernel(
        functools.partial(_edge_sc_body, npad, n_chunks, d),
        out_type=[jax.ShapeDtypeStruct((NC * npad, d), jnp.float32),
                  jax.ShapeDtypeStruct((NC * npad,), jnp.float32)],
        mesh=mesh,
        compiler_params=pltpu.CompilerParams(needs_layout_passes=False),
        scratch_types=[
            pltpu.VMEM((npad,), jnp.float32),
            pltpu.VMEM((npad,), jnp.float32),
            pltpu.VMEM((CHUNK,), jnp.int32),
            pltpu.VMEM((CHUNK,), jnp.int32),
            pltpu.VMEM((CHUNK,), jnp.float32),
            pltpu.VMEM((CHUNK, d), jnp.float32),
            pltpu.SemaphoreType.DMA,
            pltpu.VMEM_SHARED((npad, d), jnp.float32),
            pltpu.VMEM_SHARED((npad,), jnp.float32),
        ],
    )(h_pad, src_pad, dst_pad, asrc_pad, adst_pad)
    return outS.reshape(NC, npad, d), outD.reshape(NC, npad, 1)



def _dense1_body(x_ref, w_ref, avs_ref, avd_ref, h_ref, s_ref, d_ref):
    h = jnp.dot(x_ref[...], w_ref[...], preferred_element_type=jnp.float32)
    h_ref[...] = h
    s_ref[...] = (h @ avs_ref[...])[:, None]
    d_ref[...] = (h @ avd_ref[...])[:, None]


def _mid_body(S_ref, D_ref, b_ref, w_ref, avs_ref, avd_ref,
              h_ref, s_ref, d_ref):
    z = (S_ref[0] + S_ref[1]) / (D_ref[0] + D_ref[1] + 1e-16) + b_ref[...]
    z = jnp.maximum(z, 0.0)
    h = jnp.dot(z, w_ref[...], preferred_element_type=jnp.float32)
    h_ref[...] = h
    s_ref[...] = (h @ avs_ref[...])[:, None]
    d_ref[...] = (h @ avd_ref[...])[:, None]


def _final_body(S_ref, D_ref, b_ref, o_ref):
    o = (S_ref[0] + S_ref[1]) / (D_ref[0] + D_ref[1] + 1e-16) + b_ref[...]
    m = jnp.max(o, axis=1, keepdims=True)
    lse = jnp.log(jnp.sum(jnp.exp(o - m), axis=1, keepdims=True))
    o_ref[...] = o - m - lse


def _dense_outs(npad, d):
    return [
        jax.ShapeDtypeStruct((npad, d), jnp.float32),
        jax.ShapeDtypeStruct((npad, 1), jnp.float32),
        jax.ShapeDtypeStruct((npad, 1), jnp.float32),
    ]


def _dense1(x_pad, W, att_src, att_dst):
    npad, d = x_pad.shape
    h, a_s, a_d = pl.pallas_call(
        _dense1_body,
        grid=(npad // N_BLOCK,),
        in_specs=[
            pl.BlockSpec((N_BLOCK, d), lambda i: (i, 0)),
            pl.BlockSpec((d, d), lambda i: (0, 0)),
            pl.BlockSpec((d,), lambda i: (0,)),
            pl.BlockSpec((d,), lambda i: (0,)),
        ],
        out_specs=[
            pl.BlockSpec((N_BLOCK, d), lambda i: (i, 0)),
            pl.BlockSpec((N_BLOCK, 1), lambda i: (i, 0)),
            pl.BlockSpec((N_BLOCK, 1), lambda i: (i, 0)),
        ],
        out_shape=_dense_outs(npad, d),
    )(x_pad, W, att_src, att_dst)
    return h, a_s.reshape(npad), a_d.reshape(npad)


def _mid(S, D, bias, W, att_src, att_dst):
    _, npad, d = S.shape
    h, a_s, a_d = pl.pallas_call(
        _mid_body,
        grid=(npad // N_BLOCK,),
        in_specs=[
            pl.BlockSpec((NC, N_BLOCK, d), lambda i: (0, i, 0)),
            pl.BlockSpec((NC, N_BLOCK, 1), lambda i: (0, i, 0)),
            pl.BlockSpec((d,), lambda i: (0,)),
            pl.BlockSpec((d, d), lambda i: (0, 0)),
            pl.BlockSpec((d,), lambda i: (0,)),
            pl.BlockSpec((d,), lambda i: (0,)),
        ],
        out_specs=[
            pl.BlockSpec((N_BLOCK, d), lambda i: (i, 0)),
            pl.BlockSpec((N_BLOCK, 1), lambda i: (i, 0)),
            pl.BlockSpec((N_BLOCK, 1), lambda i: (i, 0)),
        ],
        out_shape=_dense_outs(npad, d),
    )(S, D, bias, W, att_src, att_dst)
    return h, a_s.reshape(npad), a_d.reshape(npad)


def _final(S, D, bias):
    _, npad, d = S.shape
    return pl.pallas_call(
        _final_body,
        grid=(npad // N_BLOCK,),
        in_specs=[
            pl.BlockSpec((NC, N_BLOCK, d), lambda i: (0, i, 0)),
            pl.BlockSpec((NC, N_BLOCK, 1), lambda i: (0, i, 0)),
            pl.BlockSpec((d,), lambda i: (0,)),
        ],
        out_specs=pl.BlockSpec((N_BLOCK, d), lambda i: (i, 0)),
        out_shape=jax.ShapeDtypeStruct((npad, d), jnp.float32),
    )(S, D, bias)



def kernel(x, edge_index, W1, att_src1, att_dst1, b1, W2, att_src2, att_dst2, b2):
    n, d = x.shape
    e = edge_index.shape[1]
    npad = -(-(n + NS) // (NS * CHUNK)) * (NS * CHUNK)
    e_tot = e + n
    e_pad = -(-e_tot // (NW * CHUNK)) * (NW * CHUNK)

    loop = jnp.arange(n, dtype=edge_index.dtype)
    src = jnp.concatenate(
        [edge_index[0], loop,
         jnp.zeros((e_pad - e_tot,), edge_index.dtype)])
    dst = jnp.concatenate(
        [edge_index[1], loop,
         jnp.full((e_pad - e_tot,), n, edge_index.dtype)])

    x_pad = jnp.pad(x, ((0, npad - n), (0, 0)))
    h1, a1s, a1d = _dense1(x_pad, W1, att_src1, att_dst1)
    S1, D1 = _edge_stage(h1, a1s, a1d, src, dst)
    h2, a2s, a2d = _mid(S1, D1, b1, W2, att_src2, att_dst2)
    S2, D2 = _edge_stage(h2, a2s, a2d, src, dst)
    out = _final(S2, D2, b2)
    return out[:n]

# --- scband reference (transcript-rebuilt; emitter-appended) ---
"""Pipeline reference for scband-gatv1-1571958030452 (READ-ONLY COPY).

The authoritative reference and input builder live on the scoring server;
editing this copy changes nothing except your own understanding.
"""

import jax, jax.numpy as jnp
import numpy as np

N = 10000
E = 320000
D_IN = 128
D_HID = 128
D_OUT = 128


def setup_inputs(seed: int = 0) -> dict:
    key = jax.random.key(seed)
    ks = jax.random.split(key, 12)
    x = jax.random.normal(ks[0], (N, D_IN), dtype=jnp.float32)
    edge_index = jax.random.randint(ks[1], (2, E), 0, N, dtype=jnp.int32)
    W1 = jax.random.normal(ks[2], (D_IN, D_HID), dtype=jnp.float32) * (1.0 / np.sqrt(D_IN))
    att_src1 = jax.random.normal(ks[3], (D_HID,), dtype=jnp.float32) * 0.1
    att_dst1 = jax.random.normal(ks[4], (D_HID,), dtype=jnp.float32) * 0.1
    b1 = jnp.zeros((D_HID,), dtype=jnp.float32)
    W2 = jax.random.normal(ks[5], (D_HID, D_OUT), dtype=jnp.float32) * (1.0 / np.sqrt(D_HID))
    att_src2 = jax.random.normal(ks[6], (D_OUT,), dtype=jnp.float32) * 0.1
    att_dst2 = jax.random.normal(ks[7], (D_OUT,), dtype=jnp.float32) * 0.1
    b2 = jnp.zeros((D_OUT,), dtype=jnp.float32)
    return {"x": x, "edge_index": edge_index, "W1": W1, "att_src1": att_src1,
            "att_dst1": att_dst1, "b1": b1, "W2": W2, "att_src2": att_src2,
            "att_dst2": att_dst2, "b2": b2}


def _gat_conv(x, src, dst, W, att_src, att_dst, bias, num_nodes):
    # h = W x  (heads=1)
    h = x @ W  # [N, d_out]
    a_src = h @ att_src  # [N]
    a_dst = h @ att_dst  # [N]
    # e_ij = LeakyReLU(a_src[j] + a_dst[i]) for edge j -> i (src -> dst)
    e = jax.nn.leaky_relu(a_src[src] + a_dst[dst], negative_slope=0.2)
    # segment softmax over edges grouped by dst node
    e_max = jax.ops.segment_max(e, dst, num_segments=num_nodes)
    e_exp = jnp.exp(e - e_max[dst])
    denom = jax.ops.segment_sum(e_exp, dst, num_segments=num_nodes)
    alpha = e_exp / (denom[dst] + 1e-16)
    # weighted aggregation of source features at dst
    out = jax.ops.segment_sum(alpha[:, None] * h[src], dst, num_segments=num_nodes)
    return out + bias


def reference(x, edge_index, W1, att_src1, att_dst1, b1, W2, att_src2, att_dst2, b2):
    num_nodes = x.shape[0]
    # add self loops (PyG GATConv default add_self_loops=True)
    loop = jnp.arange(num_nodes, dtype=edge_index.dtype)
    src = jnp.concatenate([edge_index[0], loop])
    dst = jnp.concatenate([edge_index[1], loop])
    h = _gat_conv(x, src, dst, W1, att_src1, att_dst1, b1, num_nodes)
    h = jax.nn.relu(h)
    out = _gat_conv(h, src, dst, W2, att_src2, att_dst2, b2, num_nodes)
    return jax.nn.log_softmax(out, axis=1)

if __name__ == "__main__":
    import jax
    _d = setup_inputs()
    print(jax.jit(kernel)(*tuple(_d.values())))

</pallas_src>

<mosaic_0001>
#map = affine_map<(d0, d1) -> (0, 0)>
#map1 = affine_map<(d0, d1) -> (0)>
module attributes {stable_mosaic.version = 14 : i64} {
  func.func @_edge_sc_body(%arg0: i32, %arg1: i32, %arg2: memref<10240x128xf32, #tpu.memory_space<hbm>>, %arg3: memref<331776xi32, #tpu.memory_space<hbm>>, %arg4: memref<331776xi32, #tpu.memory_space<hbm>>, %arg5: memref<10240xf32, #tpu.memory_space<hbm>>, %arg6: memref<10240xf32, #tpu.memory_space<hbm>>, %arg7: memref<20480x128xf32, #tpu.memory_space<hbm>>, %arg8: memref<20480xf32, #tpu.memory_space<hbm>>, %arg9: memref<10240xf32, #tpu.memory_space<vmem>>, %arg10: memref<10240xf32, #tpu.memory_space<vmem>>, %arg11: memref<128xi32, #tpu.memory_space<vmem>>, %arg12: memref<128xi32, #tpu.memory_space<vmem>>, %arg13: memref<128xf32, #tpu.memory_space<vmem>>, %arg14: memref<128x128xf32, #tpu.memory_space<vmem>>, %arg15: memref<!tpu.dma_semaphore, #tpu.memory_space<semaphore_mem>>, %arg16: memref<10240x128xf32, #tpu.memory_space<vmem_shared>>, %arg17: memref<10240xf32, #tpu.memory_space<vmem_shared>>) attributes {dimension_semantics = [#tpu.dimension_semantics<core_parallel>, #tpu.dimension_semantics<subcore_parallel>], iteration_bounds = array<i64: 2, 16>, scalar_prefetch = 0 : i64, scratch_operands = 9 : i64, tpu.core_type = #tpu.core_type<sc_vector_subcore>, window_params = [{transform_indices = #map}, {transform_indices = #map1}, {transform_indices = #map1}, {transform_indices = #map1}, {transform_indices = #map1}, {transform_indices = #map}, {transform_indices = #map1}]} {
    %mul3A = arith.constant 16 : i32
    %mul3A_0 = arith.muli %arg0, %mul3A : i32
    %add3A = arith.addi %mul3A_0, %arg1 : i32
    %scan3A = arith.constant 0 : i32
    %scan3A_1 = arith.constant 0 : i32
    %scan3A_2 = arith.constant 128 : i32
    %scan3A_3 = arith.addi %scan3A_1, %scan3A_2 : i32
    %scan3A_4 = arith.constant 1 : i32
    %scan3A_5 = scf.for %scan3A_99 = %scan3A_1 to %scan3A_3 step %scan3A_4 iter_args(%scan3A_100 = %scan3A) -> (i32)  : i32 {
      %broadcast_in_dim3A_101 = arith.constant 0.000000e+00 : f32
      %broadcast_in_dim3A_102 = vector.broadcast %broadcast_in_dim3A_101 : f32 to vector<16xf32>
      %swap3A_103 = arith.index_cast %scan3A_99 : i32 to index
      %swap3A_104 = arith.constant 0 : index
      %swap3A_105 = tpu.vector_load %arg14[%swap3A_103, %swap3A_104] {strides = array<i32>} : memref<128x128xf32, #tpu.memory_space<vmem>>, vector<16xf32>,
      tpu.vector_store %arg14[%swap3A_103, %swap3A_104], %broadcast_in_dim3A_102 {strides = array<i32>} : memref<128x128xf32, #tpu.memory_space<vmem>>, vector<16xf32>,
      %broadcast_in_dim3A_106 = arith.constant 0.000000e+00 : f32
      %broadcast_in_dim3A_107 = vector.broadcast %broadcast_in_dim3A_106 : f32 to vector<16xf32>
      %swap3A_108 = arith.index_cast %scan3A_99 : i32 to index
      %swap3A_109 = arith.constant 16 : index
      %swap3A_110 = tpu.vector_load %arg14[%swap3A_108, %swap3A_109] {strides = array<i32>} : memref<128x128xf32, #tpu.memory_space<vmem>>, vector<16xf32>,
      tpu.vector_store %arg14[%swap3A_108, %swap3A_109], %broadcast_in_dim3A_107 {strides = array<i32>} : memref<128x128xf32, #tpu.memory_space<vmem>>, vector<16xf32>,
      %broadcast_in_dim3A_111 = arith.constant 0.000000e+00 : f32
      %broadcast_in_dim3A_112 = vector.broadcast %broadcast_in_dim3A_111 : f32 to vector<16xf32>
      %swap3A_113 = arith.index_cast %scan3A_99 : i32 to index
      %swap3A_114 = arith.constant 32 : index
      %swap3A_115 = tpu.vector_load %arg14[%swap3A_113, %swap3A_114] {strides = array<i32>} : memref<128x128xf32, #tpu.memory_space<vmem>>, vector<16xf32>,
      tpu.vector_store %arg14[%swap3A_113, %swap3A_114], %broadcast_in_dim3A_112 {strides = array<i32>} : memref<128x128xf32, #tpu.memory_space<vmem>>, vector<16xf32>,
      %broadcast_in_dim3A_116 = arith.constant 0.000000e+00 : f32
      %broadcast_in_dim3A_117 = vector.broadcast %broadcast_in_dim3A_116 : f32 to vector<16xf32>
      %swap3A_118 = arith.index_cast %scan3A_99 : i32 to index
      %swap3A_119 = arith.constant 48 : index
      %swap3A_120 = tpu.vector_load %arg14[%swap3A_118, %swap3A_119] {strides = array<i32>} : memref<128x128xf32, #tpu.memory_space<vmem>>, vector<16xf32>,
      tpu.vector_store %arg14[%swap3A_118, %swap3A_119], %broadcast_in_dim3A_117 {strides = array<i32>} : memref<128x128xf32, #tpu.memory_space<vmem>>, vector<16xf32>,
      %broadcast_in_dim3A_121 = arith.constant 0.000000e+00 : f32
      %broadcast_in_dim3A_122 = vector.broadcast %broadcast_in_dim3A_121 : f32 to vector<16xf32>
      %swap3A_123 = arith.index_cast %scan3A_99 : i32 to index
      %swap3A_124 = arith.constant 64 : index
      %swap3A_125 = tpu.vector_load %arg14[%swap3A_123, %swap3A_124] {strides = array<i32>} : memref<128x128xf32, #tpu.memory_space<vmem>>, vector<16xf32>,
      tpu.vector_store %arg14[%swap3A_123, %swap3A_124], %broadcast_in_dim3A_122 {strides = array<i32>} : memref<128x128xf32, #tpu.memory_space<vmem>>, vector<16xf32>,
      %broadcast_in_dim3A_126 = arith.constant 0.000000e+00 : f32
      %broadcast_in_dim3A_127 = vector.broadcast %broadcast_in_dim3A_126 : f32 to vector<16xf32>
      %swap3A_128 = arith.index_cast %scan3A_99 : i32 to index
      %swap3A_129 = arith.constant 80 : index
      %swap3A_130 = tpu.vector_load %arg14[%swap3A_128, %swap3A_129] {strides = array<i32>} : memref<128x128xf32, #tpu.memory_space<vmem>>, vector<16xf32>,
      tpu.vector_store %arg14[%swap3A_128, %swap3A_129], %broadcast_in_dim3A_127 {strides = array<i32>} : memref<128x128xf32, #tpu.memory_space<vmem>>, vector<16xf32>,
      %broadcast_in_dim3A_131 = arith.constant 0.000000e+00 : f32
      %broadcast_in_dim3A_132 = vector.broadcast %broadcast_in_dim3A_131 : f32 to vector<16xf32>
      %swap3A_133 = arith.index_cast %scan3A_99 : i32 to index
      %swap3A_134 = arith.constant 96 : index
      %swap3A_135 = tpu.vector_load %arg14[%swap3A_133, %swap3A_134] {strides = array<i32>} : memref<128x128xf32, #tpu.memory_space<vmem>>, vector<16xf32>,
      tpu.vector_store %arg14[%swap3A_133, %swap3A_134], %broadcast_in_dim3A_132 {strides = array<i32>} : memref<128x128xf32, #tpu.memory_space<vmem>>, vector<16xf32>,
      %broadcast_in_dim3A_136 = arith.constant 0.000000e+00 : f32
      %broadcast_in_dim3A_137 = vector.broadcast %broadcast_in_dim3A_136 : f32 to vector<16xf32>
      %swap3A_138 = arith.index_cast %scan3A_99 : i32 to index
      %swap3A_139 = arith.constant 112 : index
      %swap3A_140 = tpu.vector_load %arg14[%swap3A_138, %swap3A_139] {strides = array<i32>} : memref<128x128xf32, #tpu.memory_space<vmem>>, vector<16xf32>,
      tpu.vector_store %arg14[%swap3A_138, %swap3A_139], %broadcast_in_dim3A_137 {strides = array<i32>} : memref<128x128xf32, #tpu.memory_space<vmem>>, vector<16xf32>,
      %scan3A_141 = arith.constant 0 : i32
      scf.yield %scan3A_141 : i32
    }
    %scan3A_6 = arith.constant 128 : i32
    %broadcast_in_dim3A = arith.constant 0.000000e+00 : f32
    %broadcast_in_dim3A_7 = vector.broadcast %broadcast_in_dim3A : f32 to vector<16xf32>
    %swap3A = arith.constant 0 : index
    %swap3A_8 = tpu.vector_load %arg13[%swap3A] {strides = array<i32>} : memref<128xf32, #tpu.memory_space<vmem>>, vector<16xf32>,
    tpu.vector_store %arg13[%swap3A], %broadcast_in_dim3A_7 {strides = array<i32>} : memref<128xf32, #tpu.memory_space<vmem>>, vector<16xf32>,
    %broadcast_in_dim3A_9 = arith.constant 0.000000e+00 : f32
    %broadcast_in_dim3A_10 = vector.broadcast %broadcast_in_dim3A_9 : f32 to vector<16xf32>
    %swap3A_11 = arith.constant 16 : index
    %swap3A_12 = tpu.vector_load %arg13[%swap3A_11] {strides = array<i32>} : memref<128xf32, #tpu.memory_space<vmem>>, vector<16xf32>,
    tpu.vector_store %arg13[%swap3A_11], %broadcast_in_dim3A_10 {strides = array<i32>} : memref<128xf32, #tpu.memory_space<vmem>>, vector<16xf32>,
    %broadcast_in_dim3A_13 = arith.constant 0.000000e+00 : f32
    %broadcast_in_dim3A_14 = vector.broadcast %broadcast_in_dim3A_13 : f32 to vector<16xf32>
    %swap3A_15 = arith.constant 32 : index
    %swap3A_16 = tpu.vector_load %arg13[%swap3A_15] {strides = array<i32>} : memref<128xf32, #tpu.memory_space<vmem>>, vector<16xf32>,
    tpu.vector_store %arg13[%swap3A_15], %broadcast_in_dim3A_14 {strides = array<i32>} : memref<128xf32, #tpu.memory_space<vmem>>, vector<16xf32>,
    %broadcast_in_dim3A_17 = arith.constant 0.000000e+00 : f32
    %broadcast_in_dim3A_18 = vector.broadcast %broadcast_in_dim3A_17 : f32 to vector<16xf32>
    %swap3A_19 = arith.constant 48 : index
    %swap3A_20 = tpu.vector_load %arg13[%swap3A_19] {strides = array<i32>} : memref<128xf32, #tpu.memory_space<vmem>>, vector<16xf32>,
    tpu.vector_store %arg13[%swap3A_19], %broadcast_in_dim3A_18 {strides = array<i32>} : memref<128xf32, #tpu.memory_space<vmem>>, vector<16xf32>,
    %broadcast_in_dim3A_21 = arith.constant 0.000000e+00 : f32
    %broadcast_in_dim3A_22 = vector.broadcast %broadcast_in_dim3A_21 : f32 to vector<16xf32>
    %swap3A_23 = arith.constant 64 : index
    %swap3A_24 = tpu.vector_load %arg13[%swap3A_23] {strides = array<i32>} : memref<128xf32, #tpu.memory_space<vmem>>, vector<16xf32>,
    tpu.vector_store %arg13[%swap3A_23], %broadcast_in_dim3A_22 {strides = array<i32>} : memref<128xf32, #tpu.memory_space<vmem>>, vector<16xf32>,
    %broadcast_in_dim3A_25 = arith.constant 0.000000e+00 : f32
    %broadcast_in_dim3A_26 = vector.broadcast %broadcast_in_dim3A_25 : f32 to vector<16xf32>
    %swap3A_27 = arith.constant 80 : index
    %swap3A_28 = tpu.vector_load %arg13[%swap3A_27] {strides = array<i32>} : memref<128xf32, #tpu.memory_space<vmem>>, vector<16xf32>,
    tpu.vector_store %arg13[%swap3A_27], %broadcast_in_dim3A_26 {strides = array<i32>} : memref<128xf32, #tpu.memory_space<vmem>>, vector<16xf32>,
    %broadcast_in_dim3A_29 = arith.constant 0.000000e+00 : f32
    %broadcast_in_dim3A_30 = vector.broadcast %broadcast_in_dim3A_29 : f32 to vector<16xf32>
    %swap3A_31 = arith.constant 96 : index
    %swap3A_32 = tpu.vector_load %arg13[%swap3A_31] {strides = array<i32>} : memref<128xf32, #tpu.memory_space<vmem>>, vector<16xf32>,
    tpu.vector_store %arg13[%swap3A_31], %broadcast_in_dim3A_30 {strides = array<i32>} : memref<128xf32, #tpu.memory_space<vmem>>, vector<16xf32>,
    %broadcast_in_dim3A_33 = arith.constant 0.000000e+00 : f32
    %broadcast_in_dim3A_34 = vector.broadcast %broadcast_in_dim3A_33 : f32 to vector<16xf32>
    %swap3A_35 = arith.constant 112 : index
    %swap3A_36 = tpu.vector_load %arg13[%swap3A_35] {strides = array<i32>} : memref<128xf32, #tpu.memory_space<vmem>>, vector<16xf32>,
    tpu.vector_store %arg13[%swap3A_35], %broadcast_in_dim3A_34 {strides = array<i32>} : memref<128xf32, #tpu.memory_space<vmem>>, vector<16xf32>,
    %mul3A_37 = arith.constant 640 : i32
    %mul3A_38 = arith.muli %arg1, %mul3A_37 : i32
    %add3A_39 = arith.constant 0 : i32
    %add3A_40 = arith.addi %mul3A_38, %add3A_39 : i32
    "tpu.region"() ({
      %run_scoped3A = tpu.sem_alloc : memref<!tpu.dma_semaphore, #tpu.memory_space<semaphore_mem>>
      %dma_start3A = arith.constant 0 : i32
      %dma_start3A_99 = tpu.memref_slice %arg16[%add3A_40, %dma_start3A] : memref<10240x128xf32, #tpu.memory_space<vmem_shared>> -> memref<128x128xf32, #tpu.memory_space<vmem_shared>>
      %dma_start3A_100 = arith.constant 0 : i32
      %dma_start3A_101 = tpu.memref_slice %arg16[%add3A_40, %dma_start3A_100] : memref<10240x128xf32, #tpu.memory_space<vmem_shared>> -> memref<128x128xf32, #tpu.memory_space<vmem_shared>>
      tpu.enqueue_dma source(%arg14 : memref<128x128xf32, #tpu.memory_space<vmem>>) target(%dma_start3A_101 : memref<128x128xf32, #tpu.memory_space<vmem_shared>>) target_semaphore(%run_scoped3A : memref<!tpu.dma_semaphore, #tpu.memory_space<semaphore_mem>>)
      %dma_wait3A = arith.constant 0 : i32
      %dma_wait3A_102 = tpu.memref_slice %arg16[%add3A_40, %dma_wait3A] : memref<10240x128xf32, #tpu.memory_space<vmem_shared>> -> memref<128x128xf32, #tpu.memory_space<vmem_shared>>
      %dma_wait3A_103 = arith.constant 0 : i32
      %dma_wait3A_104 = tpu.memref_slice %arg16[%add3A_40, %dma_wait3A_103] : memref<10240x128xf32, #tpu.memory_space<vmem_shared>> -> memref<128x128xf32, #tpu.memory_space<vmem_shared>>
      tpu.wait_dma2 semaphore(%run_scoped3A : memref<!tpu.dma_semaphore, #tpu.memory_space<semaphore_mem>>) src(%arg14 : memref<128x128xf32, #tpu.memory_space<vmem>>) dst(%dma_wait3A_104 : memref<128x128xf32, #tpu.memory_space<vmem_shared>>)
      tpu.yield
    }) : () -> ()
    %mul3A_41 = arith.constant 640 : i32
    %mul3A_42 = arith.muli %arg1, %mul3A_41 : i32
    %add3A_43 = arith.constant 0 : i32
    %add3A_44 = arith.addi %mul3A_42, %add3A_43 : i32
    "tpu.region"() ({
      %run_scoped3A = tpu.sem_alloc : memref<!tpu.dma_semaphore, #tpu.memory_space<semaphore_mem>>
      %dma_start3A = tpu.memref_slice %arg17[%add3A_44] : memref<10240xf32, #tpu.memory_space<vmem_shared>> -> memref<128xf32, #tpu.memory_space<vmem_shared>>
      %dma_start3A_99 = tpu.memref_slice %arg17[%add3A_44] : memref<10240xf32, #tpu.memory_space<vmem_shared>> -> memref<128xf32, #tpu.memory_space<vmem_shared>>
      tpu.enqueue_dma source(%arg13 : memref<128xf32, #tpu.memory_space<vmem>>) target(%dma_start3A_99 : memref<128xf32, #tpu.memory_space<vmem_shared>>) target_semaphore(%run_scoped3A : memref<!tpu.dma_semaphore, #tpu.memory_space<semaphore_mem>>)
      %dma_wait3A = tpu.memref_slice %arg17[%add3A_44] : memref<10240xf32, #tpu.memory_space<vmem_shared>> -> memref<128xf32, #tpu.memory_space<vmem_shared>>
      %dma_wait3A_100 = tpu.memref_slice %arg17[%add3A_44] : memref<10240xf32, #tpu.memory_space<vmem_shared>> -> memref<128xf32, #tpu.memory_space<vmem_shared>>
      tpu.wait_dma2 semaphore(%run_scoped3A : memref<!tpu.dma_semaphore, #tpu.memory_space<semaphore_mem>>) src(%arg13 : memref<128xf32, #tpu.memory_space<vmem>>) dst(%dma_wait3A_100 : memref<128xf32, #tpu.memory_space<vmem_shared>>)
      tpu.yield
    }) : () -> ()
    %mul3A_45 = arith.constant 640 : i32
    %mul3A_46 = arith.muli %arg1, %mul3A_45 : i32
    %add3A_47 = arith.constant 128 : i32
    %add3A_48 = arith.addi %mul3A_46, %add3A_47 : i32
    "tpu.region"() ({
      %run_scoped3A = tpu.sem_alloc : memref<!tpu.dma_semaphore, #tpu.memory_space<semaphore_mem>>
      %dma_start3A = arith.constant 0 : i32
      %dma_start3A_99 = tpu.memref_slice %arg16[%add3A_48, %dma_start3A] : memref<10240x128xf32, #tpu.memory_space<vmem_shared>> -> memref<128x128xf32, #tpu.memory_space<vmem_shared>>
      %dma_start3A_100 = arith.constant 0 : i32
      %dma_start3A_101 = tpu.memref_slice %arg16[%add3A_48, %dma_start3A_100] : memref<10240x128xf32, #tpu.memory_space<vmem_shared>> -> memref<128x128xf32, #tpu.memory_space<vmem_shared>>
      tpu.enqueue_dma source(%arg14 : memref<128x128xf32, #tpu.memory_space<vmem>>) target(%dma_start3A_101 : memref<128x128xf32, #tpu.memory_space<vmem_shared>>) target_semaphore(%run_scoped3A : memref<!tpu.dma_semaphore, #tpu.memory_space<semaphore_mem>>)
      %dma_wait3A = arith.constant 0 : i32
      %dma_wait3A_102 = tpu.memref_slice %arg16[%add3A_48, %dma_wait3A] : memref<10240x128xf32, #tpu.memory_space<vmem_shared>> -> memref<128x128xf32, #tpu.memory_space<vmem_shared>>
      %dma_wait3A_103 = arith.constant 0 : i32
      %dma_wait3A_104 = tpu.memref_slice %arg16[%add3A_48, %dma_wait3A_103] : memref<10240x128xf32, #tpu.memory_space<vmem_shared>> -> memref<128x128xf32, #tpu.memory_space<vmem_shared>>
      tpu.wait_dma2 semaphore(%run_scoped3A : memref<!tpu.dma_semaphore, #tpu.memory_space<semaphore_mem>>) src(%arg14 : memref<128x128xf32, #tpu.memory_space<vmem>>) dst(%dma_wait3A_104 : memref<128x128xf32, #tpu.memory_space<vmem_shared>>)
      tpu.yield
    }) : () -> ()
    %mul3A_49 = arith.constant 640 : i32
    %mul3A_50 = arith.muli %arg1, %mul3A_49 : i32
    %add3A_51 = arith.constant 128 : i32
    %add3A_52 = arith.addi %mul3A_50, %add3A_51 : i32
    "tpu.region"() ({
      %run_scoped3A = tpu.sem_alloc : memref<!tpu.dma_semaphore, #tpu.memory_space<semaphore_mem>>
      %dma_start3A = tpu.memref_slice %arg17[%add3A_52] : memref<10240xf32, #tpu.memory_space<vmem_shared>> -> memref<128xf32, #tpu.memory_space<vmem_shared>>
      %dma_start3A_99 = tpu.memref_slice %arg17[%add3A_52] : memref<10240xf32, #tpu.memory_space<vmem_shared>> -> memref<128xf32, #tpu.memory_space<vmem_shared>>
      tpu.enqueue_dma source(%arg13 : memref<128xf32, #tpu.memory_space<vmem>>) target(%dma_start3A_99 : memref<128xf32, #tpu.memory_space<vmem_shared>>) target_semaphore(%run_scoped3A : memref<!tpu.dma_semaphore, #tpu.memory_space<semaphore_mem>>)
      %dma_wait3A = tpu.memref_slice %arg17[%add3A_52] : memref<10240xf32, #tpu.memory_space<vmem_shared>> -> memref<128xf32, #tpu.memory_space<vmem_shared>>
      %dma_wait3A_100 = tpu.memref_slice %arg17[%add3A_52] : memref<10240xf32, #tpu.memory_space<vmem_shared>> -> memref<128xf32, #tpu.memory_space<vmem_shared>>
      tpu.wait_dma2 semaphore(%run_scoped3A : memref<!tpu.dma_semaphore, #tpu.memory_space<semaphore_mem>>) src(%arg13 : memref<128xf32, #tpu.memory_space<vmem>>) dst(%dma_wait3A_100 : memref<128xf32, #tpu.memory_space<vmem_shared>>)
      tpu.yield
    }) : () -> ()
    %mul3A_53 = arith.constant 640 : i32
    %mul3A_54 = arith.muli %arg1, %mul3A_53 : i32
    %add3A_55 = arith.constant 256 : i32
    %add3A_56 = arith.addi %mul3A_54, %add3A_55 : i32
    "tpu.region"() ({
      %run_scoped3A = tpu.sem_alloc : memref<!tpu.dma_semaphore, #tpu.memory_space<semaphore_mem>>
      %dma_start3A = arith.constant 0 : i32
      %dma_start3A_99 = tpu.memref_slice %arg16[%add3A_56, %dma_start3A] : memref<10240x128xf32, #tpu.memory_space<vmem_shared>> -> memref<128x128xf32, #tpu.memory_space<vmem_shared>>
      %dma_start3A_100 = arith.constant 0 : i32
      %dma_start3A_101 = tpu.memref_slice %arg16[%add3A_56, %dma_start3A_100] : memref<10240x128xf32, #tpu.memory_space<vmem_shared>> -> memref<128x128xf32, #tpu.memory_space<vmem_shared>>
      tpu.enqueue_dma source(%arg14 : memref<128x128xf32, #tpu.memory_space<vmem>>) target(%dma_start3A_101 : memref<128x128xf32, #tpu.memory_space<vmem_shared>>) target_semaphore(%run_scoped3A : memref<!tpu.dma_semaphore, #tpu.memory_space<semaphore_mem>>)
      %dma_wait3A = arith.constant 0 : i32
      %dma_wait3A_102 = tpu.memref_slice %arg16[%add3A_56, %dma_wait3A] : memref<10240x128xf32, #tpu.memory_space<vmem_shared>> -> memref<128x128xf32, #tpu.memory_space<vmem_shared>>
      %dma_wait3A_103 = arith.constant 0 : i32
      %dma_wait3A_104 = tpu.memref_slice %arg16[%add3A_56, %dma_wait3A_103] : memref<10240x128xf32, #tpu.memory_space<vmem_shared>> -> memref<128x128xf32, #tpu.memory_space<vmem_shared>>
      tpu.wait_dma2 semaphore(%run_scoped3A : memref<!tpu.dma_semaphore, #tpu.memory_space<semaphore_mem>>) src(%arg14 : memref<128x128xf32, #tpu.memory_space<vmem>>) dst(%dma_wait3A_104 : memref<128x128xf32, #tpu.memory_space<vmem_shared>>)
      tpu.yield
    }) : () -> ()
    %mul3A_57 = arith.constant 640 : i32
    %mul3A_58 = arith.muli %arg1, %mul3A_57 : i32
    %add3A_59 = arith.constant 256 : i32
    %add3A_60 = arith.addi %mul3A_58, %add3A_59 : i32
    "tpu.region"() ({
      %run_scoped3A = tpu.sem_alloc : memref<!tpu.dma_semaphore, #tpu.memory_space<semaphore_mem>>
      %dma_start3A = tpu.memref_slice %arg17[%add3A_60] : memref<10240xf32, #tpu.memory_space<vmem_shared>> -> memref<128xf32, #tpu.memory_space<vmem_shared>>
      %dma_start3A_99 = tpu.memref_slice %arg17[%add3A_60] : memref<10240xf32, #tpu.memory_space<vmem_shared>> -> memref<128xf32, #tpu.memory_space<vmem_shared>>
      tpu.enqueue_dma source(%arg13 : memref<128xf32, #tpu.memory_space<vmem>>) target(%dma_start3A_99 : memref<128xf32, #tpu.memory_space<vmem_shared>>) target_semaphore(%run_scoped3A : memref<!tpu.dma_semaphore, #tpu.memory_space<semaphore_mem>>)
      %dma_wait3A = tpu.memref_slice %arg17[%add3A_60] : memref<10240xf32, #tpu.memory_space<vmem_shared>> -> memref<128xf32, #tpu.memory_space<vmem_shared>>
      %dma_wait3A_100 = tpu.memref_slice %arg17[%add3A_60] : memref<10240xf32, #tpu.memory_space<vmem_shared>> -> memref<128xf32, #tpu.memory_space<vmem_shared>>
      tpu.wait_dma2 semaphore(%run_scoped3A : memref<!tpu.dma_semaphore, #tpu.memory_space<semaphore_mem>>) src(%arg13 : memref<128xf32, #tpu.memory_space<vmem>>) dst(%dma_wait3A_100 : memref<128xf32, #tpu.memory_space<vmem_shared>>)
      tpu.yield
    }) : () -> ()
    %mul3A_61 = arith.constant 640 : i32
    %mul3A_62 = arith.muli %arg1, %mul3A_61 : i32
    %add3A_63 = arith.constant 384 : i32
    %add3A_64 = arith.addi %mul3A_62, %add3A_63 : i32
    "tpu.region"() ({
      %run_scoped3A = tpu.sem_alloc : memref<!tpu.dma_semaphore, #tpu.memory_space<semaphore_mem>>
      %dma_start3A = arith.constant 0 : i32
      %dma_start3A_99 = tpu.memref_slice %arg16[%add3A_64, %dma_start3A] : memref<10240x128xf32, #tpu.memory_space<vmem_shared>> -> memref<128x128xf32, #tpu.memory_space<vmem_shared>>
      %dma_start3A_100 = arith.constant 0 : i32
      %dma_start3A_101 = tpu.memref_slice %arg16[%add3A_64, %dma_start3A_100] : memref<10240x128xf32, #tpu.memory_space<vmem_shared>> -> memref<128x128xf32, #tpu.memory_space<vmem_shared>>
      tpu.enqueue_dma source(%arg14 : memref<128x128xf32, #tpu.memory_space<vmem>>) target(%dma_start3A_101 : memref<128x128xf32, #tpu.memory_space<vmem_shared>>) target_semaphore(%run_scoped3A : memref<!tpu.dma_semaphore, #tpu.memory_space<semaphore_mem>>)
      %dma_wait3A = arith.constant 0 : i32
      %dma_wait3A_102 = tpu.memref_slice %arg16[%add3A_64, %dma_wait3A] : memref<10240x128xf32, #tpu.memory_space<vmem_shared>> -> memref<128x128xf32, #tpu.memory_space<vmem_shared>>
      %dma_wait3A_103 = arith.constant 0 : i32
      %dma_wait3A_104 = tpu.memref_slice %arg16[%add3A_64, %dma_wait3A_103] : memref<10240x128xf32, #tpu.memory_space<vmem_shared>> -> memref<128x128xf32, #tpu.memory_space<vmem_shared>>
      tpu.wait_dma2 semaphore(%run_scoped3A : memref<!tpu.dma_semaphore, #tpu.memory_space<semaphore_mem>>) src(%arg14 : memref<128x128xf32, #tpu.memory_space<vmem>>) dst(%dma_wait3A_104 : memref<128x128xf32, #tpu.memory_space<vmem_shared>>)
      tpu.yield
    }) : () -> ()
    %mul3A_65 = arith.constant 640 : i32
    %mul3A_66 = arith.muli %arg1, %mul3A_65 : i32
    %add3A_67 = arith.constant 384 : i32
    %add3A_68 = arith.addi %mul3A_66, %add3A_67 : i32
    "tpu.region"() ({
      %run_scoped3A = tpu.sem_alloc : memref<!tpu.dma_semaphore, #tpu.memory_space<semaphore_mem>>
      %dma_start3A = tpu.memref_slice %arg17[%add3A_68] : memref<10240xf32, #tpu.memory_space<vmem_shared>> -> memref<128xf32, #tpu.memory_space<vmem_shared>>
      %dma_start3A_99 = tpu.memref_slice %arg17[%add3A_68] : memref<10240xf32, #tpu.memory_space<vmem_shared>> -> memref<128xf32, #tpu.memory_space<vmem_shared>>
      tpu.enqueue_dma source(%arg13 : memref<128xf32, #tpu.memory_space<vmem>>) target(%dma_start3A_99 : memref<128xf32, #tpu.memory_space<vmem_shared>>) target_semaphore(%run_scoped3A : memref<!tpu.dma_semaphore, #tpu.memory_space<semaphore_mem>>)
      %dma_wait3A = tpu.memref_slice %arg17[%add3A_68] : memref<10240xf32, #tpu.memory_space<vmem_shared>> -> memref<128xf32, #tpu.memory_space<vmem_shared>>
      %dma_wait3A_100 = tpu.memref_slice %arg17[%add3A_68] : memref<10240xf32, #tpu.memory_space<vmem_shared>> -> memref<128xf32, #tpu.memory_space<vmem_shared>>
      tpu.wait_dma2 semaphore(%run_scoped3A : memref<!tpu.dma_semaphore, #tpu.memory_space<semaphore_mem>>) src(%arg13 : memref<128xf32, #tpu.memory_space<vmem>>) dst(%dma_wait3A_100 : memref<128xf32, #tpu.memory_space<vmem_shared>>)
      tpu.yield
    }) : () -> ()
    %mul3A_69 = arith.constant 640 : i32
    %mul3A_70 = arith.muli %arg1, %mul3A_69 : i32
    %add3A_71 = arith.constant 512 : i32
    %add3A_72 = arith.addi %mul3A_70, %add3A_71 : i32
    "tpu.region"() ({
      %run_scoped3A = tpu.sem_alloc : memref<!tpu.dma_semaphore, #tpu.memory_space<semaphore_mem>>
      %dma_start3A = arith.constant 0 : i32
      %dma_start3A_99 = tpu.memref_slice %arg16[%add3A_72, %dma_start3A] : memref<10240x128xf32, #tpu.memory_space<vmem_shared>> -> memref<128x128xf32, #tpu.memory_space<vmem_shared>>
      %dma_start3A_100 = arith.constant 0 : i32
      %dma_start3A_101 = tpu.memref_slice %arg16[%add3A_72, %dma_start3A_100] : memref<10240x128xf32, #tpu.memory_space<vmem_shared>> -> memref<128x128xf32, #tpu.memory_space<vmem_shared>>
      tpu.enqueue_dma source(%arg14 : memref<128x128xf32, #tpu.memory_space<vmem>>) target(%dma_start3A_101 : memref<128x128xf32, #tpu.memory_space<vmem_shared>>) target_semaphore(%run_scoped3A : memref<!tpu.dma_semaphore, #tpu.memory_space<semaphore_mem>>)
      %dma_wait3A = arith.constant 0 : i32
      %dma_wait3A_102 = tpu.memref_slice %arg16[%add3A_72, %dma_wait3A] : memref<10240x128xf32, #tpu.memory_space<vmem_shared>> -> memref<128x128xf32, #tpu.memory_space<vmem_shared>>
      %dma_wait3A_103 = arith.constant 0 : i32
      %dma_wait3A_104 = tpu.memref_slice %arg16[%add3A_72, %dma_wait3A_103] : memref<10240x128xf32, #tpu.memory_space<vmem_shared>> -> memref<128x128xf32, #tpu.memory_space<vmem_shared>>
      tpu.wait_dma2 semaphore(%run_scoped3A : memref<!tpu.dma_semaphore, #tpu.memory_space<semaphore_mem>>) src(%arg14 : memref<128x128xf32, #tpu.memory_space<vmem>>) dst(%dma_wait3A_104 : memref<128x128xf32, #tpu.memory_space<vmem_shared>>)
      tpu.yield
    }) : () -> ()
    %mul3A_73 = arith.constant 640 : i32
    %mul3A_74 = arith.muli %arg1, %mul3A_73 : i32
    %add3A_75 = arith.constant 512 : i32
    %add3A_76 = arith.addi %mul3A_74, %add3A_75 : i32
    "tpu.region"() ({
      %run_scoped3A = tpu.sem_alloc : memref<!tpu.dma_semaphore, #tpu.memory_space<semaphore_mem>>
      %dma_start3A = tpu.memref_slice %arg17[%add3A_76] : memref<10240xf32, #tpu.memory_space<vmem_shared>> -> memref<128xf32, #tpu.memory_space<vmem_shared>>
      %dma_start3A_99 = tpu.memref_slice %arg17[%add3A_76] : memref<10240xf32, #tpu.memory_space<vmem_shared>> -> memref<128xf32, #tpu.memory_space<vmem_shared>>
      tpu.enqueue_dma source(%arg13 : memref<128xf32, #tpu.memory_space<vmem>>) target(%dma_start3A_99 : memref<128xf32, #tpu.memory_space<vmem_shared>>) target_semaphore(%run_scoped3A : memref<!tpu.dma_semaphore, #tpu.memory_space<semaphore_mem>>)
      %dma_wait3A = tpu.memref_slice %arg17[%add3A_76] : memref<10240xf32, #tpu.memory_space<vmem_shared>> -> memref<128xf32, #tpu.memory_space<vmem_shared>>
      %dma_wait3A_100 = tpu.memref_slice %arg17[%add3A_76] : memref<10240xf32, #tpu.memory_space<vmem_shared>> -> memref<128xf32, #tpu.memory_space<vmem_shared>>
      tpu.wait_dma2 semaphore(%run_scoped3A : memref<!tpu.dma_semaphore, #tpu.memory_space<semaphore_mem>>) src(%arg13 : memref<128xf32, #tpu.memory_space<vmem>>) dst(%dma_wait3A_100 : memref<128xf32, #tpu.memory_space<vmem_shared>>)
      tpu.yield
    }) : () -> ()
    "tpu.region"() ({
      %run_scoped3A = tpu.sem_alloc : memref<!tpu.dma_semaphore, #tpu.memory_space<semaphore_mem>>
      tpu.enqueue_dma source(%arg5 : memref<10240xf32, #tpu.memory_space<hbm>>) target(%arg9 : memref<10240xf32, #tpu.memory_space<vmem>>) target_semaphore(%run_scoped3A : memref<!tpu.dma_semaphore, #tpu.memory_space<semaphore_mem>>)
      tpu.wait_dma2 semaphore(%run_scoped3A : memref<!tpu.dma_semaphore, #tpu.memory_space<semaphore_mem>>) src(%arg5 : memref<10240xf32, #tpu.memory_space<hbm>>) dst(%arg9 : memref<10240xf32, #tpu.memory_space<vmem>>)
      tpu.yield
    }) : () -> ()
    "tpu.region"() ({
      %run_scoped3A = tpu.sem_alloc : memref<!tpu.dma_semaphore, #tpu.memory_space<semaphore_mem>>
      tpu.enqueue_dma source(%arg6 : memref<10240xf32, #tpu.memory_space<hbm>>) target(%arg10 : memref<10240xf32, #tpu.memory_space<vmem>>) target_semaphore(%run_scoped3A : memref<!tpu.dma_semaphore, #tpu.memory_space<semaphore_mem>>)
      tpu.wait_dma2 semaphore(%run_scoped3A : memref<!tpu.dma_semaphore, #tpu.memory_space<semaphore_mem>>) src(%arg6 : memref<10240xf32, #tpu.memory_space<hbm>>) dst(%arg10 : memref<10240xf32, #tpu.memory_space<vmem>>)
      tpu.yield
    }) : () -> ()
    %barrier3A = arith.constant 0 : index
    tpu.barrier barrier_id(%barrier3A)
    %scan3A_77 = arith.constant 0 : i32
    %scan3A_78 = arith.constant 0 : i32
    %scan3A_79 = arith.constant 81 : i32
    %scan3A_80 = arith.addi %scan3A_78, %scan3A_79 : i32
    %scan3A_81 = arith.constant 1 : i32
    %scan3A_82 = scf.for %scan3A_99 = %scan3A_78 to %scan3A_80 step %scan3A_81 iter_args(%scan3A_100 = %scan3A_77) -> (i32)  : i32 {
      %mul3A_101 = arith.constant 81 : i32
      %mul3A_102 = arith.muli %add3A, %mul3A_101 : i32
      %add3A_103 = arith.addi %mul3A_102, %scan3A_99 : i32
      %mul3A_104 = arith.constant 128 : i32
      %mul3A_105 = arith.muli %add3A_103, %mul3A_104 : i32
      "tpu.region"() ({
        %run_scoped3A = tpu.sem_alloc : memref<!tpu.dma_semaphore, #tpu.memory_space<semaphore_mem>>
        %dma_start3A_226 = tpu.memref_slice %arg3[%mul3A_105] : memref<331776xi32, #tpu.memory_space<hbm>> -> memref<128xi32, #tpu.memory_space<hbm>>
        %dma_start3A_227 = tpu.memref_slice %arg3[%mul3A_105] : memref<331776xi32, #tpu.memory_space<hbm>> -> memref<128xi32, #tpu.memory_space<hbm>>
        tpu.enqueue_dma source(%dma_start3A_227 : memref<128xi32, #tpu.memory_space<hbm>>) target(%arg11 : memref<128xi32, #tpu.memory_space<vmem>>) target_semaphore(%run_scoped3A : memref<!tpu.dma_semaphore, #tpu.memory_space<semaphore_mem>>)
        %dma_wait3A_228 = tpu.memref_slice %arg3[%mul3A_105] : memref<331776xi32, #tpu.memory_space<hbm>> -> memref<128xi32, #tpu.memory_space<hbm>>
        %dma_wait3A_229 = tpu.memref_slice %arg3[%mul3A_105] : memref<331776xi32, #tpu.memory_space<hbm>> -> memref<128xi32, #tpu.memory_space<hbm>>
        tpu.wait_dma2 semaphore(%run_scoped3A : memref<!tpu.dma_semaphore, #tpu.memory_space<semaphore_mem>>) src(%dma_wait3A_229 : memref<128xi32, #tpu.memory_space<hbm>>) dst(%arg11 : memref<128xi32, #tpu.memory_space<vmem>>)
        tpu.yield
      }) : () -> ()
      "tpu.region"() ({
        %run_scoped3A = tpu.sem_alloc : memref<!tpu.dma_semaphore, #tpu.memory_space<semaphore_mem>>
        %dma_start3A_226 = tpu.memref_slice %arg4[%mul3A_105] : memref<331776xi32, #tpu.memory_space<hbm>> -> memref<128xi32, #tpu.memory_space<hbm>>
        %dma_start3A_227 = tpu.memref_slice %arg4[%mul3A_105] : memref<331776xi32, #tpu.memory_space<hbm>> -> memref<128xi32, #tpu.memory_space<hbm>>
        tpu.enqueue_dma source(%dma_start3A_227 : memref<128xi32, #tpu.memory_space<hbm>>) target(%arg12 : memref<128xi32, #tpu.memory_space<vmem>>) target_semaphore(%run_scoped3A : memref<!tpu.dma_semaphore, #tpu.memory_space<semaphore_mem>>)
        %dma_wait3A_228 = tpu.memref_slice %arg4[%mul3A_105] : memref<331776xi32, #tpu.memory_space<hbm>> -> memref<128xi32, #tpu.memory_space<hbm>>
        %dma_wait3A_229 = tpu.memref_slice %arg4[%mul3A_105] : memref<331776xi32, #tpu.memory_space<hbm>> -> memref<128xi32, #tpu.memory_space<hbm>>
        tpu.wait_dma2 semaphore(%run_scoped3A : memref<!tpu.dma_semaphore, #tpu.memory_space<semaphore_mem>>) src(%dma_wait3A_229 : memref<128xi32, #tpu.memory_space<hbm>>) dst(%arg12 : memref<128xi32, #tpu.memory_space<vmem>>)
        tpu.yield
      }) : () -> ()
      %dma_start3A = arith.constant 0 : i32
      %dma_start3A_106 = arith.constant 0 : i32
      %dma_start3A_107 = tpu.memref_slice %arg2[%dma_start3A, %dma_start3A_106] : memref<10240x128xf32, #tpu.memory_space<hbm>> -> memref<10240x128xf32, #tpu.memory_space<hbm>>
      tpu.enqueue_indirect_dma source(%dma_start3A_107 : memref<10240x128xf32, #tpu.memory_space<hbm>>) target(%arg14 : memref<128x128xf32, #tpu.memory_space<vmem>>) offsets(%arg11 : memref<128xi32, #tpu.memory_space<vmem>>) semaphore(%arg15 : memref<!tpu.dma_semaphore, #tpu.memory_space<semaphore_mem>>)
      %get3A = arith.constant 0 : index
      %get3A_108 = tpu.vector_load %arg11[%get3A] {strides = array<i32>} : memref<128xi32, #tpu.memory_space<vmem>>, vector<16xi32>,
      %get3A_109 = arith.constant 0 : index
      %get3A_110 = tpu.vector_load %arg12[%get3A_109] {strides = array<i32>} : memref<128xi32, #tpu.memory_space<vmem>>, vector<16xi32>,
      %gather3A = tpu.vector_load_idx %arg9[%get3A_108] : memref<10240xf32, #tpu.memory_space<vmem>>[vector<16xi32>], vector<16xf32>,
      %gather3A_111 = tpu.vector_load_idx %arg10[%get3A_110] : memref<10240xf32, #tpu.memory_space<vmem>>[vector<16xi32>], vector<16xf32>,
      %add3A_112 = arith.addf %gather3A, %gather3A_111 : vector<16xf32>
      %mul3A_113 = arith.constant 2.000000e-01 : f32
      %mul3A_114 = vector.broadcast %mul3A_113 : f32 to vector<16xf32>
      %mul3A_115 = arith.mulf %mul3A_114, %add3A_112 : vector<16xf32>
      %max3A = arith.maximumf %add3A_112, %mul3A_115 : vector<16xf32>
      %exp3A = math.exp %max3A : vector<16xf32>
      %swap3A_116 = arith.constant 0 : index
      %swap3A_117 = tpu.vector_load %arg13[%swap3A_116] {strides = array<i32>} : memref<128xf32, #tpu.memory_space<vmem>>, vector<16xf32>,
      tpu.vector_store %arg13[%swap3A_116], %exp3A {strides = array<i32>} : memref<128xf32, #tpu.memory_space<vmem>>, vector<16xf32>,
      %get3A_118 = arith.constant 16 : index
      %get3A_119 = tpu.vector_load %arg11[%get3A_118] {strides = array<i32>} : memref<128xi32, #tpu.memory_space<vmem>>, vector<16xi32>,
      %get3A_120 = arith.constant 16 : index
      %get3A_121 = tpu.vector_load %arg12[%get3A_120] {strides = array<i32>} : memref<128xi32, #tpu.memory_space<vmem>>, vector<16xi32>,
      %gather3A_122 = tpu.vector_load_idx %arg9[%get3A_119] : memref<10240xf32, #tpu.memory_space<vmem>>[vector<16xi32>], vector<16xf32>,
      %gather3A_123 = tpu.vector_load_idx %arg10[%get3A_121] : memref<10240xf32, #tpu.memory_space<vmem>>[vector<16xi32>], vector<16xf32>,
      %add3A_124 = arith.addf %gather3A_122, %gather3A_123 : vector<16xf32>
      %mul3A_125 = arith.constant 2.000000e-01 : f32
      %mul3A_126 = vector.broadcast %mul3A_125 : f32 to vector<16xf32>
      %mul3A_127 = arith.mulf %mul3A_126, %add3A_124 : vector<16xf32>
      %max3A_128 = arith.maximumf %add3A_124, %mul3A_127 : vector<16xf32>
      %exp3A_129 = math.exp %max3A_128 : vector<16xf32>
      %swap3A_130 = arith.constant 16 : index
      %swap3A_131 = tpu.vector_load %arg13[%swap3A_130] {strides = array<i32>} : memref<128xf32, #tpu.memory_space<vmem>>, vector<16xf32>,
      tpu.vector_store %arg13[%swap3A_130], %exp3A_129 {strides = array<i32>} : memref<128xf32, #tpu.memory_space<vmem>>, vector<16xf32>,
      %get3A_132 = arith.constant 32 : index
      %get3A_133 = tpu.vector_load %arg11[%get3A_132] {strides = array<i32>} : memref<128xi32, #tpu.memory_space<vmem>>, vector<16xi32>,
      %get3A_134 = arith.constant 32 : index
      %get3A_135 = tpu.vector_load %arg12[%get3A_134] {strides = array<i32>} : memref<128xi32, #tpu.memory_space<vmem>>, vector<16xi32>,
      %gather3A_136 = tpu.vector_load_idx %arg9[%get3A_133] : memref<10240xf32, #tpu.memory_space<vmem>>[vector<16xi32>], vector<16xf32>,
      %gather3A_137 = tpu.vector_load_idx %arg10[%get3A_135] : memref<10240xf32, #tpu.memory_space<vmem>>[vector<16xi32>], vector<16xf32>,
      %add3A_138 = arith.addf %gather3A_136, %gather3A_137 : vector<16xf32>
      %mul3A_139 = arith.constant 2.000000e-01 : f32
      %mul3A_140 = vector.broadcast %mul3A_139 : f32 to vector<16xf32>
      %mul3A_141 = arith.mulf %mul3A_140, %add3A_138 : vector<16xf32>
      %max3A_142 = arith.maximumf %add3A_138, %mul3A_141 : vector<16xf32>
      %exp3A_143 = math.exp %max3A_142 : vector<16xf32>
      %swap3A_144 = arith.constant 32 : index
      %swap3A_145 = tpu.vector_load %arg13[%swap3A_144] {strides = array<i32>} : memref<128xf32, #tpu.memory_space<vmem>>, vector<16xf32>,
      tpu.vector_store %arg13[%swap3A_144], %exp3A_143 {strides = array<i32>} : memref<128xf32, #tpu.memory_space<vmem>>, vector<16xf32>,
      %get3A_146 = arith.constant 48 : index
      %get3A_147 = tpu.vector_load %arg11[%get3A_146] {strides = array<i32>} : memref<128xi32, #tpu.memory_space<vmem>>, vector<16xi32>,
      %get3A_148 = arith.constant 48 : index
      %get3A_149 = tpu.vector_load %arg12[%get3A_148] {strides = array<i32>} : memref<128xi32, #tpu.memory_space<vmem>>, vector<16xi32>,
      %gather3A_150 = tpu.vector_load_idx %arg9[%get3A_147] : memref<10240xf32, #tpu.memory_space<vmem>>[vector<16xi32>], vector<16xf32>,
      %gather3A_151 = tpu.vector_load_idx %arg10[%get3A_149] : memref<10240xf32, #tpu.memory_space<vmem>>[vector<16xi32>], vector<16xf32>,
      %add3A_152 = arith.addf %gather3A_150, %gather3A_151 : vector<16xf32>
      %mul3A_153 = arith.constant 2.000000e-01 : f32
      %mul3A_154 = vector.broadcast %mul3A_153 : f32 to vector<16xf32>
      %mul3A_155 = arith.mulf %mul3A_154, %add3A_152 : vector<16xf32>
      %max3A_156 = arith.maximumf %add3A_152, %mul3A_155 : vector<16xf32>
      %exp3A_157 = math.exp %max3A_156 : vector<16xf32>
      %swap3A_158 = arith.constant 48 : index
      %swap3A_159 = tpu.vector_load %arg13[%swap3A_158] {strides = array<i32>} : memref<128xf32, #tpu.memory_space<vmem>>, vector<16xf32>,
      tpu.vector_store %arg13[%swap3A_158], %exp3A_157 {strides = array<i32>} : memref<128xf32, #tpu.memory_space<vmem>>, vector<16xf32>,
      %get3A_160 = arith.constant 64 : index
      %get3A_161 = tpu.vector_load %arg11[%get3A_160] {strides = array<i32>} : memref<128xi32, #tpu.memory_space<vmem>>, vector<16xi32>,
      %get3A_162 = arith.constant 64 : index
      %get3A_163 = tpu.vector_load %arg12[%get3A_162] {strides = array<i32>} : memref<128xi32, #tpu.memory_space<vmem>>, vector<16xi32>,
      %gather3A_164 = tpu.vector_load_idx %arg9[%get3A_161] : memref<10240xf32, #tpu.memory_space<vmem>>[vector<16xi32>], vector<16xf32>,
      %gather3A_165 = tpu.vector_load_idx %arg10[%get3A_163] : memref<10240xf32, #tpu.memory_space<vmem>>[vector<16xi32>], vector<16xf32>,
      %add3A_166 = arith.addf %gather3A_164, %gather3A_165 : vector<16xf32>
      %mul3A_167 = arith.constant 2.000000e-01 : f32
      %mul3A_168 = vector.broadcast %mul3A_167 : f32 to vector<16xf32>
      %mul3A_169 = arith.mulf %mul3A_168, %add3A_166 : vector<16xf32>
      %max3A_170 = arith.maximumf %add3A_166, %mul3A_169 : vector<16xf32>
      %exp3A_171 = math.exp %max3A_170 : vector<16xf32>
      %swap3A_172 = arith.constant 64 : index
      %swap3A_173 = tpu.vector_load %arg13[%swap3A_172] {strides = array<i32>} : memref<128xf32, #tpu.memory_space<vmem>>, vector<16xf32>,
      tpu.vector_store %arg13[%swap3A_172], %exp3A_171 {strides = array<i32>} : memref<128xf32, #tpu.memory_space<vmem>>, vector<16xf32>,
      %get3A_174 = arith.constant 80 : index
      %get3A_175 = tpu.vector_load %arg11[%get3A_174] {strides = array<i32>} : memref<128xi32, #tpu.memory_space<vmem>>, vector<16xi32>,
      %get3A_176 = arith.constant 80 : index
      %get3A_177 = tpu.vector_load %arg12[%get3A_176] {strides = array<i32>} : memref<128xi32, #tpu.memory_space<vmem>>, vector<16xi32>,
      %gather3A_178 = tpu.vector_load_idx %arg9[%get3A_175] : memref<10240xf32, #tpu.memory_space<vmem>>[vector<16xi32>], vector<16xf32>,
      %gather3A_179 = tpu.vector_load_idx %arg10[%get3A_177] : memref<10240xf32, #tpu.memory_space<vmem>>[vector<16xi32>], vector<16xf32>,
      %add3A_180 = arith.addf %gather3A_178, %gather3A_179 : vector<16xf32>
      %mul3A_181 = arith.constant 2.000000e-01 : f32
      %mul3A_182 = vector.broadcast %mul3A_181 : f32 to vector<16xf32>
      %mul3A_183 = arith.mulf %mul3A_182, %add3A_180 : vector<16xf32>
      %max3A_184 = arith.maximumf %add3A_180, %mul3A_183 : vector<16xf32>
      %exp3A_185 = math.exp %max3A_184 : vector<16xf32>
      %swap3A_186 = arith.constant 80 : index
      %swap3A_187 = tpu.vector_load %arg13[%swap3A_186] {strides = array<i32>} : memref<128xf32, #tpu.memory_space<vmem>>, vector<16xf32>,
      tpu.vector_store %arg13[%swap3A_186], %exp3A_185 {strides = array<i32>} : memref<128xf32, #tpu.memory_space<vmem>>, vector<16xf32>,
      %get3A_188 = arith.constant 96 : index
      %get3A_189 = tpu.vector_load %arg11[%get3A_188] {strides = array<i32>} : memref<128xi32, #tpu.memory_space<vmem>>, vector<16xi32>,
      %get3A_190 = arith.constant 96 : index
      %get3A_191 = tpu.vector_load %arg12[%get3A_190] {strides = array<i32>} : memref<128xi32, #tpu.memory_space<vmem>>, vector<16xi32>,
      %gather3A_192 = tpu.vector_load_idx %arg9[%get3A_189] : memref<10240xf32, #tpu.memory_space<vmem>>[vector<16xi32>], vector<16xf32>,
      %gather3A_193 = tpu.vector_load_idx %arg10[%get3A_191] : memref<10240xf32, #tpu.memory_space<vmem>>[vector<16xi32>], vector<16xf32>,
      %add3A_194 = arith.addf %gather3A_192, %gather3A_193 : vector<16xf32>
      %mul3A_195 = arith.constant 2.000000e-01 : f32
      %mul3A_196 = vector.broadcast %mul3A_195 : f32 to vector<16xf32>
      %mul3A_197 = arith.mulf %mul3A_196, %add3A_194 : vector<16xf32>
      %max3A_198 = arith.maximumf %add3A_194, %mul3A_197 : vector<16xf32>
      %exp3A_199 = math.exp %max3A_198 : vector<16xf32>
      %swap3A_200 = arith.constant 96 : index
      %swap3A_201 = tpu.vector_load %arg13[%swap3A_200] {strides = array<i32>} : memref<128xf32, #tpu.memory_space<vmem>>, vector<16xf32>,
      tpu.vector_store %arg13[%swap3A_200], %exp3A_199 {strides = array<i32>} : memref<128xf32, #tpu.memory_space<vmem>>, vector<16xf32>,
      %get3A_202 = arith.constant 112 : index
      %get3A_203 = tpu.vector_load %arg11[%get3A_202] {strides = array<i32>} : memref<128xi32, #tpu.memory_space<vmem>>, vector<16xi32>,
      %get3A_204 = arith.constant 112 : index
      %get3A_205 = tpu.vector_load %arg12[%get3A_204] {strides = array<i32>} : memref<128xi32, #tpu.memory_space<vmem>>, vector<16xi32>,
      %gather3A_206 = tpu.vector_load_idx %arg9[%get3A_203] : memref<10240xf32, #tpu.memory_space<vmem>>[vector<16xi32>], vector<16xf32>,
      %gather3A_207 = tpu.vector_load_idx %arg10[%get3A_205] : memref<10240xf32, #tpu.memory_space<vmem>>[vector<16xi32>], vector<16xf32>,
      %add3A_208 = arith.addf %gather3A_206, %gather3A_207 : vector<16xf32>
      %mul3A_209 = arith.constant 2.000000e-01 : f32
      %mul3A_210 = vector.broadcast %mul3A_209 : f32 to vector<16xf32>
      %mul3A_211 = arith.mulf %mul3A_210, %add3A_208 : vector<16xf32>
      %max3A_212 = arith.maximumf %add3A_208, %mul3A_211 : vector<16xf32>
      %exp3A_213 = math.exp %max3A_212 : vector<16xf32>
      %swap3A_214 = arith.constant 112 : index
      %swap3A_215 = tpu.vector_load %arg13[%swap3A_214] {strides = array<i32>} : memref<128xf32, #tpu.memory_space<vmem>>, vector<16xf32>,
      tpu.vector_store %arg13[%swap3A_214], %exp3A_213 {strides = array<i32>} : memref<128xf32, #tpu.memory_space<vmem>>, vector<16xf32>,
      %dma_wait3A = arith.constant 0 : i32
      %dma_wait3A_216 = arith.constant 0 : i32
      %dma_wait3A_217 = tpu.memref_slice %arg2[%dma_wait3A, %dma_wait3A_216] : memref<10240x128xf32, #tpu.memory_space<hbm>> -> memref<10240x128xf32, #tpu.memory_space<hbm>>
      tpu.wait_indirect_dma semaphore(%arg15 : memref<!tpu.dma_semaphore, #tpu.memory_space<semaphore_mem>>) src(%dma_wait3A_217 : memref<10240x128xf32, #tpu.memory_space<hbm>>) dst(%arg14 : memref<128x128xf32, #tpu.memory_space<vmem>>)
      %scan3A_218 = arith.constant 0 : i32
      %scan3A_219 = arith.constant 0 : i32
      %scan3A_220 = arith.constant 32 : i32
      %scan3A_221 = arith.addi %scan3A_219, %scan3A_220 : i32
      %scan3A_222 = arith.constant 1 : i32
      %scan3A_223 = scf.for %scan3A_226 = %scan3A_219 to %scan3A_221 step %scan3A_222 iter_args(%scan3A_227 = %scan3A_218) -> (i32)  : i32 {
        %mul3A_228 = arith.constant 4 : i32
        %mul3A_229 = arith.muli %scan3A_226, %mul3A_228 : i32
        %add3A_230 = arith.constant 0 : i32
        %add3A_231 = arith.addi %mul3A_229, %add3A_230 : i32
        %broadcast_in_dim3A_232 = vector.broadcast %add3A_231 : i32 to vector<16xi32>
        %gather3A_233 = tpu.vector_load_idx %arg13[%broadcast_in_dim3A_232] : memref<128xf32, #tpu.memory_space<vmem>>[vector<16xi32>], vector<16xf32>,
        %get3A_234 = arith.index_cast %add3A_231 : i32 to index
        %get3A_235 = arith.constant 0 : index
        %get3A_236 = tpu.vector_load %arg14[%get3A_234, %get3A_235] {strides = array<i32>} : memref<128x128xf32, #tpu.memory_space<vmem>>, vector<16xf32>,
        %mul3A_237 = arith.mulf %get3A_236, %gather3A_233 : vector<16xf32>
        %swap3A_238 = arith.index_cast %add3A_231 : i32 to index
        %swap3A_239 = arith.constant 0 : index
        %swap3A_240 = tpu.vector_load %arg14[%swap3A_238, %swap3A_239] {strides = array<i32>} : memref<128x128xf32, #tpu.memory_space<vmem>>, vector<16xf32>,
        tpu.vector_store %arg14[%swap3A_238, %swap3A_239], %mul3A_237 {strides = array<i32>} : memref<128x128xf32, #tpu.memory_space<vmem>>, vector<16xf32>,
        %get3A_241 = arith.index_cast %add3A_231 : i32 to index
        %get3A_242 = arith.constant 16 : index
        %get3A_243 = tpu.vector_load %arg14[%get3A_241, %get3A_242] {strides = array<i32>} : memref<128x128xf32, #tpu.memory_space<vmem>>, vector<16xf32>,
        %mul3A_244 = arith.mulf %get3A_243, %gather3A_233 : vector<16xf32>
        %swap3A_245 = arith.index_cast %add3A_231 : i32 to index
        %swap3A_246 = arith.constant 16 : index
        %swap3A_247 = tpu.vector_load %arg14[%swap3A_245, %swap3A_246] {strides = array<i32>} : memref<128x128xf32, #tpu.memory_space<vmem>>, vector<16xf32>,
        tpu.vector_store %arg14[%swap3A_245, %swap3A_246], %mul3A_244 {strides = array<i32>} : memref<128x128xf32, #tpu.memory_space<vmem>>, vector<16xf32>,
        %get3A_248 = arith.index_cast %add3A_231 : i32 to index
        %get3A_249 = arith.constant 32 : index
        %get3A_250 = tpu.vector_load %arg14[%get3A_248, %get3A_249] {strides = array<i32>} : memref<128x128xf32, #tpu.memory_space<vmem>>, vector<16xf32>,
        %mul3A_251 = arith.mulf %get3A_250, %gather3A_233 : vector<16xf32>
        %swap3A_252 = arith.index_cast %add3A_231 : i32 to index
        %swap3A_253 = arith.constant 32 : index
        %swap3A_254 = tpu.vector_load %arg14[%swap3A_252, %swap3A_253] {strides = array<i32>} : memref<128x128xf32, #tpu.memory_space<vmem>>, vector<16xf32>,
        tpu.vector_store %arg14[%swap3A_252, %swap3A_253], %mul3A_251 {strides = array<i32>} : memref<128x128xf32, #tpu.memory_space<vmem>>, vector<16xf32>,
        %get3A_255 = arith.index_cast %add3A_231 : i32 to index
        %get3A_256 = arith.constant 48 : index
        %get3A_257 = tpu.vector_load %arg14[%get3A_255, %get3A_256] {strides = array<i32>} : memref<128x128xf32, #tpu.memory_space<vmem>>, vector<16xf32>,
        %mul3A_258 = arith.mulf %get3A_257, %gather3A_233 : vector<16xf32>
        %swap3A_259 = arith.index_cast %add3A_231 : i32 to index
        %swap3A_260 = arith.constant 48 : index
        %swap3A_261 = tpu.vector_load %arg14[%swap3A_259, %swap3A_260] {strides = array<i32>} : memref<128x128xf32, #tpu.memory_space<vmem>>, vector<16xf32>,
        tpu.vector_store %arg14[%swap3A_259, %swap3A_260], %mul3A_258 {strides = array<i32>} : memref<128x128xf32, #tpu.memory_space<vmem>>, vector<16xf32>,
        %get3A_262 = arith.index_cast %add3A_231 : i32 to index
        %get3A_263 = arith.constant 64 : index
        %get3A_264 = tpu.vector_load %arg14[%get3A_262, %get3A_263] {strides = array<i32>} : memref<128x128xf32, #tpu.memory_space<vmem>>, vector<16xf32>,
        %mul3A_265 = arith.mulf %get3A_264, %gather3A_233 : vector<16xf32>
        %swap3A_266 = arith.index_cast %add3A_231 : i32 to index
        %swap3A_267 = arith.constant 64 : index
        %swap3A_268 = tpu.vector_load %arg14[%swap3A_266, %swap3A_267] {strides = array<i32>} : memref<128x128xf32, #tpu.memory_space<vmem>>, vector<16xf32>,
        tpu.vector_store %arg14[%swap3A_266, %swap3A_267], %mul3A_265 {strides = array<i32>} : memref<128x128xf32, #tpu.memory_space<vmem>>, vector<16xf32>,
        %get3A_269 = arith.index_cast %add3A_231 : i32 to index
        %get3A_270 = arith.constant 80 : index
        %get3A_271 = tpu.vector_load %arg14[%get3A_269, %get3A_270] {strides = array<i32>} : memref<128x128xf32, #tpu.memory_space<vmem>>, vector<16xf32>,
        %mul3A_272 = arith.mulf %get3A_271, %gather3A_233 : vector<16xf32>
        %swap3A_273 = arith.index_cast %add3A_231 : i32 to index
        %swap3A_274 = arith.constant 80 : index
        %swap3A_275 = tpu.vector_load %arg14[%swap3A_273, %swap3A_274] {strides = array<i32>} : memref<128x128xf32, #tpu.memory_space<vmem>>, vector<16xf32>,
        tpu.vector_store %arg14[%swap3A_273, %swap3A_274], %mul3A_272 {strides = array<i32>} : memref<128x128xf32, #tpu.memory_space<vmem>>, vector<16xf32>,
        %get3A_276 = arith.index_cast %add3A_231 : i32 to index
        %get3A_277 = arith.constant 96 : index
        %get3A_278 = tpu.vector_load %arg14[%get3A_276, %get3A_277] {strides = array<i32>} : memref<128x128xf32, #tpu.memory_space<vmem>>, vector<16xf32>,
        %mul3A_279 = arith.mulf %get3A_278, %gather3A_233 : vector<16xf32>
        %swap3A_280 = arith.index_cast %add3A_231 : i32 to index
        %swap3A_281 = arith.constant 96 : index
        %swap3A_282 = tpu.vector_load %arg14[%swap3A_280, %swap3A_281] {strides = array<i32>} : memref<128x128xf32, #tpu.memory_space<vmem>>, vector<16xf32>,
        tpu.vector_store %arg14[%swap3A_280, %swap3A_281], %mul3A_279 {strides = array<i32>} : memref<128x128xf32, #tpu.memory_space<vmem>>, vector<16xf32>,
        %get3A_283 = arith.index_cast %add3A_231 : i32 to index
        %get3A_284 = arith.constant 112 : index
        %get3A_285 = tpu.vector_load %arg14[%get3A_283, %get3A_284] {strides = array<i32>} : memref<128x128xf32, #tpu.memory_space<vmem>>, vector<16xf32>,
        %mul3A_286 = arith.mulf %get3A_285, %gather3A_233 : vector<16xf32>
        %swap3A_287 = arith.index_cast %add3A_231 : i32 to index
        %swap3A_288 = arith.constant 112 : index
        %swap3A_289 = tpu.vector_load %arg14[%swap3A_287, %swap3A_288] {strides = array<i32>} : memref<128x128xf32, #tpu.memory_space<vmem>>, vector<16xf32>,
        tpu.vector_store %arg14[%swap3A_287, %swap3A_288], %mul3A_286 {strides = array<i32>} : memref<128x128xf32, #tpu.memory_space<vmem>>, vector<16xf32>,
        %mul3A_290 = arith.constant 4 : i32
        %mul3A_291 = arith.muli %scan3A_226, %mul3A_290 : i32
        %add3A_292 = arith.constant 1 : i32
        %add3A_293 = arith.addi %mul3A_291, %add3A_292 : i32
        %broadcast_in_dim3A_294 = vector.broadcast %add3A_293 : i32 to vector<16xi32>
        %gather3A_295 = tpu.vector_load_idx %arg13[%broadcast_in_dim3A_294] : memref<128xf32, #tpu.memory_space<vmem>>[vector<16xi32>], vector<16xf32>,
        %get3A_296 = arith.index_cast %add3A_293 : i32 to index
        %get3A_297 = arith.constant 0 : index
        %get3A_298 = tpu.vector_load %arg14[%get3A_296, %get3A_297] {strides = array<i32>} : memref<128x128xf32, #tpu.memory_space<vmem>>, vector<16xf32>,
        %mul3A_299 = arith.mulf %get3A_298, %gather3A_295 : vector<16xf32>
        %swap3A_300 = arith.index_cast %add3A_293 : i32 to index
        %swap3A_301 = arith.constant 0 : index
        %swap3A_302 = tpu.vector_load %arg14[%swap3A_300, %swap3A_301] {strides = array<i32>} : memref<128x128xf32, #tpu.memory_space<vmem>>, vector<16xf32>,
        tpu.vector_store %arg14[%swap3A_300, %swap3A_301], %mul3A_299 {strides = array<i32>} : memref<128x128xf32, #tpu.memory_space<vmem>>, vector<16xf32>,
        %get3A_303 = arith.index_cast %add3A_293 : i32 to index
        %get3A_304 = arith.constant 16 : index
        %get3A_305 = tpu.vector_load %arg14[%get3A_303, %get3A_304] {strides = array<i32>} : memref<128x128xf32, #tpu.memory_space<vmem>>, vector<16xf32>,
        %mul3A_306 = arith.mulf %get3A_305, %gather3A_295 : vector<16xf32>
        %swap3A_307 = arith.index_cast %add3A_293 : i32 to index
        %swap3A_308 = arith.constant 16 : index
        %swap3A_309 = tpu.vector_load %arg14[%swap3A_307, %swap3A_308] {strides = array<i32>} : memref<128x128xf32, #tpu.memory_space<vmem>>, vector<16xf32>,
        tpu.vector_store %arg14[%swap3A_307, %swap3A_308], %mul3A_306 {strides = array<i32>} : memref<128x128xf32, #tpu.memory_space<vmem>>, vector<16xf32>,
        %get3A_310 = arith.index_cast %add3A_293 : i32 to index
        %get3A_311 = arith.constant 32 : index
        %get3A_312 = tpu.vector_load %arg14[%get3A_310, %get3A_311] {strides = array<i32>} : memref<128x128xf32, #tpu.memory_space<vmem>>, vector<16xf32>,
        %mul3A_313 = arith.mulf %get3A_312, %gather3A_295 : vector<16xf32>
        %swap3A_314 = arith.index_cast %add3A_293 : i32 to index
        %swap3A_315 = arith.constant 32 : index
        %swap3A_316 = tpu.vector_load %arg14[%swap3A_314, %swap3A_315] {strides = array<i32>} : memref<128x128xf32, #tpu.memory_space<vmem>>, vector<16xf32>,
        tpu.vector_store %arg14[%swap3A_314, %swap3A_315], %mul3A_313 {strides = array<i32>} : memref<128x128xf32, #tpu.memory_space<vmem>>, vector<16xf32>,
        %get3A_317 = arith.index_cast %add3A_293 : i32 to index
        %get3A_318 = arith.constant 48 : index
        %get3A_319 = tpu.vector_load %arg14[%get3A_317, %get3A_318] {strides = array<i32>} : memref<128x128xf32, #tpu.memory_space<vmem>>, vector<16xf32>,
        %mul3A_320 = arith.mulf %get3A_319, %gather3A_295 : vector<16xf32>
        %swap3A_321 = arith.index_cast %add3A_293 : i32 to index
        %swap3A_322 = arith.constant 48 : index
        %swap3A_323 = tpu.vector_load %arg14[%swap3A_321, %swap3A_322] {strides = array<i32>} : memref<128x128xf32, #tpu.memory_space<vmem>>, vector<16xf32>,
        tpu.vector_store %arg14[%swap3A_321, %swap3A_322], %mul3A_320 {strides = array<i32>} : memref<128x128xf32, #tpu.memory_space<vmem>>, vector<16xf32>,
        %get3A_324 = arith.index_cast %add3A_293 : i32 to index
        %get3A_325 = arith.constant 64 : index
        %get3A_326 = tpu.vector_load %arg14[%get3A_324, %get3A_325] {strides = array<i32>} : memref<128x128xf32, #tpu.memory_space<vmem>>, vector<16xf32>,
        %mul3A_327 = arith.mulf %get3A_326, %gather3A_295 : vector<16xf32>
        %swap3A_328 = arith.index_cast %add3A_293 : i32 to index
        %swap3A_329 = arith.constant 64 : index
        %swap3A_330 = tpu.vector_load %arg14[%swap3A_328, %swap3A_329] {strides = array<i32>} : memref<128x128xf32, #tpu.memory_space<vmem>>, vector<16xf32>,
        tpu.vector_store %arg14[%swap3A_328, %swap3A_329], %mul3A_327 {strides = array<i32>} : memref<128x128xf32, #tpu.memory_space<vmem>>, vector<16xf32>,
        %get3A_331 = arith.index_cast %add3A_293 : i32 to index
        %get3A_332 = arith.constant 80 : index
        %get3A_333 = tpu.vector_load %arg14[%get3A_331, %get3A_332] {strides = array<i32>} : memref<128x128xf32, #tpu.memory_space<vmem>>, vector<16xf32>,
        %mul3A_334 = arith.mulf %get3A_333, %gather3A_295 : vector<16xf32>
        %swap3A_335 = arith.index_cast %add3A_293 : i32 to index
        %swap3A_336 = arith.constant 80 : index
        %swap3A_337 = tpu.vector_load %arg14[%swap3A_335, %swap3A_336] {strides = array<i32>} : memref<128x128xf32, #tpu.memory_space<vmem>>, vector<16xf32>,
        tpu.vector_store %arg14[%swap3A_335, %swap3A_336], %mul3A_334 {strides = array<i32>} : memref<128x128xf32, #tpu.memory_space<vmem>>, vector<16xf32>,
        %get3A_338 = arith.index_cast %add3A_293 : i32 to index
        %get3A_339 = arith.constant 96 : index
        %get3A_340 = tpu.vector_load %arg14[%get3A_338, %get3A_339] {strides = array<i32>} : memref<128x128xf32, #tpu.memory_space<vmem>>, vector<16xf32>,
        %mul3A_341 = arith.mulf %get3A_340, %gather3A_295 : vector<16xf32>
        %swap3A_342 = arith.index_cast %add3A_293 : i32 to index
        %swap3A_343 = arith.constant 96 : index
        %swap3A_344 = tpu.vector_load %arg14[%swap3A_342, %swap3A_343] {strides = array<i32>} : memref<128x128xf32, #tpu.memory_space<vmem>>, vector<16xf32>,
        tpu.vector_store %arg14[%swap3A_342, %swap3A_343], %mul3A_341 {strides = array<i32>} : memref<128x128xf32, #tpu.memory_space<vmem>>, vector<16xf32>,
        %get3A_345 = arith.index_cast %add3A_293 : i32 to index
        %get3A_346 = arith.constant 112 : index
        %get3A_347 = tpu.vector_load %arg14[%get3A_345, %get3A_346] {strides = array<i32>} : memref<128x128xf32, #tpu.memory_space<vmem>>, vector<16xf32>,
        %mul3A_348 = arith.mulf %get3A_347, %gather3A_295 : vector<16xf32>
        %swap3A_349 = arith.index_cast %add3A_293 : i32 to index
        %swap3A_350 = arith.constant 112 : index
        %swap3A_351 = tpu.vector_load %arg14[%swap3A_349, %swap3A_350] {strides = array<i32>} : memref<128x128xf32, #tpu.memory_space<vmem>>, vector<16xf32>,
        tpu.vector_store %arg14[%swap3A_349, %swap3A_350], %mul3A_348 {strides = array<i32>} : memref<128x128xf32, #tpu.memory_space<vmem>>, vector<16xf32>,
        %mul3A_352 = arith.constant 4 : i32
        %mul3A_353 = arith.muli %scan3A_226, %mul3A_352 : i32
        %add3A_354 = arith.constant 2 : i32
        %add3A_355 = arith.addi %mul3A_353, %add3A_354 : i32
        %broadcast_in_dim3A_356 = vector.broadcast %add3A_355 : i32 to vector<16xi32>
        %gather3A_357 = tpu.vector_load_idx %arg13[%broadcast_in_dim3A_356] : memref<128xf32, #tpu.memory_space<vmem>>[vector<16xi32>], vector<16xf32>,
        %get3A_358 = arith.index_cast %add3A_355 : i32 to index
        %get3A_359 = arith.constant 0 : index
        %get3A_360 = tpu.vector_load %arg14[%get3A_358, %get3A_359] {strides = array<i32>} : memref<128x128xf32, #tpu.memory_space<vmem>>, vector<16xf32>,
        %mul3A_361 = arith.mulf %get3A_360, %gather3A_357 : vector<16xf32>
        %swap3A_362 = arith.index_cast %add3A_355 : i32 to index
        %swap3A_363 = arith.constant 0 : index
        %swap3A_364 = tpu.vector_load %arg14[%swap3A_362, %swap3A_363] {strides = array<i32>} : memref<128x128xf32, #tpu.memory_space<vmem>>, vector<16xf32>,
        tpu.vector_store %arg14[%swap3A_362, %swap3A_363], %mul3A_361 {strides = array<i32>} : memref<128x128xf32, #tpu.memory_space<vmem>>, vector<16xf32>,
        %get3A_365 = arith.index_cast %add3A_355 : i32 to index
        %get3A_366 = arith.constant 16 : index
        %get3A_367 = tpu.vector_load %arg14[%get3A_365, %get3A_366] {strides = array<i32>} : memref<128x128xf32, #tpu.memory_space<vmem>>, vector<16xf32>,
        %mul3A_368 = arith.mulf %get3A_367, %gather3A_357 : vector<16xf32>
        %swap3A_369 = arith.index_cast %add3A_355 : i32 to index
        %swap3A_370 = arith.constant 16 : index
        %swap3A_371 = tpu.vector_load %arg14[%swap3A_369, %swap3A_370] {strides = array<i32>} : memref<128x128xf32, #tpu.memory_space<vmem>>, vector<16xf32>,
        tpu.vector_store %arg14[%swap3A_369, %swap3A_370], %mul3A_368 {strides = array<i32>} : memref<128x128xf32, #tpu.memory_space<vmem>>, vector<16xf32>,
        %get3A_372 = arith.index_cast %add3A_355 : i32 to index
        %get3A_373 = arith.constant 32 : index
        %get3A_374 = tpu.vector_load %arg14[%get3A_372, %get3A_373] {strides = array<i32>} : memref<128x128xf32, #tpu.memory_space<vmem>>, vector<16xf32>,
        %mul3A_375 = arith.mulf %get3A_374, %gather3A_357 : vector<16xf32>
        %swap3A_376 = arith.index_cast %add3A_355 : i32 to index
        %swap3A_377 = arith.constant 32 : index
        %swap3A_378 = tpu.vector_load %arg14[%swap3A_376, %swap3A_377] {strides = array<i32>} : memref<128x128xf32, #tpu.memory_space<vmem>>, vector<16xf32>,
        tpu.vector_store %arg14[%swap3A_376, %swap3A_377], %mul3A_375 {strides = array<i32>} : memref<128x128xf32, #tpu.memory_space<vmem>>, vector<16xf32>,
        %get3A_379 = arith.index_cast %add3A_355 : i32 to index
        %get3A_380 = arith.constant 48 : index
        %get3A_381 = tpu.vector_load %arg14[%get3A_379, %get3A_380] {strides = array<i32>} : memref<128x128xf32, #tpu.memory_space<vmem>>, vector<16xf32>,
        %mul3A_382 = arith.mulf %get3A_381, %gather3A_357 : vector<16xf32>
        %swap3A_383 = arith.index_cast %add3A_355 : i32 to index
        %swap3A_384 = arith.constant 48 : index
        %swap3A_385 = tpu.vector_load %arg14[%swap3A_383, %swap3A_384] {strides = array<i32>} : memref<128x128xf32, #tpu.memory_space<vmem>>, vector<16xf32>,
        tpu.vector_store %arg14[%swap3A_383, %swap3A_384], %mul3A_382 {strides = array<i32>} : memref<128x128xf32, #tpu.memory_space<vmem>>, vector<16xf32>,
        %get3A_386 = arith.index_cast %add3A_355 : i32 to index
        %get3A_387 = arith.constant 64 : index
        %get3A_388 = tpu.vector_load %arg14[%get3A_386, %get3A_387] {strides = array<i32>} : memref<128x128xf32, #tpu.memory_space<vmem>>, vector<16xf32>,
        %mul3A_389 = arith.mulf %get3A_388, %gather3A_357 : vector<16xf32>
        %swap3A_390 = arith.index_cast %add3A_355 : i32 to index
        %swap3A_391 = arith.constant 64 : index
        %swap3A_392 = tpu.vector_load %arg14[%swap3A_390, %swap3A_391] {strides = array<i32>} : memref<128x128xf32, #tpu.memory_space<vmem>>, vector<16xf32>,
        tpu.vector_store %arg14[%swap3A_390, %swap3A_391], %mul3A_389 {strides = array<i32>} : memref<128x128xf32, #tpu.memory_space<vmem>>, vector<16xf32>,
        %get3A_393 = arith.index_cast %add3A_355 : i32 to index
        %get3A_394 = arith.constant 80 : index
        %get3A_395 = tpu.vector_load %arg14[%get3A_393, %get3A_394] {strides = array<i32>} : memref<128x128xf32, #tpu.memory_space<vmem>>, vector<16xf32>,
        %mul3A_396 = arith.mulf %get3A_395, %gather3A_357 : vector<16xf32>
        %swap3A_397 = arith.index_cast %add3A_355 : i32 to index
        %swap3A_398 = arith.constant 80 : index
        %swap3A_399 = tpu.vector_load %arg14[%swap3A_397, %swap3A_398] {strides = array<i32>} : memref<128x128xf32, #tpu.memory_space<vmem>>, vector<16xf32>,
        tpu.vector_store %arg14[%swap3A_397, %swap3A_398], %mul3A_396 {strides = array<i32>} : memref<128x128xf32, #tpu.memory_space<vmem>>, vector<16xf32>,
        %get3A_400 = arith.index_cast %add3A_355 : i32 to index
        %get3A_401 = arith.constant 96 : index
        %get3A_402 = tpu.vector_load %arg14[%get3A_400, %get3A_401] {strides = array<i32>} : memref<128x128xf32, #tpu.memory_space<vmem>>, vector<16xf32>,
        %mul3A_403 = arith.mulf %get3A_402, %gather3A_357 : vector<16xf32>
        %swap3A_404 = arith.index_cast %add3A_355 : i32 to index
        %swap3A_405 = arith.constant 96 : index
        %swap3A_406 = tpu.vector_load %arg14[%swap3A_404, %swap3A_405] {strides = array<i32>} : memref<128x128xf32, #tpu.memory_space<vmem>>, vector<16xf32>,
        tpu.vector_store %arg14[%swap3A_404, %swap3A_405], %mul3A_403 {strides = array<i32>} : memref<128x128xf32, #tpu.memory_space<vmem>>, vector<16xf32>,
        %get3A_407 = arith.index_cast %add3A_355 : i32 to index
        %get3A_408 = arith.constant 112 : index
        %get3A_409 = tpu.vector_load %arg14[%get3A_407, %get3A_408] {strides = array<i32>} : memref<128x128xf32, #tpu.memory_space<vmem>>, vector<16xf32>,
        %mul3A_410 = arith.mulf %get3A_409, %gather3A_357 : vector<16xf32>
        %swap3A_411 = arith.index_cast %add3A_355 : i32 to index
        %swap3A_412 = arith.constant 112 : index
        %swap3A_413 = tpu.vector_load %arg14[%swap3A_411, %swap3A_412] {strides = array<i32>} : memref<128x128xf32, #tpu.memory_space<vmem>>, vector<16xf32>,
        tpu.vector_store %arg14[%swap3A_411, %swap3A_412], %mul3A_410 {strides = array<i32>} : memref<128x128xf32, #tpu.memory_space<vmem>>, vector<16xf32>,
        %mul3A_414 = arith.constant 4 : i32
        %mul3A_415 = arith.muli %scan3A_226, %mul3A_414 : i32
        %add3A_416 = arith.constant 3 : i32
        %add3A_417 = arith.addi %mul3A_415, %add3A_416 : i32
        %broadcast_in_dim3A_418 = vector.broadcast %add3A_417 : i32 to vector<16xi32>
        %gather3A_419 = tpu.vector_load_idx %arg13[%broadcast_in_dim3A_418] : memref<128xf32, #tpu.memory_space<vmem>>[vector<16xi32>], vector<16xf32>,
        %get3A_420 = arith.index_cast %add3A_417 : i32 to index
        %get3A_421 = arith.constant 0 : index
        %get3A_422 = tpu.vector_load %arg14[%get3A_420, %get3A_421] {strides = array<i32>} : memref<128x128xf32, #tpu.memory_space<vmem>>, vector<16xf32>,
        %mul3A_423 = arith.mulf %get3A_422, %gather3A_419 : vector<16xf32>
        %swap3A_424 = arith.index_cast %add3A_417 : i32 to index
        %swap3A_425 = arith.constant 0 : index
        %swap3A_426 = tpu.vector_load %arg14[%swap3A_424, %swap3A_425] {strides = array<i32>} : memref<128x128xf32, #tpu.memory_space<vmem>>, vector<16xf32>,
        tpu.vector_store %arg14[%swap3A_424, %swap3A_425], %mul3A_423 {strides = array<i32>} : memref<128x128xf32, #tpu.memory_space<vmem>>, vector<16xf32>,
        %get3A_427 = arith.index_cast %add3A_417 : i32 to index
        %get3A_428 = arith.constant 16 : index
        %get3A_429 = tpu.vector_load %arg14[%get3A_427, %get3A_428] {strides = array<i32>} : memref<128x128xf32, #tpu.memory_space<vmem>>, vector<16xf32>,
        %mul3A_430 = arith.mulf %get3A_429, %gather3A_419 : vector<16xf32>
        %swap3A_431 = arith.index_cast %add3A_417 : i32 to index
        %swap3A_432 = arith.constant 16 : index
        %swap3A_433 = tpu.vector_load %arg14[%swap3A_431, %swap3A_432] {strides = array<i32>} : memref<128x128xf32, #tpu.memory_space<vmem>>, vector<16xf32>,
        tpu.vector_store %arg14[%swap3A_431, %swap3A_432], %mul3A_430 {strides = array<i32>} : memref<128x128xf32, #tpu.memory_space<vmem>>, vector<16xf32>,
        %get3A_434 = arith.index_cast %add3A_417 : i32 to index
        %get3A_435 = arith.constant 32 : index
        %get3A_436 = tpu.vector_load %arg14[%get3A_434, %get3A_435] {strides = array<i32>} : memref<128x128xf32, #tpu.memory_space<vmem>>, vector<16xf32>,
        %mul3A_437 = arith.mulf %get3A_436, %gather3A_419 : vector<16xf32>
        %swap3A_438 = arith.index_cast %add3A_417 : i32 to index
        %swap3A_439 = arith.constant 32 : index
        %swap3A_440 = tpu.vector_load %arg14[%swap3A_438, %swap3A_439] {strides = array<i32>} : memref<128x128xf32, #tpu.memory_space<vmem>>, vector<16xf32>,
        tpu.vector_store %arg14[%swap3A_438, %swap3A_439], %mul3A_437 {strides = array<i32>} : memref<128x128xf32, #tpu.memory_space<vmem>>, vector<16xf32>,
        %get3A_441 = arith.index_cast %add3A_417 : i32 to index
        %get3A_442 = arith.constant 48 : index
        %get3A_443 = tpu.vector_load %arg14[%get3A_441, %get3A_442] {strides = array<i32>} : memref<128x128xf32, #tpu.memory_space<vmem>>, vector<16xf32>,
        %mul3A_444 = arith.mulf %get3A_443, %gather3A_419 : vector<16xf32>
        %swap3A_445 = arith.index_cast %add3A_417 : i32 to index
        %swap3A_446 = arith.constant 48 : index
        %swap3A_447 = tpu.vector_load %arg14[%swap3A_445, %swap3A_446] {strides = array<i32>} : memref<128x128xf32, #tpu.memory_space<vmem>>, vector<16xf32>,
        tpu.vector_store %arg14[%swap3A_445, %swap3A_446], %mul3A_444 {strides = array<i32>} : memref<128x128xf32, #tpu.memory_space<vmem>>, vector<16xf32>,
        %get3A_448 = arith.index_cast %add3A_417 : i32 to index
        %get3A_449 = arith.constant 64 : index
        %get3A_450 = tpu.vector_load %arg14[%get3A_448, %get3A_449] {strides = array<i32>} : memref<128x128xf32, #tpu.memory_space<vmem>>, vector<16xf32>,
        %mul3A_451 = arith.mulf %get3A_450, %gather3A_419 : vector<16xf32>
        %swap3A_452 = arith.index_cast %add3A_417 : i32 to index
        %swap3A_453 = arith.constant 64 : index
        %swap3A_454 = tpu.vector_load %arg14[%swap3A_452, %swap3A_453] {strides = array<i32>} : memref<128x128xf32, #tpu.memory_space<vmem>>, vector<16xf32>,
        tpu.vector_store %arg14[%swap3A_452, %swap3A_453], %mul3A_451 {strides = array<i32>} : memref<128x128xf32, #tpu.memory_space<vmem>>, vector<16xf32>,
        %get3A_455 = arith.index_cast %add3A_417 : i32 to index
        %get3A_456 = arith.constant 80 : index
        %get3A_457 = tpu.vector_load %arg14[%get3A_455, %get3A_456] {strides = array<i32>} : memref<128x128xf32, #tpu.memory_space<vmem>>, vector<16xf32>,
        %mul3A_458 = arith.mulf %get3A_457, %gather3A_419 : vector<16xf32>
        %swap3A_459 = arith.index_cast %add3A_417 : i32 to index
        %swap3A_460 = arith.constant 80 : index
        %swap3A_461 = tpu.vector_load %arg14[%swap3A_459, %swap3A_460] {strides = array<i32>} : memref<128x128xf32, #tpu.memory_space<vmem>>, vector<16xf32>,
        tpu.vector_store %arg14[%swap3A_459, %swap3A_460], %mul3A_458 {strides = array<i32>} : memref<128x128xf32, #tpu.memory_space<vmem>>, vector<16xf32>,
        %get3A_462 = arith.index_cast %add3A_417 : i32 to index
        %get3A_463 = arith.constant 96 : index
        %get3A_464 = tpu.vector_load %arg14[%get3A_462, %get3A_463] {strides = array<i32>} : memref<128x128xf32, #tpu.memory_space<vmem>>, vector<16xf32>,
        %mul3A_465 = arith.mulf %get3A_464, %gather3A_419 : vector<16xf32>
        %swap3A_466 = arith.index_cast %add3A_417 : i32 to index
        %swap3A_467 = arith.constant 96 : index
        %swap3A_468 = tpu.vector_load %arg14[%swap3A_466, %swap3A_467] {strides = array<i32>} : memref<128x128xf32, #tpu.memory_space<vmem>>, vector<16xf32>,
        tpu.vector_store %arg14[%swap3A_466, %swap3A_467], %mul3A_465 {strides = array<i32>} : memref<128x128xf32, #tpu.memory_space<vmem>>, vector<16xf32>,
        %get3A_469 = arith.index_cast %add3A_417 : i32 to index
        %get3A_470 = arith.constant 112 : index
        %get3A_471 = tpu.vector_load %arg14[%get3A_469, %get3A_470] {strides = array<i32>} : memref<128x128xf32, #tpu.memory_space<vmem>>, vector<16xf32>,
        %mul3A_472 = arith.mulf %get3A_471, %gather3A_419 : vector<16xf32>
        %swap3A_473 = arith.index_cast %add3A_417 : i32 to index
        %swap3A_474 = arith.constant 112 : index
        %swap3A_475 = tpu.vector_load %arg14[%swap3A_473, %swap3A_474] {strides = array<i32>} : memref<128x128xf32, #tpu.memory_space<vmem>>, vector<16xf32>,
        tpu.vector_store %arg14[%swap3A_473, %swap3A_474], %mul3A_472 {strides = array<i32>} : memref<128x128xf32, #tpu.memory_space<vmem>>, vector<16xf32>,
        %scan3A_476 = arith.constant 0 : i32
        scf.yield %scan3A_476 : i32
      }
      %scan3A_224 = arith.constant 32 : i32
      "tpu.region"() ({
        %run_scoped3A = tpu.sem_alloc : memref<!tpu.dma_semaphore, #tpu.memory_space<semaphore_mem>>
        %dma_start3A_226 = arith.constant 0 : i32
        %dma_start3A_227 = tpu.memref_slice %arg17[%dma_start3A_226] : memref<10240xf32, #tpu.memory_space<vmem_shared>> -> memref<10240xf32, #tpu.memory_space<vmem_shared>>
        tpu.enqueue_indirect_dma source(%arg13 : memref<128xf32, #tpu.memory_space<vmem>>) target(%dma_start3A_227 : memref<10240xf32, #tpu.memory_space<vmem_shared>>) offsets(%arg12 : memref<128xi32, #tpu.memory_space<vmem>>) semaphore(%run_scoped3A : memref<!tpu.dma_semaphore, #tpu.memory_space<semaphore_mem>>) {add = true}
        %dma_wait3A_228 = arith.constant 0 : i32
        %dma_wait3A_229 = tpu.memref_slice %arg17[%dma_wait3A_228] : memref<10240xf32, #tpu.memory_space<vmem_shared>> -> memref<10240xf32, #tpu.memory_space<vmem_shared>>
        tpu.wait_indirect_dma semaphore(%run_scoped3A : memref<!tpu.dma_semaphore, #tpu.memory_space<semaphore_mem>>) src(%arg13 : memref<128xf32, #tpu.memory_space<vmem>>) dst(%dma_wait3A_229 : memref<10240xf32, #tpu.memory_space<vmem_shared>>)
        tpu.yield
      }) : () -> ()
      "tpu.region"() ({
        %run_scoped3A = tpu.sem_alloc : memref<!tpu.dma_semaphore, #tpu.memory_space<semaphore_mem>>
        %dma_start3A_226 = arith.constant 0 : i32
        %dma_start3A_227 = arith.constant 0 : i32
        %dma_start3A_228 = tpu.memref_slice %arg16[%dma_start3A_226, %dma_start3A_227] : memref<10240x128xf32, #tpu.memory_space<vmem_shared>> -> memref<10240x128xf32, #tpu.memory_space<vmem_shared>>
        tpu.enqueue_indirect_dma source(%arg14 : memref<128x128xf32, #tpu.memory_space<vmem>>) target(%dma_start3A_228 : memref<10240x128xf32, #tpu.memory_space<vmem_shared>>) offsets(%arg12 : memref<128xi32, #tpu.memory_space<vmem>>) semaphore(%run_scoped3A : memref<!tpu.dma_semaphore, #tpu.memory_space<semaphore_mem>>) {add = true}
        %dma_wait3A_229 = arith.constant 0 : i32
        %dma_wait3A_230 = arith.constant 0 : i32
        %dma_wait3A_231 = tpu.memref_slice %arg16[%dma_wait3A_229, %dma_wait3A_230] : memref<10240x128xf32, #tpu.memory_space<vmem_shared>> -> memref<10240x128xf32, #tpu.memory_space<vmem_shared>>
        tpu.wait_indirect_dma semaphore(%run_scoped3A : memref<!tpu.dma_semaphore, #tpu.memory_space<semaphore_mem>>) src(%arg14 : memref<128x128xf32, #tpu.memory_space<vmem>>) dst(%dma_wait3A_231 : memref<10240x128xf32, #tpu.memory_space<vmem_shared>>)
        tpu.yield
      }) : () -> ()
      %scan3A_225 = arith.constant 0 : i32
      scf.yield %scan3A_225 : i32
    }
    %scan3A_83 = arith.constant 81 : i32
    %barrier3A_84 = arith.constant 0 : index
    tpu.barrier barrier_id(%barrier3A_84)
    %mul3A_85 = arith.constant 640 : i32
    %mul3A_86 = arith.muli %arg1, %mul3A_85 : i32
    %mul3A_87 = arith.constant 10240 : i32
    %mul3A_88 = arith.muli %arg0, %mul3A_87 : i32
    %mul3A_89 = arith.constant 640 : i32
    %mul3A_90 = arith.muli %arg1, %mul3A_89 : i32
    %add3A_91 = arith.addi %mul3A_88, %mul3A_90 : i32
    "tpu.region"() ({
      %run_scoped3A = tpu.sem_alloc : memref<!tpu.dma_semaphore, #tpu.memory_space<semaphore_mem>>
      %dma_start3A = arith.constant 0 : i32
      %dma_start3A_99 = tpu.memref_slice %arg7[%add3A_91, %dma_start3A] : memref<20480x128xf32, #tpu.memory_space<hbm>> -> memref<640x128xf32, #tpu.memory_space<hbm>>
      %dma_start3A_100 = arith.constant 0 : i32
      %dma_start3A_101 = tpu.memref_slice %arg16[%mul3A_86, %dma_start3A_100] : memref<10240x128xf32, #tpu.memory_space<vmem_shared>> -> memref<640x128xf32, #tpu.memory_space<vmem_shared>>
      tpu.enqueue_dma source(%dma_start3A_101 : memref<640x128xf32, #tpu.memory_space<vmem_shared>>) target(%dma_start3A_99 : memref<640x128xf32, #tpu.memory_space<hbm>>) target_semaphore(%run_scoped3A : memref<!tpu.dma_semaphore, #tpu.memory_space<semaphore_mem>>)
      %dma_wait3A = arith.constant 0 : i32
      %dma_wait3A_102 = tpu.memref_slice %arg7[%add3A_91, %dma_wait3A] : memref<20480x128xf32, #tpu.memory_space<hbm>> -> memref<640x128xf32, #tpu.memory_space<hbm>>
      %dma_wait3A_103 = arith.constant 0 : i32
      %dma_wait3A_104 = tpu.memref_slice %arg16[%mul3A_86, %dma_wait3A_103] : memref<10240x128xf32, #tpu.memory_space<vmem_shared>> -> memref<640x128xf32, #tpu.memory_space<vmem_shared>>
      tpu.wait_dma2 semaphore(%run_scoped3A : memref<!tpu.dma_semaphore, #tpu.memory_space<semaphore_mem>>) src(%dma_wait3A_104 : memref<640x128xf32, #tpu.memory_space<vmem_shared>>) dst(%dma_wait3A_102 : memref<640x128xf32, #tpu.memory_space<hbm>>)
      tpu.yield
    }) : () -> ()
    %mul3A_92 = arith.constant 640 : i32
    %mul3A_93 = arith.muli %arg1, %mul3A_92 : i32
    %mul3A_94 = arith.constant 10240 : i32
    %mul3A_95 = arith.muli %arg0, %mul3A_94 : i32
    %mul3A_96 = arith.constant 640 : i32
    %mul3A_97 = arith.muli %arg1, %mul3A_96 : i32
    %add3A_98 = arith.addi %mul3A_95, %mul3A_97 : i32
    "tpu.region"() ({
      %run_scoped3A = tpu.sem_alloc : memref<!tpu.dma_semaphore, #tpu.memory_space<semaphore_mem>>
      %dma_start3A = tpu.memref_slice %arg8[%add3A_98] : memref<20480xf32, #tpu.memory_space<hbm>> -> memref<640xf32, #tpu.memory_space<hbm>>
      %dma_start3A_99 = tpu.memref_slice %arg17[%mul3A_93] : memref<10240xf32, #tpu.memory_space<vmem_shared>> -> memref<640xf32, #tpu.memory_space<vmem_shared>>
      tpu.enqueue_dma source(%dma_start3A_99 : memref<640xf32, #tpu.memory_space<vmem_shared>>) target(%dma_start3A : memref<640xf32, #tpu.memory_space<hbm>>) target_semaphore(%run_scoped3A : memref<!tpu.dma_semaphore, #tpu.memory_space<semaphore_mem>>)
      %dma_wait3A = tpu.memref_slice %arg8[%add3A_98] : memref<20480xf32, #tpu.memory_space<hbm>> -> memref<640xf32, #tpu.memory_space<hbm>>
      %dma_wait3A_100 = tpu.memref_slice %arg17[%mul3A_93] : memref<10240xf32, #tpu.memory_space<vmem_shared>> -> memref<640xf32, #tpu.memory_space<vmem_shared>>
      tpu.wait_dma2 semaphore(%run_scoped3A : memref<!tpu.dma_semaphore, #tpu.memory_space<semaphore_mem>>) src(%dma_wait3A_100 : memref<640xf32, #tpu.memory_space<vmem_shared>>) dst(%dma_wait3A : memref<640xf32, #tpu.memory_space<hbm>>)
      tpu.yield
    }) : () -> ()
    return
  }
}

#map = affine_map<(d0, d1) -> (0, 0)>
#map1 = affine_map<(d0, d1) -> (0)>
module attributes {stable_mosaic.version = 14 : i64} {
  func.func @_edge_sc_body(%arg0: i32, %arg1: i32, %arg2: memref<10240x128xf32, #tpu.memory_space<hbm>>, %arg3: memref<331776xi32, #tpu.memory_space<hbm>>, %arg4: memref<331776xi32, #tpu.memory_space<hbm>>, %arg5: memref<10240xf32, #tpu.memory_space<hbm>>, %arg6: memref<10240xf32, #tpu.memory_space<hbm>>, %arg7: memref<20480x128xf32, #tpu.memory_space<hbm>>, %arg8: memref<20480xf32, #tpu.memory_space<hbm>>, %arg9: memref<10240xf32, #tpu.memory_space<vmem>>, %arg10: memref<10240xf32, #tpu.memory_space<vmem>>, %arg11: memref<128xi32, #tpu.memory_space<vmem>>, %arg12: memref<128xi32, #tpu.memory_space<vmem>>, %arg13: memref<128xf32, #tpu.memory_space<vmem>>, %arg14: memref<128x128xf32, #tpu.memory_space<vmem>>, %arg15: memref<!tpu.dma_semaphore, #tpu.memory_space<semaphore_mem>>, %arg16: memref<10240x128xf32, #tpu.memory_space<vmem_shared>>, %arg17: memref<10240xf32, #tpu.memory_space<vmem_shared>>) attributes {dimension_semantics = [#tpu.dimension_semantics<core_parallel>, #tpu.dimension_semantics<subcore_parallel>], iteration_bounds = array<i64: 2, 16>, scalar_prefetch = 0 : i64, scratch_operands = 9 : i64, tpu.core_type = #tpu.core_type<sc_vector_subcore>, window_params = [{transform_indices = #map}, {transform_indices = #map1}, {transform_indices = #map1}, {transform_indices = #map1}, {transform_indices = #map1}, {transform_indices = #map}, {transform_indices = #map1}]} {
    %mul3A = arith.constant 16 : i32
    %mul3A_0 = arith.muli %arg0, %mul3A : i32
    %add3A = arith.addi %mul3A_0, %arg1 : i32
    %scan3A = arith.constant 0 : i32
    %scan3A_1 = arith.constant 0 : i32
    %scan3A_2 = arith.constant 128 : i32
    %scan3A_3 = arith.addi %scan3A_1, %scan3A_2 : i32
    %scan3A_4 = arith.constant 1 : i32
    %scan3A_5 = scf.for %scan3A_99 = %scan3A_1 to %scan3A_3 step %scan3A_4 iter_args(%scan3A_100 = %scan3A) -> (i32)  : i32 {
      %broadcast_in_dim3A_101 = arith.constant 0.000000e+00 : f32
      %broadcast_in_dim3A_102 = vector.broadcast %broadcast_in_dim3A_101 : f32 to vector<16xf32>
      %swap3A_103 = arith.index_cast %scan3A_99 : i32 to index
      %swap3A_104 = arith.constant 0 : index
      %swap3A_105 = tpu.vector_load %arg14[%swap3A_103, %swap3A_104] {strides = array<i32>} : memref<128x128xf32, #tpu.memory_space<vmem>>, vector<16xf32>,
      tpu.vector_store %arg14[%swap3A_103, %swap3A_104], %broadcast_in_dim3A_102 {strides = array<i32>} : memref<128x128xf32, #tpu.memory_space<vmem>>, vector<16xf32>,
      %broadcast_in_dim3A_106 = arith.constant 0.000000e+00 : f32
      %broadcast_in_dim3A_107 = vector.broadcast %broadcast_in_dim3A_106 : f32 to vector<16xf32>
      %swap3A_108 = arith.index_cast %scan3A_99 : i32 to index
      %swap3A_109 = arith.constant 16 : index
      %swap3A_110 = tpu.vector_load %arg14[%swap3A_108, %swap3A_109] {strides = array<i32>} : memref<128x128xf32, #tpu.memory_space<vmem>>, vector<16xf32>,
      tpu.vector_store %arg14[%swap3A_108, %swap3A_109], %broadcast_in_dim3A_107 {strides = array<i32>} : memref<128x128xf32, #tpu.memory_space<vmem>>, vector<16xf32>,
      %broadcast_in_dim3A_111 = arith.constant 0.000000e+00 : f32
      %broadcast_in_dim3A_112 = vector.broadcast %broadcast_in_dim3A_111 : f32 to vector<16xf32>
      %swap3A_113 = arith.index_cast %scan3A_99 : i32 to index
      %swap3A_114 = arith.constant 32 : index
      %swap3A_115 = tpu.vector_load %arg14[%swap3A_113, %swap3A_114] {strides = array<i32>} : memref<128x128xf32, #tpu.memory_space<vmem>>, vector<16xf32>,
      tpu.vector_store %arg14[%swap3A_113, %swap3A_114], %broadcast_in_dim3A_112 {strides = array<i32>} : memref<128x128xf32, #tpu.memory_space<vmem>>, vector<16xf32>,
      %broadcast_in_dim3A_116 = arith.constant 0.000000e+00 : f32
      %broadcast_in_dim3A_117 = vector.broadcast %broadcast_in_dim3A_116 : f32 to vector<16xf32>
      %swap3A_118 = arith.index_cast %scan3A_99 : i32 to index
      %swap3A_119 = arith.constant 48 : index
      %swap3A_120 = tpu.vector_load %arg14[%swap3A_118, %swap3A_119] {strides = array<i32>} : memref<128x128xf32, #tpu.memory_space<vmem>>, vector<16xf32>,
      tpu.vector_store %arg14[%swap3A_118, %swap3A_119], %broadcast_in_dim3A_117 {strides = array<i32>} : memref<128x128xf32, #tpu.memory_space<vmem>>, vector<16xf32>,
      %broadcast_in_dim3A_121 = arith.constant 0.000000e+00 : f32
      %broadcast_in_dim3A_122 = vector.broadcast %broadcast_in_dim3A_121 : f32 to vector<16xf32>
      %swap3A_123 = arith.index_cast %scan3A_99 : i32 to index
      %swap3A_124 = arith.constant 64 : index
      %swap3A_125 = tpu.vector_load %arg14[%swap3A_123, %swap3A_124] {strides = array<i32>} : memref<128x128xf32, #tpu.memory_space<vmem>>, vector<16xf32>,
      tpu.vector_store %arg14[%swap3A_123, %swap3A_124], %broadcast_in_dim3A_122 {strides = array<i32>} : memref<128x128xf32, #tpu.memory_space<vmem>>, vector<16xf32>,
      %broadcast_in_dim3A_126 = arith.constant 0.000000e+00 : f32
      %broadcast_in_dim3A_127 = vector.broadcast %broadcast_in_dim3A_126 : f32 to vector<16xf32>
      %swap3A_128 = arith.index_cast %scan3A_99 : i32 to index
      %swap3A_129 = arith.constant 80 : index
      %swap3A_130 = tpu.vector_load %arg14[%swap3A_128, %swap3A_129] {strides = array<i32>} : memref<128x128xf32, #tpu.memory_space<vmem>>, vector<16xf32>,
      tpu.vector_store %arg14[%swap3A_128, %swap3A_129], %broadcast_in_dim3A_127 {strides = array<i32>} : memref<128x128xf32, #tpu.memory_space<vmem>>, vector<16xf32>,
      %broadcast_in_dim3A_131 = arith.constant 0.000000e+00 : f32
      %broadcast_in_dim3A_132 = vector.broadcast %broadcast_in_dim3A_131 : f32 to vector<16xf32>
      %swap3A_133 = arith.index_cast %scan3A_99 : i32 to index
      %swap3A_134 = arith.constant 96 : index
      %swap3A_135 = tpu.vector_load %arg14[%swap3A_133, %swap3A_134] {strides = array<i32>} : memref<128x128xf32, #tpu.memory_space<vmem>>, vector<16xf32>,
      tpu.vector_store %arg14[%swap3A_133, %swap3A_134], %broadcast_in_dim3A_132 {strides = array<i32>} : memref<128x128xf32, #tpu.memory_space<vmem>>, vector<16xf32>,
      %broadcast_in_dim3A_136 = arith.constant 0.000000e+00 : f32
      %broadcast_in_dim3A_137 = vector.broadcast %broadcast_in_dim3A_136 : f32 to vector<16xf32>
      %swap3A_138 = arith.index_cast %scan3A_99 : i32 to index
      %swap3A_139 = arith.constant 112 : index
      %swap3A_140 = tpu.vector_load %arg14[%swap3A_138, %swap3A_139] {strides = array<i32>} : memref<128x128xf32, #tpu.memory_space<vmem>>, vector<16xf32>,
      tpu.vector_store %arg14[%swap3A_138, %swap3A_139], %broadcast_in_dim3A_137 {strides = array<i32>} : memref<128x128xf32, #tpu.memory_space<vmem>>, vector<16xf32>,
      %scan3A_141 = arith.constant 0 : i32
      scf.yield %scan3A_141 : i32
    }
    %scan3A_6 = arith.constant 128 : i32
    %broadcast_in_dim3A = arith.constant 0.000000e+00 : f32
    %broadcast_in_dim3A_7 = vector.broadcast %broadcast_in_dim3A : f32 to vector<16xf32>
    %swap3A = arith.constant 0 : index
    %swap3A_8 = tpu.vector_load %arg13[%swap3A] {strides = array<i32>} : memref<128xf32, #tpu.memory_space<vmem>>, vector<16xf32>,
    tpu.vector_store %arg13[%swap3A], %broadcast_in_dim3A_7 {strides = array<i32>} : memref<128xf32, #tpu.memory_space<vmem>>, vector<16xf32>,
    %broadcast_in_dim3A_9 = arith.constant 0.000000e+00 : f32
    %broadcast_in_dim3A_10 = vector.broadcast %broadcast_in_dim3A_9 : f32 to vector<16xf32>
    %swap3A_11 = arith.constant 16 : index
    %swap3A_12 = tpu.vector_load %arg13[%swap3A_11] {strides = array<i32>} : memref<128xf32, #tpu.memory_space<vmem>>, vector<16xf32>,
    tpu.vector_store %arg13[%swap3A_11], %broadcast_in_dim3A_10 {strides = array<i32>} : memref<128xf32, #tpu.memory_space<vmem>>, vector<16xf32>,
    %broadcast_in_dim3A_13 = arith.constant 0.000000e+00 : f32
    %broadcast_in_dim3A_14 = vector.broadcast %broadcast_in_dim3A_13 : f32 to vector<16xf32>
    %swap3A_15 = arith.constant 32 : index
    %swap3A_16 = tpu.vector_load %arg13[%swap3A_15] {strides = array<i32>} : memref<128xf32, #tpu.memory_space<vmem>>, vector<16xf32>,
    tpu.vector_store %arg13[%swap3A_15], %broadcast_in_dim3A_14 {strides = array<i32>} : memref<128xf32, #tpu.memory_space<vmem>>, vector<16xf32>,
    %broadcast_in_dim3A_17 = arith.constant 0.000000e+00 : f32
    %broadcast_in_dim3A_18 = vector.broadcast %broadcast_in_dim3A_17 : f32 to vector<16xf32>
    %swap3A_19 = arith.constant 48 : index
    %swap3A_20 = tpu.vector_load %arg13[%swap3A_19] {strides = array<i32>} : memref<128xf32, #tpu.memory_space<vmem>>, vector<16xf32>,
    tpu.vector_store %arg13[%swap3A_19], %broadcast_in_dim3A_18 {strides = array<i32>} : memref<128xf32, #tpu.memory_space<vmem>>, vector<16xf32>,
    %broadcast_in_dim3A_21 = arith.constant 0.000000e+00 : f32
    %broadcast_in_dim3A_22 = vector.broadcast %broadcast_in_dim3A_21 : f32 to vector<16xf32>
    %swap3A_23 = arith.constant 64 : index
    %swap3A_24 = tpu.vector_load %arg13[%swap3A_23] {strides = array<i32>} : memref<128xf32, #tpu.memory_space<vmem>>, vector<16xf32>,
    tpu.vector_store %arg13[%swap3A_23], %broadcast_in_dim3A_22 {strides = array<i32>} : memref<128xf32, #tpu.memory_space<vmem>>, vector<16xf32>,
    %broadcast_in_dim3A_25 = arith.constant 0.000000e+00 : f32
    %broadcast_in_dim3A_26 = vector.broadcast %broadcast_in_dim3A_25 : f32 to vector<16xf32>
    %swap3A_27 = arith.constant 80 : index
    %swap3A_28 = tpu.vector_load %arg13[%swap3A_27] {strides = array<i32>} : memref<128xf32, #tpu.memory_space<vmem>>, vector<16xf32>,
    tpu.vector_store %arg13[%swap3A_27], %broadcast_in_dim3A_26 {strides = array<i32>} : memref<128xf32, #tpu.memory_space<vmem>>, vector<16xf32>,
    %broadcast_in_dim3A_29 = arith.constant 0.000000e+00 : f32
    %broadcast_in_dim3A_30 = vector.broadcast %broadcast_in_dim3A_29 : f32 to vector<16xf32>
    %swap3A_31 = arith.constant 96 : index
    %swap3A_32 = tpu.vector_load %arg13[%swap3A_31] {strides = array<i32>} : memref<128xf32, #tpu.memory_space<vmem>>, vector<16xf32>,
    tpu.vector_store %arg13[%swap3A_31], %broadcast_in_dim3A_30 {strides = array<i32>} : memref<128xf32, #tpu.memory_space<vmem>>, vector<16xf32>,
    %broadcast_in_dim3A_33 = arith.constant 0.000000e+00 : f32
    %broadcast_in_dim3A_34 = vector.broadcast %broadcast_in_dim3A_33 : f32 to vector<16xf32>
    %swap3A_35 = arith.constant 112 : index
    %swap3A_36 = tpu.vector_load %arg13[%swap3A_35] {strides = array<i32>} : memref<128xf32, #tpu.memory_space<vmem>>, vector<16xf32>,
    tpu.vector_store %arg13[%swap3A_35], %broadcast_in_dim3A_34 {strides = array<i32>} : memref<128xf32, #tpu.memory_space<vmem>>, vector<16xf32>,
    %mul3A_37 = arith.constant 640 : i32
    %mul3A_38 = arith.muli %arg1, %mul3A_37 : i32
    %add3A_39 = arith.constant 0 : i32
    %add3A_40 = arith.addi %mul3A_38, %add3A_39 : i32
    "tpu.region"() ({
      %run_scoped3A = tpu.sem_alloc : memref<!tpu.dma_semaphore, #tpu.memory_space<semaphore_mem>>
      %dma_start3A = arith.constant 0 : i32
      %dma_start3A_99 = tpu.memref_slice %arg16[%add3A_40, %dma_start3A] : memref<10240x128xf32, #tpu.memory_space<vmem_shared>> -> memref<128x128xf32, #tpu.memory_space<vmem_shared>>
      %dma_start3A_100 = arith.constant 0 : i32
      %dma_start3A_101 = tpu.memref_slice %arg16[%add3A_40, %dma_start3A_100] : memref<10240x128xf32, #tpu.memory_space<vmem_shared>> -> memref<128x128xf32, #tpu.memory_space<vmem_shared>>
      tpu.enqueue_dma source(%arg14 : memref<128x128xf32, #tpu.memory_space<vmem>>) target(%dma_start3A_101 : memref<128x128xf32, #tpu.memory_space<vmem_shared>>) target_semaphore(%run_scoped3A : memref<!tpu.dma_semaphore, #tpu.memory_space<semaphore_mem>>)
      %dma_wait3A = arith.constant 0 : i32
      %dma_wait3A_102 = tpu.memref_slice %arg16[%add3A_40, %dma_wait3A] : memref<10240x128xf32, #tpu.memory_space<vmem_shared>> -> memref<128x128xf32, #tpu.memory_space<vmem_shared>>
      %dma_wait3A_103 = arith.constant 0 : i32
      %dma_wait3A_104 = tpu.memref_slice %arg16[%add3A_40, %dma_wait3A_103] : memref<10240x128xf32, #tpu.memory_space<vmem_shared>> -> memref<128x128xf32, #tpu.memory_space<vmem_shared>>
      tpu.wait_dma2 semaphore(%run_scoped3A : memref<!tpu.dma_semaphore, #tpu.memory_space<semaphore_mem>>) src(%arg14 : memref<128x128xf32, #tpu.memory_space<vmem>>) dst(%dma_wait3A_104 : memref<128x128xf32, #tpu.memory_space<vmem_shared>>)
      tpu.yield
    }) : () -> ()
    %mul3A_41 = arith.constant 640 : i32
    %mul3A_42 = arith.muli %arg1, %mul3A_41 : i32
    %add3A_43 = arith.constant 0 : i32
    %add3A_44 = arith.addi %mul3A_42, %add3A_43 : i32
    "tpu.region"() ({
      %run_scoped3A = tpu.sem_alloc : memref<!tpu.dma_semaphore, #tpu.memory_space<semaphore_mem>>
      %dma_start3A = tpu.memref_slice %arg17[%add3A_44] : memref<10240xf32, #tpu.memory_space<vmem_shared>> -> memref<128xf32, #tpu.memory_space<vmem_shared>>
      %dma_start3A_99 = tpu.memref_slice %arg17[%add3A_44] : memref<10240xf32, #tpu.memory_space<vmem_shared>> -> memref<128xf32, #tpu.memory_space<vmem_shared>>
      tpu.enqueue_dma source(%arg13 : memref<128xf32, #tpu.memory_space<vmem>>) target(%dma_start3A_99 : memref<128xf32, #tpu.memory_space<vmem_shared>>) target_semaphore(%run_scoped3A : memref<!tpu.dma_semaphore, #tpu.memory_space<semaphore_mem>>)
      %dma_wait3A = tpu.memref_slice %arg17[%add3A_44] : memref<10240xf32, #tpu.memory_space<vmem_shared>> -> memref<128xf32, #tpu.memory_space<vmem_shared>>
      %dma_wait3A_100 = tpu.memref_slice %arg17[%add3A_44] : memref<10240xf32, #tpu.memory_space<vmem_shared>> -> memref<128xf32, #tpu.memory_space<vmem_shared>>
      tpu.wait_dma2 semaphore(%run_scoped3A : memref<!tpu.dma_semaphore, #tpu.memory_space<semaphore_mem>>) src(%arg13 : memref<128xf32, #tpu.memory_space<vmem>>) dst(%dma_wait3A_100 : memref<128xf32, #tpu.memory_space<vmem_shared>>)
      tpu.yield
    }) : () -> ()
    %mul3A_45 = arith.constant 640 : i32
    %mul3A_46 = arith.muli %arg1, %mul3A_45 : i32
    %add3A_47 = arith.constant 128 : i32
    %add3A_48 = arith.addi %mul3A_46, %add3A_47 : i32
    "tpu.region"() ({
      %run_scoped3A = tpu.sem_alloc : memref<!tpu.dma_semaphore, #tpu.memory_space<semaphore_mem>>
      %dma_start3A = arith.constant 0 : i32
      %dma_start3A_99 = tpu.memref_slice %arg16[%add3A_48, %dma_start3A] : memref<10240x128xf32, #tpu.memory_space<vmem_shared>> -> memref<128x128xf32, #tpu.memory_space<vmem_shared>>
      %dma_start3A_100 = arith.constant 0 : i32
      %dma_start3A_101 = tpu.memref_slice %arg16[%add3A_48, %dma_start3A_100] : memref<10240x128xf32, #tpu.memory_space<vmem_shared>> -> memref<128x128xf32, #tpu.memory_space<vmem_shared>>
      tpu.enqueue_dma source(%arg14 : memref<128x128xf32, #tpu.memory_space<vmem>>) target(%dma_start3A_101 : memref<128x128xf32, #tpu.memory_space<vmem_shared>>) target_semaphore(%run_scoped3A : memref<!tpu.dma_semaphore, #tpu.memory_space<semaphore_mem>>)
      %dma_wait3A = arith.constant 0 : i32
      %dma_wait3A_102 = tpu.memref_slice %arg16[%add3A_48, %dma_wait3A] : memref<10240x128xf32, #tpu.memory_space<vmem_shared>> -> memref<128x128xf32, #tpu.memory_space<vmem_shared>>
      %dma_wait3A_103 = arith.constant 0 : i32
      %dma_wait3A_104 = tpu.memref_slice %arg16[%add3A_48, %dma_wait3A_103] : memref<10240x128xf32, #tpu.memory_space<vmem_shared>> -> memref<128x128xf32, #tpu.memory_space<vmem_shared>>
      tpu.wait_dma2 semaphore(%run_scoped3A : memref<!tpu.dma_semaphore, #tpu.memory_space<semaphore_mem>>) src(%arg14 : memref<128x128xf32, #tpu.memory_space<vmem>>) dst(%dma_wait3A_104 : memref<128x128xf32, #tpu.memory_space<vmem_shared>>)
      tpu.yield
    }) : () -> ()
    %mul3A_49 = arith.constant 640 : i32
    %mul3A_50 = arith.muli %arg1, %mul3A_49 : i32
    %add3A_51 = arith.constant 128 : i32
    %add3A_52 = arith.addi %mul3A_50, %add3A_51 : i32
    "tpu.region"() ({
      %run_scoped3A = tpu.sem_alloc : memref<!tpu.dma_semaphore, #tpu.memory_space<semaphore_mem>>
      %dma_start3A = tpu.memref_slice %arg17[%add3A_52] : memref<10240xf32, #tpu.memory_space<vmem_shared>> -> memref<128xf32, #tpu.memory_space<vmem_shared>>
      %dma_start3A_99 = tpu.memref_slice %arg17[%add3A_52] : memref<10240xf32, #tpu.memory_space<vmem_shared>> -> memref<128xf32, #tpu.memory_space<vmem_shared>>
      tpu.enqueue_dma source(%arg13 : memref<128xf32, #tpu.memory_space<vmem>>) target(%dma_start3A_99 : memref<128xf32, #tpu.memory_space<vmem_shared>>) target_semaphore(%run_scoped3A : memref<!tpu.dma_semaphore, #tpu.memory_space<semaphore_mem>>)
      %dma_wait3A = tpu.memref_slice %arg17[%add3A_52] : memref<10240xf32, #tpu.memory_space<vmem_shared>> -> memref<128xf32, #tpu.memory_space<vmem_shared>>
      %dma_wait3A_100 = tpu.memref_slice %arg17[%add3A_52] : memref<10240xf32, #tpu.memory_space<vmem_shared>> -> memref<128xf32, #tpu.memory_space<vmem_shared>>
      tpu.wait_dma2 semaphore(%run_scoped3A : memref<!tpu.dma_semaphore, #tpu.memory_space<semaphore_mem>>) src(%arg13 : memref<128xf32, #tpu.memory_space<vmem>>) dst(%dma_wait3A_100 : memref<128xf32, #tpu.memory_space<vmem_shared>>)
      tpu.yield
    }) : () -> ()
    %mul3A_53 = arith.constant 640 : i32
    %mul3A_54 = arith.muli %arg1, %mul3A_53 : i32
    %add3A_55 = arith.constant 256 : i32
    %add3A_56 = arith.addi %mul3A_54, %add3A_55 : i32
    "tpu.region"() ({
      %run_scoped3A = tpu.sem_alloc : memref<!tpu.dma_semaphore, #tpu.memory_space<semaphore_mem>>
      %dma_start3A = arith.constant 0 : i32
      %dma_start3A_99 = tpu.memref_slice %arg16[%add3A_56, %dma_start3A] : memref<10240x128xf32, #tpu.memory_space<vmem_shared>> -> memref<128x128xf32, #tpu.memory_space<vmem_shared>>
      %dma_start3A_100 = arith.constant 0 : i32
      %dma_start3A_101 = tpu.memref_slice %arg16[%add3A_56, %dma_start3A_100] : memref<10240x128xf32, #tpu.memory_space<vmem_shared>> -> memref<128x128xf32, #tpu.memory_space<vmem_shared>>
      tpu.enqueue_dma source(%arg14 : memref<128x128xf32, #tpu.memory_space<vmem>>) target(%dma_start3A_101 : memref<128x128xf32, #tpu.memory_space<vmem_shared>>) target_semaphore(%run_scoped3A : memref<!tpu.dma_semaphore, #tpu.memory_space<semaphore_mem>>)
      %dma_wait3A = arith.constant 0 : i32
      %dma_wait3A_102 = tpu.memref_slice %arg16[%add3A_56, %dma_wait3A] : memref<10240x128xf32, #tpu.memory_space<vmem_shared>> -> memref<128x128xf32, #tpu.memory_space<vmem_shared>>
      %dma_wait3A_103 = arith.constant 0 : i32
      %dma_wait3A_104 = tpu.memref_slice %arg16[%add3A_56, %dma_wait3A_103] : memref<10240x128xf32, #tpu.memory_space<vmem_shared>> -> memref<128x128xf32, #tpu.memory_space<vmem_shared>>
      tpu.wait_dma2 semaphore(%run_scoped3A : memref<!tpu.dma_semaphore, #tpu.memory_space<semaphore_mem>>) src(%arg14 : memref<128x128xf32, #tpu.memory_space<vmem>>) dst(%dma_wait3A_104 : memref<128x128xf32, #tpu.memory_space<vmem_shared>>)
      tpu.yield
    }) : () -> ()
    %mul3A_57 = arith.constant 640 : i32
    %mul3A_58 = arith.muli %arg1, %mul3A_57 : i32
    %add3A_59 = arith.constant 256 : i32
    %add3A_60 = arith.addi %mul3A_58, %add3A_59 : i32
    "tpu.region"() ({
      %run_scoped3A = tpu.sem_alloc : memref<!tpu.dma_semaphore, #tpu.memory_space<semaphore_mem>>
      %dma_start3A = tpu.memref_slice %arg17[%add3A_60] : memref<10240xf32, #tpu.memory_space<vmem_shared>> -> memref<128xf32, #tpu.memory_space<vmem_shared>>
      %dma_start3A_99 = tpu.memref_slice %arg17[%add3A_60] : memref<10240xf32, #tpu.memory_space<vmem_shared>> -> memref<128xf32, #tpu.memory_space<vmem_shared>>
      tpu.enqueue_dma source(%arg13 : memref<128xf32, #tpu.memory_space<vmem>>) target(%dma_start3A_99 : memref<128xf32, #tpu.memory_space<vmem_shared>>) target_semaphore(%run_scoped3A : memref<!tpu.dma_semaphore, #tpu.memory_space<semaphore_mem>>)
      %dma_wait3A = tpu.memref_slice %arg17[%add3A_60] : memref<10240xf32, #tpu.memory_space<vmem_shared>> -> memref<128xf32, #tpu.memory_space<vmem_shared>>
      %dma_wait3A_100 = tpu.memref_slice %arg17[%add3A_60] : memref<10240xf32, #tpu.memory_space<vmem_shared>> -> memref<128xf32, #tpu.memory_space<vmem_shared>>
      tpu.wait_dma2 semaphore(%run_scoped3A : memref<!tpu.dma_semaphore, #tpu.memory_space<semaphore_mem>>) src(%arg13 : memref<128xf32, #tpu.memory_space<vmem>>) dst(%dma_wait3A_100 : memref<128xf32, #tpu.memory_space<vmem_shared>>)
      tpu.yield
    }) : () -> ()
    %mul3A_61 = arith.constant 640 : i32
    %mul3A_62 = arith.muli %arg1, %mul3A_61 : i32
    %add3A_63 = arith.constant 384 : i32
    %add3A_64 = arith.addi %mul3A_62, %add3A_63 : i32
    "tpu.region"() ({
      %run_scoped3A = tpu.sem_alloc : memref<!tpu.dma_semaphore, #tpu.memory_space<semaphore_mem>>
      %dma_start3A = arith.constant 0 : i32
      %dma_start3A_99 = tpu.memref_slice %arg16[%add3A_64, %dma_start3A] : memref<10240x128xf32, #tpu.memory_space<vmem_shared>> -> memref<128x128xf32, #tpu.memory_space<vmem_shared>>
      %dma_start3A_100 = arith.constant 0 : i32
      %dma_start3A_101 = tpu.memref_slice %arg16[%add3A_64, %dma_start3A_100] : memref<10240x128xf32, #tpu.memory_space<vmem_shared>> -> memref<128x128xf32, #tpu.memory_space<vmem_shared>>
      tpu.enqueue_dma source(%arg14 : memref<128x128xf32, #tpu.memory_space<vmem>>) target(%dma_start3A_101 : memref<128x128xf32, #tpu.memory_space<vmem_shared>>) target_semaphore(%run_scoped3A : memref<!tpu.dma_semaphore, #tpu.memory_space<semaphore_mem>>)
      %dma_wait3A = arith.constant 0 : i32
      %dma_wait3A_102 = tpu.memref_slice %arg16[%add3A_64, %dma_wait3A] : memref<10240x128xf32, #tpu.memory_space<vmem_shared>> -> memref<128x128xf32, #tpu.memory_space<vmem_shared>>
      %dma_wait3A_103 = arith.constant 0 : i32
      %dma_wait3A_104 = tpu.memref_slice %arg16[%add3A_64, %dma_wait3A_103] : memref<10240x128xf32, #tpu.memory_space<vmem_shared>> -> memref<128x128xf32, #tpu.memory_space<vmem_shared>>
      tpu.wait_dma2 semaphore(%run_scoped3A : memref<!tpu.dma_semaphore, #tpu.memory_space<semaphore_mem>>) src(%arg14 : memref<128x128xf32, #tpu.memory_space<vmem>>) dst(%dma_wait3A_104 : memref<128x128xf32, #tpu.memory_space<vmem_shared>>)
      tpu.yield
    }) : () -> ()
    %mul3A_65 = arith.constant 640 : i32
    %mul3A_66 = arith.muli %arg1, %mul3A_65 : i32
    %add3A_67 = arith.constant 384 : i32
    %add3A_68 = arith.addi %mul3A_66, %add3A_67 : i32
    "tpu.region"() ({
      %run_scoped3A = tpu.sem_alloc : memref<!tpu.dma_semaphore, #tpu.memory_space<semaphore_mem>>
      %dma_start3A = tpu.memref_slice %arg17[%add3A_68] : memref<10240xf32, #tpu.memory_space<vmem_shared>> -> memref<128xf32, #tpu.memory_space<vmem_shared>>
      %dma_start3A_99 = tpu.memref_slice %arg17[%add3A_68] : memref<10240xf32, #tpu.memory_space<vmem_shared>> -> memref<128xf32, #tpu.memory_space<vmem_shared>>
      tpu.enqueue_dma source(%arg13 : memref<128xf32, #tpu.memory_space<vmem>>) target(%dma_start3A_99 : memref<128xf32, #tpu.memory_space<vmem_shared>>) target_semaphore(%run_scoped3A : memref<!tpu.dma_semaphore, #tpu.memory_space<semaphore_mem>>)
      %dma_wait3A = tpu.memref_slice %arg17[%add3A_68] : memref<10240xf32, #tpu.memory_space<vmem_shared>> -> memref<128xf32, #tpu.memory_space<vmem_shared>>
      %dma_wait3A_100 = tpu.memref_slice %arg17[%add3A_68] : memref<10240xf32, #tpu.memory_space<vmem_shared>> -> memref<128xf32, #tpu.memory_space<vmem_shared>>
      tpu.wait_dma2 semaphore(%run_scoped3A : memref<!tpu.dma_semaphore, #tpu.memory_space<semaphore_mem>>) src(%arg13 : memref<128xf32, #tpu.memory_space<vmem>>) dst(%dma_wait3A_100 : memref<128xf32, #tpu.memory_space<vmem_shared>>)
      tpu.yield
    }) : () -> ()
    %mul3A_69 = arith.constant 640 : i32
    %mul3A_70 = arith.muli %arg1, %mul3A_69 : i32
    %add3A_71 = arith.constant 512 : i32
    %add3A_72 = arith.addi %mul3A_70, %add3A_71 : i32
    "tpu.region"() ({
      %run_scoped3A = tpu.sem_alloc : memref<!tpu.dma_semaphore, #tpu.memory_space<semaphore_mem>>
      %dma_start3A = arith.constant 0 : i32
      %dma_start3A_99 = tpu.memref_slice %arg16[%add3A_72, %dma_start3A] : memref<10240x128xf32, #tpu.memory_space<vmem_shared>> -> memref<128x128xf32, #tpu.memory_space<vmem_shared>>
      %dma_start3A_100 = arith.constant 0 : i32
      %dma_start3A_101 = tpu.memref_slice %arg16[%add3A_72, %dma_start3A_100] : memref<10240x128xf32, #tpu.memory_space<vmem_shared>> -> memref<128x128xf32, #tpu.memory_space<vmem_shared>>
      tpu.enqueue_dma source(%arg14 : memref<128x128xf32, #tpu.memory_space<vmem>>) target(%dma_start3A_101 : memref<128x128xf32, #tpu.memory_space<vmem_shared>>) target_semaphore(%run_scoped3A : memref<!tpu.dma_semaphore, #tpu.memory_space<semaphore_mem>>)
      %dma_wait3A = arith.constant 0 : i32
      %dma_wait3A_102 = tpu.memref_slice %arg16[%add3A_72, %dma_wait3A] : memref<10240x128xf32, #tpu.memory_space<vmem_shared>> -> memref<128x128xf32, #tpu.memory_space<vmem_shared>>
      %dma_wait3A_103 = arith.constant 0 : i32
      %dma_wait3A_104 = tpu.memref_slice %arg16[%add3A_72, %dma_wait3A_103] : memref<10240x128xf32, #tpu.memory_space<vmem_shared>> -> memref<128x128xf32, #tpu.memory_space<vmem_shared>>
      tpu.wait_dma2 semaphore(%run_scoped3A : memref<!tpu.dma_semaphore, #tpu.memory_space<semaphore_mem>>) src(%arg14 : memref<128x128xf32, #tpu.memory_space<vmem>>) dst(%dma_wait3A_104 : memref<128x128xf32, #tpu.memory_space<vmem_shared>>)
      tpu.yield
    }) : () -> ()
    %mul3A_73 = arith.constant 640 : i32
    %mul3A_74 = arith.muli %arg1, %mul3A_73 : i32
    %add3A_75 = arith.constant 512 : i32
    %add3A_76 = arith.addi %mul3A_74, %add3A_75 : i32
    "tpu.region"() ({
      %run_scoped3A = tpu.sem_alloc : memref<!tpu.dma_semaphore, #tpu.memory_space<semaphore_mem>>
      %dma_start3A = tpu.memref_slice %arg17[%add3A_76] : memref<10240xf32, #tpu.memory_space<vmem_shared>> -> memref<128xf32, #tpu.memory_space<vmem_shared>>
      %dma_start3A_99 = tpu.memref_slice %arg17[%add3A_76] : memref<10240xf32, #tpu.memory_space<vmem_shared>> -> memref<128xf32, #tpu.memory_space<vmem_shared>>
      tpu.enqueue_dma source(%arg13 : memref<128xf32, #tpu.memory_space<vmem>>) target(%dma_start3A_99 : memref<128xf32, #tpu.memory_space<vmem_shared>>) target_semaphore(%run_scoped3A : memref<!tpu.dma_semaphore, #tpu.memory_space<semaphore_mem>>)
      %dma_wait3A = tpu.memref_slice %arg17[%add3A_76] : memref<10240xf32, #tpu.memory_space<vmem_shared>> -> memref<128xf32, #tpu.memory_space<vmem_shared>>
      %dma_wait3A_100 = tpu.memref_slice %arg17[%add3A_76] : memref<10240xf32, #tpu.memory_space<vmem_shared>> -> memref<128xf32, #tpu.memory_space<vmem_shared>>
      tpu.wait_dma2 semaphore(%run_scoped3A : memref<!tpu.dma_semaphore, #tpu.memory_space<semaphore_mem>>) src(%arg13 : memref<128xf32, #tpu.memory_space<vmem>>) dst(%dma_wait3A_100 : memref<128xf32, #tpu.memory_space<vmem_shared>>)
      tpu.yield
    }) : () -> ()
    "tpu.region"() ({
      %run_scoped3A = tpu.sem_alloc : memref<!tpu.dma_semaphore, #tpu.memory_space<semaphore_mem>>
      tpu.enqueue_dma source(%arg5 : memref<10240xf32, #tpu.memory_space<hbm>>) target(%arg9 : memref<10240xf32, #tpu.memory_space<vmem>>) target_semaphore(%run_scoped3A : memref<!tpu.dma_semaphore, #tpu.memory_space<semaphore_mem>>)
      tpu.wait_dma2 semaphore(%run_scoped3A : memref<!tpu.dma_semaphore, #tpu.memory_space<semaphore_mem>>) src(%arg5 : memref<10240xf32, #tpu.memory_space<hbm>>) dst(%arg9 : memref<10240xf32, #tpu.memory_space<vmem>>)
      tpu.yield
    }) : () -> ()
    "tpu.region"() ({
      %run_scoped3A = tpu.sem_alloc : memref<!tpu.dma_semaphore, #tpu.memory_space<semaphore_mem>>
      tpu.enqueue_dma source(%arg6 : memref<10240xf32, #tpu.memory_space<hbm>>) target(%arg10 : memref<10240xf32, #tpu.memory_space<vmem>>) target_semaphore(%run_scoped3A : memref<!tpu.dma_semaphore, #tpu.memory_space<semaphore_mem>>)
      tpu.wait_dma2 semaphore(%run_scoped3A : memref<!tpu.dma_semaphore, #tpu.memory_space<semaphore_mem>>) src(%arg6 : memref<10240xf32, #tpu.memory_space<hbm>>) dst(%arg10 : memref<10240xf32, #tpu.memory_space<vmem>>)
      tpu.yield
    }) : () -> ()
    %barrier3A = arith.constant 0 : index
    tpu.barrier barrier_id(%barrier3A)
    %scan3A_77 = arith.constant 0 : i32
    %scan3A_78 = arith.constant 0 : i32
    %scan3A_79 = arith.constant 81 : i32
    %scan3A_80 = arith.addi %scan3A_78, %scan3A_79 : i32
    %scan3A_81 = arith.constant 1 : i32
    %scan3A_82 = scf.for %scan3A_99 = %scan3A_78 to %scan3A_80 step %scan3A_81 iter_args(%scan3A_100 = %scan3A_77) -> (i32)  : i32 {
      %mul3A_101 = arith.constant 81 : i32
      %mul3A_102 = arith.muli %add3A, %mul3A_101 : i32
      %add3A_103 = arith.addi %mul3A_102, %scan3A_99 : i32
      %mul3A_104 = arith.constant 128 : i32
      %mul3A_105 = arith.muli %add3A_103, %mul3A_104 : i32
      "tpu.region"() ({
        %run_scoped3A = tpu.sem_alloc : memref<!tpu.dma_semaphore, #tpu.memory_space<semaphore_mem>>
        %dma_start3A_226 = tpu.memref_slice %arg3[%mul3A_105] : memref<331776xi32, #tpu.memory_space<hbm>> -> memref<128xi32, #tpu.memory_space<hbm>>
        %dma_start3A_227 = tpu.memref_slice %arg3[%mul3A_105] : memref<331776xi32, #tpu.memory_space<hbm>> -> memref<128xi32, #tpu.memory_space<hbm>>
        tpu.enqueue_dma source(%dma_start3A_227 : memref<128xi32, #tpu.memory_space<hbm>>) target(%arg11 : memref<128xi32, #tpu.memory_space<vmem>>) target_semaphore(%run_scoped3A : memref<!tpu.dma_semaphore, #tpu.memory_space<semaphore_mem>>)
        %dma_wait3A_228 = tpu.memref_slice %arg3[%mul3A_105] : memref<331776xi32, #tpu.memory_space<hbm>> -> memref<128xi32, #tpu.memory_space<hbm>>
        %dma_wait3A_229 = tpu.memref_slice %arg3[%mul3A_105] : memref<331776xi32, #tpu.memory_space<hbm>> -> memref<128xi32, #tpu.memory_space<hbm>>
        tpu.wait_dma2 semaphore(%run_scoped3A : memref<!tpu.dma_semaphore, #tpu.memory_space<semaphore_mem>>) src(%dma_wait3A_229 : memref<128xi32, #tpu.memory_space<hbm>>) dst(%arg11 : memref<128xi32, #tpu.memory_space<vmem>>)
        tpu.yield
      }) : () -> ()
      "tpu.region"() ({
        %run_scoped3A = tpu.sem_alloc : memref<!tpu.dma_semaphore, #tpu.memory_space<semaphore_mem>>
        %dma_start3A_226 = tpu.memref_slice %arg4[%mul3A_105] : memref<331776xi32, #tpu.memory_space<hbm>> -> memref<128xi32, #tpu.memory_space<hbm>>
        %dma_start3A_227 = tpu.memref_slice %arg4[%mul3A_105] : memref<331776xi32, #tpu.memory_space<hbm>> -> memref<128xi32, #tpu.memory_space<hbm>>
        tpu.enqueue_dma source(%dma_start3A_227 : memref<128xi32, #tpu.memory_space<hbm>>) target(%arg12 : memref<128xi32, #tpu.memory_space<vmem>>) target_semaphore(%run_scoped3A : memref<!tpu.dma_semaphore, #tpu.memory_space<semaphore_mem>>)
        %dma_wait3A_228 = tpu.memref_slice %arg4[%mul3A_105] : memref<331776xi32, #tpu.memory_space<hbm>> -> memref<128xi32, #tpu.memory_space<hbm>>
        %dma_wait3A_229 = tpu.memref_slice %arg4[%mul3A_105] : memref<331776xi32, #tpu.memory_space<hbm>> -> memref<128xi32, #tpu.memory_space<hbm>>
        tpu.wait_dma2 semaphore(%run_scoped3A : memref<!tpu.dma_semaphore, #tpu.memory_space<semaphore_mem>>) src(%dma_wait3A_229 : memref<128xi32, #tpu.memory_space<hbm>>) dst(%arg12 : memref<128xi32, #tpu.memory_space<vmem>>)
        tpu.yield
      }) : () -> ()
      %dma_start3A = arith.constant 0 : i32
      %dma_start3A_106 = arith.constant 0 : i32
      %dma_start3A_107 = tpu.memref_slice %arg2[%dma_start3A, %dma_start3A_106] : memref<10240x128xf32, #tpu.memory_space<hbm>> -> memref<10240x128xf32, #tpu.memory_space<hbm>>
      tpu.enqueue_indirect_dma source(%dma_start3A_107 : memref<10240x128xf32, #tpu.memory_space<hbm>>) target(%arg14 : memref<128x128xf32, #tpu.memory_space<vmem>>) offsets(%arg11 : memref<128xi32, #tpu.memory_space<vmem>>) semaphore(%arg15 : memref<!tpu.dma_semaphore, #tpu.memory_space<semaphore_mem>>)
      %get3A = arith.constant 0 : index
      %get3A_108 = tpu.vector_load %arg11[%get3A] {strides = array<i32>} : memref<128xi32, #tpu.memory_space<vmem>>, vector<16xi32>,
      %get3A_109 = arith.constant 0 : index
      %get3A_110 = tpu.vector_load %arg12[%get3A_109] {strides = array<i32>} : memref<128xi32, #tpu.memory_space<vmem>>, vector<16xi32>,
      %gather3A = tpu.vector_load_idx %arg9[%get3A_108] : memref<10240xf32, #tpu.memory_space<vmem>>[vector<16xi32>], vector<16xf32>,
      %gather3A_111 = tpu.vector_load_idx %arg10[%get3A_110] : memref<10240xf32, #tpu.memory_space<vmem>>[vector<16xi32>], vector<16xf32>,
      %add3A_112 = arith.addf %gather3A, %gather3A_111 : vector<16xf32>
      %mul3A_113 = arith.constant 2.000000e-01 : f32
      %mul3A_114 = vector.broadcast %mul3A_113 : f32 to vector<16xf32>
      %mul3A_115 = arith.mulf %mul3A_114, %add3A_112 : vector<16xf32>
      %max3A = arith.maximumf %add3A_112, %mul3A_115 : vector<16xf32>
      %exp3A = math.exp %max3A : vector<16xf32>
      %swap3A_116 = arith.constant 0 : index
      %swap3A_117 = tpu.vector_load %arg13[%swap3A_116] {strides = array<i32>} : memref<128xf32, #tpu.memory_space<vmem>>, vector<16xf32>,
      tpu.vector_store %arg13[%swap3A_116], %exp3A {strides = array<i32>} : memref<128xf32, #tpu.memory_space<vmem>>, vector<16xf32>,
      %get3A_118 = arith.constant 16 : index
      %get3A_119 = tpu.vector_load %arg11[%get3A_118] {strides = array<i32>} : memref<128xi32, #tpu.memory_space<vmem>>, vector<16xi32>,
      %get3A_120 = arith.constant 16 : index
      %get3A_121 = tpu.vector_load %arg12[%get3A_120] {strides = array<i32>} : memref<128xi32, #tpu.memory_space<vmem>>, vector<16xi32>,
      %gather3A_122 = tpu.vector_load_idx %arg9[%get3A_119] : memref<10240xf32, #tpu.memory_space<vmem>>[vector<16xi32>], vector<16xf32>,
      %gather3A_123 = tpu.vector_load_idx %arg10[%get3A_121] : memref<10240xf32, #tpu.memory_space<vmem>>[vector<16xi32>], vector<16xf32>,
      %add3A_124 = arith.addf %gather3A_122, %gather3A_123 : vector<16xf32>
      %mul3A_125 = arith.constant 2.000000e-01 : f32
      %mul3A_126 = vector.broadcast %mul3A_125 : f32 to vector<16xf32>
      %mul3A_127 = arith.mulf %mul3A_126, %add3A_124 : vector<16xf32>
      %max3A_128 = arith.maximumf %add3A_124, %mul3A_127 : vector<16xf32>
      %exp3A_129 = math.exp %max3A_128 : vector<16xf32>
      %swap3A_130 = arith.constant 16 : index
      %swap3A_131 = tpu.vector_load %arg13[%swap3A_130] {strides = array<i32>} : memref<128xf32, #tpu.memory_space<vmem>>, vector<16xf32>,
      tpu.vector_store %arg13[%swap3A_130], %exp3A_129 {strides = array<i32>} : memref<128xf32, #tpu.memory_space<vmem>>, vector<16xf32>,
      %get3A_132 = arith.constant 32 : index
      %get3A_133 = tpu.vector_load %arg11[%get3A_132] {strides = array<i32>} : memref<128xi32, #tpu.memory_space<vmem>>, vector<16xi32>,
      %get3A_134 = arith.constant 32 : index
      %get3A_135 = tpu.vector_load %arg12[%get3A_134] {strides = array<i32>} : memref<128xi32, #tpu.memory_space<vmem>>, vector<16xi32>,
      %gather3A_136 = tpu.vector_load_idx %arg9[%get3A_133] : memref<10240xf32, #tpu.memory_space<vmem>>[vector<16xi32>], vector<16xf32>,
      %gather3A_137 = tpu.vector_load_idx %arg10[%get3A_135] : memref<10240xf32, #tpu.memory_space<vmem>>[vector<16xi32>], vector<16xf32>,
      %add3A_138 = arith.addf %gather3A_136, %gather3A_137 : vector<16xf32>
      %mul3A_139 = arith.constant 2.000000e-01 : f32
      %mul3A_140 = vector.broadcast %mul3A_139 : f32 to vector<16xf32>
      %mul3A_141 = arith.mulf %mul3A_140, %add3A_138 : vector<16xf32>
      %max3A_142 = arith.maximumf %add3A_138, %mul3A_141 : vector<16xf32>
      %exp3A_143 = math.exp %max3A_142 : vector<16xf32>
      %swap3A_144 = arith.constant 32 : index
      %swap3A_145 = tpu.vector_load %arg13[%swap3A_144] {strides = array<i32>} : memref<128xf32, #tpu.memory_space<vmem>>, vector<16xf32>,
      tpu.vector_store %arg13[%swap3A_144], %exp3A_143 {strides = array<i32>} : memref<128xf32, #tpu.memory_space<vmem>>, vector<16xf32>,
      %get3A_146 = arith.constant 48 : index
      %get3A_147 = tpu.vector_load %arg11[%get3A_146] {strides = array<i32>} : memref<128xi32, #tpu.memory_space<vmem>>, vector<16xi32>,
      %get3A_148 = arith.constant 48 : index
      %get3A_149 = tpu.vector_load %arg12[%get3A_148] {strides = array<i32>} : memref<128xi32, #tpu.memory_space<vmem>>, vector<16xi32>,
      %gather3A_150 = tpu.vector_load_idx %arg9[%get3A_147] : memref<10240xf32, #tpu.memory_space<vmem>>[vector<16xi32>], vector<16xf32>,
      %gather3A_151 = tpu.vector_load_idx %arg10[%get3A_149] : memref<10240xf32, #tpu.memory_space<vmem>>[vector<16xi32>], vector<16xf32>,
      %add3A_152 = arith.addf %gather3A_150, %gather3A_151 : vector<16xf32>
      %mul3A_153 = arith.constant 2.000000e-01 : f32
      %mul3A_154 = vector.broadcast %mul3A_153 : f32 to vector<16xf32>
      %mul3A_155 = arith.mulf %mul3A_154, %add3A_152 : vector<16xf32>
      %max3A_156 = arith.maximumf %add3A_152, %mul3A_155 : vector<16xf32>
      %exp3A_157 = math.exp %max3A_156 : vector<16xf32>
      %swap3A_158 = arith.constant 48 : index
      %swap3A_159 = tpu.vector_load %arg13[%swap3A_158] {strides = array<i32>} : memref<128xf32, #tpu.memory_space<vmem>>, vector<16xf32>,
      tpu.vector_store %arg13[%swap3A_158], %exp3A_157 {strides = array<i32>} : memref<128xf32, #tpu.memory_space<vmem>>, vector<16xf32>,
      %get3A_160 = arith.constant 64 : index
      %get3A_161 = tpu.vector_load %arg11[%get3A_160] {strides = array<i32>} : memref<128xi32, #tpu.memory_space<vmem>>, vector<16xi32>,
      %get3A_162 = arith.constant 64 : index
      %get3A_163 = tpu.vector_load %arg12[%get3A_162] {strides = array<i32>} : memref<128xi32, #tpu.memory_space<vmem>>, vector<16xi32>,
      %gather3A_164 = tpu.vector_load_idx %arg9[%get3A_161] : memref<10240xf32, #tpu.memory_space<vmem>>[vector<16xi32>], vector<16xf32>,
      %gather3A_165 = tpu.vector_load_idx %arg10[%get3A_163] : memref<10240xf32, #tpu.memory_space<vmem>>[vector<16xi32>], vector<16xf32>,
      %add3A_166 = arith.addf %gather3A_164, %gather3A_165 : vector<16xf32>
      %mul3A_167 = arith.constant 2.000000e-01 : f32
      %mul3A_168 = vector.broadcast %mul3A_167 : f32 to vector<16xf32>
      %mul3A_169 = arith.mulf %mul3A_168, %add3A_166 : vector<16xf32>
      %max3A_170 = arith.maximumf %add3A_166, %mul3A_169 : vector<16xf32>
      %exp3A_171 = math.exp %max3A_170 : vector<16xf32>
      %swap3A_172 = arith.constant 64 : index
      %swap3A_173 = tpu.vector_load %arg13[%swap3A_172] {strides = array<i32>} : memref<128xf32, #tpu.memory_space<vmem>>, vector<16xf32>,
      tpu.vector_store %arg13[%swap3A_172], %exp3A_171 {strides = array<i32>} : memref<128xf32, #tpu.memory_space<vmem>>, vector<16xf32>,
      %get3A_174 = arith.constant 80 : index
      %get3A_175 = tpu.vector_load %arg11[%get3A_174] {strides = array<i32>} : memref<128xi32, #tpu.memory_space<vmem>>, vector<16xi32>,
      %get3A_176 = arith.constant 80 : index
      %get3A_177 = tpu.vector_load %arg12[%get3A_176] {strides = array<i32>} : memref<128xi32, #tpu.memory_space<vmem>>, vector<16xi32>,
      %gather3A_178 = tpu.vector_load_idx %arg9[%get3A_175] : memref<10240xf32, #tpu.memory_space<vmem>>[vector<16xi32>], vector<16xf32>,
      %gather3A_179 = tpu.vector_load_idx %arg10[%get3A_177] : memref<10240xf32, #tpu.memory_space<vmem>>[vector<16xi32>], vector<16xf32>,
      %add3A_180 = arith.addf %gather3A_178, %gather3A_179 : vector<16xf32>
      %mul3A_181 = arith.constant 2.000000e-01 : f32
      %mul3A_182 = vector.broadcast %mul3A_181 : f32 to vector<16xf32>
      %mul3A_183 = arith.mulf %mul3A_182, %add3A_180 : vector<16xf32>
      %max3A_184 = arith.maximumf %add3A_180, %mul3A_183 : vector<16xf32>
      %exp3A_185 = math.exp %max3A_184 : vector<16xf32>
      %swap3A_186 = arith.constant 80 : index
      %swap3A_187 = tpu.vector_load %arg13[%swap3A_186] {strides = array<i32>} : memref<128xf32, #tpu.memory_space<vmem>>, vector<16xf32>,
      tpu.vector_store %arg13[%swap3A_186], %exp3A_185 {strides = array<i32>} : memref<128xf32, #tpu.memory_space<vmem>>, vector<16xf32>,
      %get3A_188 = arith.constant 96 : index
      %get3A_189 = tpu.vector_load %arg11[%get3A_188] {strides = array<i32>} : memref<128xi32, #tpu.memory_space<vmem>>, vector<16xi32>,
      %get3A_190 = arith.constant 96 : index
      %get3A_191 = tpu.vector_load %arg12[%get3A_190] {strides = array<i32>} : memref<128xi32, #tpu.memory_space<vmem>>, vector<16xi32>,
      %gather3A_192 = tpu.vector_load_idx %arg9[%get3A_189] : memref<10240xf32, #tpu.memory_space<vmem>>[vector<16xi32>], vector<16xf32>,
      %gather3A_193 = tpu.vector_load_idx %arg10[%get3A_191] : memref<10240xf32, #tpu.memory_space<vmem>>[vector<16xi32>], vector<16xf32>,
      %add3A_194 = arith.addf %gather3A_192, %gather3A_193 : vector<16xf32>
      %mul3A_195 = arith.constant 2.000000e-01 : f32
      %mul3A_196 = vector.broadcast %mul3A_195 : f32 to vector<16xf32>
      %mul3A_197 = arith.mulf %mul3A_196, %add3A_194 : vector<16xf32>
      %max3A_198 = arith.maximumf %add3A_194, %mul3A_197 : vector<16xf32>
      %exp3A_199 = math.exp %max3A_198 : vector<16xf32>
      %swap3A_200 = arith.constant 96 : index
      %swap3A_201 = tpu.vector_load %arg13[%swap3A_200] {strides = array<i32>} : memref<128xf32, #tpu.memory_space<vmem>>, vector<16xf32>,
      tpu.vector_store %arg13[%swap3A_200], %exp3A_199 {strides = array<i32>} : memref<128xf32, #tpu.memory_space<vmem>>, vector<16xf32>,
      %get3A_202 = arith.constant 112 : index
      %get3A_203 = tpu.vector_load %arg11[%get3A_202] {strides = array<i32>} : memref<128xi32, #tpu.memory_space<vmem>>, vector<16xi32>,
      %get3A_204 = arith.constant 112 : index
      %get3A_205 = tpu.vector_load %arg12[%get3A_204] {strides = array<i32>} : memref<128xi32, #tpu.memory_space<vmem>>, vector<16xi32>,
      %gather3A_206 = tpu.vector_load_idx %arg9[%get3A_203] : memref<10240xf32, #tpu.memory_space<vmem>>[vector<16xi32>], vector<16xf32>,
      %gather3A_207 = tpu.vector_load_idx %arg10[%get3A_205] : memref<10240xf32, #tpu.memory_space<vmem>>[vector<16xi32>], vector<16xf32>,
      %add3A_208 = arith.addf %gather3A_206, %gather3A_207 : vector<16xf32>
      %mul3A_209 = arith.constant 2.000000e-01 : f32
      %mul3A_210 = vector.broadcast %mul3A_209 : f32 to vector<16xf32>
      %mul3A_211 = arith.mulf %mul3A_210, %add3A_208 : vector<16xf32>
      %max3A_212 = arith.maximumf %add3A_208, %mul3A_211 : vector<16xf32>
      %exp3A_213 = math.exp %max3A_212 : vector<16xf32>
      %swap3A_214 = arith.constant 112 : index
      %swap3A_215 = tpu.vector_load %arg13[%swap3A_214] {strides = array<i32>} : memref<128xf32, #tpu.memory_space<vmem>>, vector<16xf32>,
      tpu.vector_store %arg13[%swap3A_214], %exp3A_213 {strides = array<i32>} : memref<128xf32, #tpu.memory_space<vmem>>, vector<16xf32>,
      %dma_wait3A = arith.constant 0 : i32
      %dma_wait3A_216 = arith.constant 0 : i32
      %dma_wait3A_217 = tpu.memref_slice %arg2[%dma_wait3A, %dma_wait3A_216] : memref<10240x128xf32, #tpu.memory_space<hbm>> -> memref<10240x128xf32, #tpu.memory_space<hbm>>
      tpu.wait_indirect_dma semaphore(%arg15 : memref<!tpu.dma_semaphore, #tpu.memory_space<semaphore_mem>>) src(%dma_wait3A_217 : memref<10240x128xf32, #tpu.memory_space<hbm>>) dst(%arg14 : memref<128x128xf32, #tpu.memory_space<vmem>>)
      %scan3A_218 = arith.constant 0 : i32
      %scan3A_219 = arith.constant 0 : i32
      %scan3A_220 = arith.constant 32 : i32
      %scan3A_221 = arith.addi %scan3A_219, %scan3A_220 : i32
      %scan3A_222 = arith.constant 1 : i32
      %scan3A_223 = scf.for %scan3A_226 = %scan3A_219 to %scan3A_221 step %scan3A_222 iter_args(%scan3A_227 = %scan3A_218) -> (i32)  : i32 {
        %mul3A_228 = arith.constant 4 : i32
        %mul3A_229 = arith.muli %scan3A_226, %mul3A_228 : i32
        %add3A_230 = arith.constant 0 : i32
        %add3A_231 = arith.addi %mul3A_229, %add3A_230 : i32
        %broadcast_in_dim3A_232 = vector.broadcast %add3A_231 : i32 to vector<16xi32>
        %gather3A_233 = tpu.vector_load_idx %arg13[%broadcast_in_dim3A_232] : memref<128xf32, #tpu.memory_space<vmem>>[vector<16xi32>], vector<16xf32>,
        %get3A_234 = arith.index_cast %add3A_231 : i32 to index
        %get3A_235 = arith.constant 0 : index
        %get3A_236 = tpu.vector_load %arg14[%get3A_234, %get3A_235] {strides = array<i32>} : memref<128x128xf32, #tpu.memory_space<vmem>>, vector<16xf32>,
        %mul3A_237 = arith.mulf %get3A_236, %gather3A_233 : vector<16xf32>
        %swap3A_238 = arith.index_cast %add3A_231 : i32 to index
        %swap3A_239 = arith.constant 0 : index
        %swap3A_240 = tpu.vector_load %arg14[%swap3A_238, %swap3A_239] {strides = array<i32>} : memref<128x128xf32, #tpu.memory_space<vmem>>, vector<16xf32>,
        tpu.vector_store %arg14[%swap3A_238, %swap3A_239], %mul3A_237 {strides = array<i32>} : memref<128x128xf32, #tpu.memory_space<vmem>>, vector<16xf32>,
        %get3A_241 = arith.index_cast %add3A_231 : i32 to index
        %get3A_242 = arith.constant 16 : index
        %get3A_243 = tpu.vector_load %arg14[%get3A_241, %get3A_242] {strides = array<i32>} : memref<128x128xf32, #tpu.memory_space<vmem>>, vector<16xf32>,
        %mul3A_244 = arith.mulf %get3A_243, %gather3A_233 : vector<16xf32>
        %swap3A_245 = arith.index_cast %add3A_231 : i32 to index
        %swap3A_246 = arith.constant 16 : index
        %swap3A_247 = tpu.vector_load %arg14[%swap3A_245, %swap3A_246] {strides = array<i32>} : memref<128x128xf32, #tpu.memory_space<vmem>>, vector<16xf32>,
        tpu.vector_store %arg14[%swap3A_245, %swap3A_246], %mul3A_244 {strides = array<i32>} : memref<128x128xf32, #tpu.memory_space<vmem>>, vector<16xf32>,
        %get3A_248 = arith.index_cast %add3A_231 : i32 to index
        %get3A_249 = arith.constant 32 : index
        %get3A_250 = tpu.vector_load %arg14[%get3A_248, %get3A_249] {strides = array<i32>} : memref<128x128xf32, #tpu.memory_space<vmem>>, vector<16xf32>,
        %mul3A_251 = arith.mulf %get3A_250, %gather3A_233 : vector<16xf32>
        %swap3A_252 = arith.index_cast %add3A_231 : i32 to index
        %swap3A_253 = arith.constant 32 : index
        %swap3A_254 = tpu.vector_load %arg14[%swap3A_252, %swap3A_253] {strides = array<i32>} : memref<128x128xf32, #tpu.memory_space<vmem>>, vector<16xf32>,
        tpu.vector_store %arg14[%swap3A_252, %swap3A_253], %mul3A_251 {strides = array<i32>} : memref<128x128xf32, #tpu.memory_space<vmem>>, vector<16xf32>,
        %get3A_255 = arith.index_cast %add3A_231 : i32 to index
        %get3A_256 = arith.constant 48 : index
        %get3A_257 = tpu.vector_load %arg14[%get3A_255, %get3A_256] {strides = array<i32>} : memref<128x128xf32, #tpu.memory_space<vmem>>, vector<16xf32>,
        %mul3A_258 = arith.mulf %get3A_257, %gather3A_233 : vector<16xf32>
        %swap3A_259 = arith.index_cast %add3A_231 : i32 to index
        %swap3A_260 = arith.constant 48 : index
        %swap3A_261 = tpu.vector_load %arg14[%swap3A_259, %swap3A_260] {strides = array<i32>} : memref<128x128xf32, #tpu.memory_space<vmem>>, vector<16xf32>,
        tpu.vector_store %arg14[%swap3A_259, %swap3A_260], %mul3A_258 {strides = array<i32>} : memref<128x128xf32, #tpu.memory_space<vmem>>, vector<16xf32>,
        %get3A_262 = arith.index_cast %add3A_231 : i32 to index
        %get3A_263 = arith.constant 64 : index
        %get3A_264 = tpu.vector_load %arg14[%get3A_262, %get3A_263] {strides = array<i32>} : memref<128x128xf32, #tpu.memory_space<vmem>>, vector<16xf32>,
        %mul3A_265 = arith.mulf %get3A_264, %gather3A_233 : vector<16xf32>
        %swap3A_266 = arith.index_cast %add3A_231 : i32 to index
        %swap3A_267 = arith.constant 64 : index
        %swap3A_268 = tpu.vector_load %arg14[%swap3A_266, %swap3A_267] {strides = array<i32>} : memref<128x128xf32, #tpu.memory_space<vmem>>, vector<16xf32>,
        tpu.vector_store %arg14[%swap3A_266, %swap3A_267], %mul3A_265 {strides = array<i32>} : memref<128x128xf32, #tpu.memory_space<vmem>>, vector<16xf32>,
        %get3A_269 = arith.index_cast %add3A_231 : i32 to index
        %get3A_270 = arith.constant 80 : index
        %get3A_271 = tpu.vector_load %arg14[%get3A_269, %get3A_270] {strides = array<i32>} : memref<128x128xf32, #tpu.memory_space<vmem>>, vector<16xf32>,
        %mul3A_272 = arith.mulf %get3A_271, %gather3A_233 : vector<16xf32>
        %swap3A_273 = arith.index_cast %add3A_231 : i32 to index
        %swap3A_274 = arith.constant 80 : index
        %swap3A_275 = tpu.vector_load %arg14[%swap3A_273, %swap3A_274] {strides = array<i32>} : memref<128x128xf32, #tpu.memory_space<vmem>>, vector<16xf32>,
        tpu.vector_store %arg14[%swap3A_273, %swap3A_274], %mul3A_272 {strides = array<i32>} : memref<128x128xf32, #tpu.memory_space<vmem>>, vector<16xf32>,
        %get3A_276 = arith.index_cast %add3A_231 : i32 to index
        %get3A_277 = arith.constant 96 : index
        %get3A_278 = tpu.vector_load %arg14[%get3A_276, %get3A_277] {strides = array<i32>} : memref<128x128xf32, #tpu.memory_space<vmem>>, vector<16xf32>,
        %mul3A_279 = arith.mulf %get3A_278, %gather3A_233 : vector<16xf32>
        %swap3A_280 = arith.index_cast %add3A_231 : i32 to index
        %swap3A_281 = arith.constant 96 : index
        %swap3A_282 = tpu.vector_load %arg14[%swap3A_280, %swap3A_281] {strides = array<i32>} : memref<128x128xf32, #tpu.memory_space<vmem>>, vector<16xf32>,
        tpu.vector_store %arg14[%swap3A_280, %swap3A_281], %mul3A_279 {strides = array<i32>} : memref<128x128xf32, #tpu.memory_space<vmem>>, vector<16xf32>,
        %get3A_283 = arith.index_cast %add3A_231 : i32 to index
        %get3A_284 = arith.constant 112 : index
        %get3A_285 = tpu.vector_load %arg14[%get3A_283, %get3A_284] {strides = array<i32>} : memref<128x128xf32, #tpu.memory_space<vmem>>, vector<16xf32>,
        %mul3A_286 = arith.mulf %get3A_285, %gather3A_233 : vector<16xf32>
        %swap3A_287 = arith.index_cast %add3A_231 : i32 to index
        %swap3A_288 = arith.constant 112 : index
        %swap3A_289 = tpu.vector_load %arg14[%swap3A_287, %swap3A_288] {strides = array<i32>} : memref<128x128xf32, #tpu.memory_space<vmem>>, vector<16xf32>,
        tpu.vector_store %arg14[%swap3A_287, %swap3A_288], %mul3A_286 {strides = array<i32>} : memref<128x128xf32, #tpu.memory_space<vmem>>, vector<16xf32>,
        %mul3A_290 = arith.constant 4 : i32
        %mul3A_291 = arith.muli %scan3A_226, %mul3A_290 : i32
        %add3A_292 = arith.constant 1 : i32
        %add3A_293 = arith.addi %mul3A_291, %add3A_292 : i32
        %broadcast_in_dim3A_294 = vector.broadcast %add3A_293 : i32 to vector<16xi32>
        %gather3A_295 = tpu.vector_load_idx %arg13[%broadcast_in_dim3A_294] : memref<128xf32, #tpu.memory_space<vmem>>[vector<16xi32>], vector<16xf32>,
        %get3A_296 = arith.index_cast %add3A_293 : i32 to index
        %get3A_297 = arith.constant 0 : index
        %get3A_298 = tpu.vector_load %arg14[%get3A_296, %get3A_297] {strides = array<i32>} : memref<128x128xf32, #tpu.memory_space<vmem>>, vector<16xf32>,
        %mul3A_299 = arith.mulf %get3A_298, %gather3A_295 : vector<16xf32>
        %swap3A_300 = arith.index_cast %add3A_293 : i32 to index
        %swap3A_301 = arith.constant 0 : index
        %swap3A_302 = tpu.vector_load %arg14[%swap3A_300, %swap3A_301] {strides = array<i32>} : memref<128x128xf32, #tpu.memory_space<vmem>>, vector<16xf32>,
        tpu.vector_store %arg14[%swap3A_300, %swap3A_301], %mul3A_299 {strides = array<i32>} : memref<128x128xf32, #tpu.memory_space<vmem>>, vector<16xf32>,
        %get3A_303 = arith.index_cast %add3A_293 : i32 to index
        %get3A_304 = arith.constant 16 : index
        %get3A_305 = tpu.vector_load %arg14[%get3A_303, %get3A_304] {strides = array<i32>} : memref<128x128xf32, #tpu.memory_space<vmem>>, vector<16xf32>,
        %mul3A_306 = arith.mulf %get3A_305, %gather3A_295 : vector<16xf32>
        %swap3A_307 = arith.index_cast %add3A_293 : i32 to index
        %swap3A_308 = arith.constant 16 : index
        %swap3A_309 = tpu.vector_load %arg14[%swap3A_307, %swap3A_308] {strides = array<i32>} : memref<128x128xf32, #tpu.memory_space<vmem>>, vector<16xf32>,
        tpu.vector_store %arg14[%swap3A_307, %swap3A_308], %mul3A_306 {strides = array<i32>} : memref<128x128xf32, #tpu.memory_space<vmem>>, vector<16xf32>,
        %get3A_310 = arith.index_cast %add3A_293 : i32 to index
        %get3A_311 = arith.constant 32 : index
        %get3A_312 = tpu.vector_load %arg14[%get3A_310, %get3A_311] {strides = array<i32>} : memref<128x128xf32, #tpu.memory_space<vmem>>, vector<16xf32>,
        %mul3A_313 = arith.mulf %get3A_312, %gather3A_295 : vector<16xf32>
        %swap3A_314 = arith.index_cast %add3A_293 : i32 to index
        %swap3A_315 = arith.constant 32 : index
        %swap3A_316 = tpu.vector_load %arg14[%swap3A_314, %swap3A_315] {strides = array<i32>} : memref<128x128xf32, #tpu.memory_space<vmem>>, vector<16xf32>,
        tpu.vector_store %arg14[%swap3A_314, %swap3A_315], %mul3A_313 {strides = array<i32>} : memref<128x128xf32, #tpu.memory_space<vmem>>, vector<16xf32>,
        %get3A_317 = arith.index_cast %add3A_293 : i32 to index
        %get3A_318 = arith.constant 48 : index
        %get3A_319 = tpu.vector_load %arg14[%get3A_317, %get3A_318] {strides = array<i32>} : memref<128x128xf32, #tpu.memory_space<vmem>>, vector<16xf32>,
        %mul3A_320 = arith.mulf %get3A_319, %gather3A_295 : vector<16xf32>
        %swap3A_321 = arith.index_cast %add3A_293 : i32 to index
        %swap3A_322 = arith.constant 48 : index
        %swap3A_323 = tpu.vector_load %arg14[%swap3A_321, %swap3A_322] {strides = array<i32>} : memref<128x128xf32, #tpu.memory_space<vmem>>, vector<16xf32>,
        tpu.vector_store %arg14[%swap3A_321, %swap3A_322], %mul3A_320 {strides = array<i32>} : memref<128x128xf32, #tpu.memory_space<vmem>>, vector<16xf32>,
        %get3A_324 = arith.index_cast %add3A_293 : i32 to index
        %get3A_325 = arith.constant 64 : index
        %get3A_326 = tpu.vector_load %arg14[%get3A_324, %get3A_325] {strides = array<i32>} : memref<128x128xf32, #tpu.memory_space<vmem>>, vector<16xf32>,
        %mul3A_327 = arith.mulf %get3A_326, %gather3A_295 : vector<16xf32>
        %swap3A_328 = arith.index_cast %add3A_293 : i32 to index
        %swap3A_329 = arith.constant 64 : index
        %swap3A_330 = tpu.vector_load %arg14[%swap3A_328, %swap3A_329] {strides = array<i32>} : memref<128x128xf32, #tpu.memory_space<vmem>>, vector<16xf32>,
        tpu.vector_store %arg14[%swap3A_328, %swap3A_329], %mul3A_327 {strides = array<i32>} : memref<128x128xf32, #tpu.memory_space<vmem>>, vector<16xf32>,
        %get3A_331 = arith.index_cast %add3A_293 : i32 to index
        %get3A_332 = arith.constant 80 : index
        %get3A_333 = tpu.vector_load %arg14[%get3A_331, %get3A_332] {strides = array<i32>} : memref<128x128xf32, #tpu.memory_space<vmem>>, vector<16xf32>,
        %mul3A_334 = arith.mulf %get3A_333, %gather3A_295 : vector<16xf32>
        %swap3A_335 = arith.index_cast %add3A_293 : i32 to index
        %swap3A_336 = arith.constant 80 : index
        %swap3A_337 = tpu.vector_load %arg14[%swap3A_335, %swap3A_336] {strides = array<i32>} : memref<128x128xf32, #tpu.memory_space<vmem>>, vector<16xf32>,
        tpu.vector_store %arg14[%swap3A_335, %swap3A_336], %mul3A_334 {strides = array<i32>} : memref<128x128xf32, #tpu.memory_space<vmem>>, vector<16xf32>,
        %get3A_338 = arith.index_cast %add3A_293 : i32 to index
        %get3A_339 = arith.constant 96 : index
        %get3A_340 = tpu.vector_load %arg14[%get3A_338, %get3A_339] {strides = array<i32>} : memref<128x128xf32, #tpu.memory_space<vmem>>, vector<16xf32>,
        %mul3A_341 = arith.mulf %get3A_340, %gather3A_295 : vector<16xf32>
        %swap3A_342 = arith.index_cast %add3A_293 : i32 to index
        %swap3A_343 = arith.constant 96 : index
        %swap3A_344 = tpu.vector_load %arg14[%swap3A_342, %swap3A_343] {strides = array<i32>} : memref<128x128xf32, #tpu.memory_space<vmem>>, vector<16xf32>,
        tpu.vector_store %arg14[%swap3A_342, %swap3A_343], %mul3A_341 {strides = array<i32>} : memref<128x128xf32, #tpu.memory_space<vmem>>, vector<16xf32>,
        %get3A_345 = arith.index_cast %add3A_293 : i32 to index
        %get3A_346 = arith.constant 112 : index
        %get3A_347 = tpu.vector_load %arg14[%get3A_345, %get3A_346] {strides = array<i32>} : memref<128x128xf32, #tpu.memory_space<vmem>>, vector<16xf32>,
        %mul3A_348 = arith.mulf %get3A_347, %gather3A_295 : vector<16xf32>
        %swap3A_349 = arith.index_cast %add3A_293 : i32 to index
        %swap3A_350 = arith.constant 112 : index
        %swap3A_351 = tpu.vector_load %arg14[%swap3A_349, %swap3A_350] {strides = array<i32>} : memref<128x128xf32, #tpu.memory_space<vmem>>, vector<16xf32>,
        tpu.vector_store %arg14[%swap3A_349, %swap3A_350], %mul3A_348 {strides = array<i32>} : memref<128x128xf32, #tpu.memory_space<vmem>>, vector<16xf32>,
        %mul3A_352 = arith.constant 4 : i32
        %mul3A_353 = arith.muli %scan3A_226, %mul3A_352 : i32
        %add3A_354 = arith.constant 2 : i32
        %add3A_355 = arith.addi %mul3A_353, %add3A_354 : i32
        %broadcast_in_dim3A_356 = vector.broadcast %add3A_355 : i32 to vector<16xi32>
        %gather3A_357 = tpu.vector_load_idx %arg13[%broadcast_in_dim3A_356] : memref<128xf32, #tpu.memory_space<vmem>>[vector<16xi32>], vector<16xf32>,
        %get3A_358 = arith.index_cast %add3A_355 : i32 to index
        %get3A_359 = arith.constant 0 : index
        %get3A_360 = tpu.vector_load %arg14[%get3A_358, %get3A_359] {strides = array<i32>} : memref<128x128xf32, #tpu.memory_space<vmem>>, vector<16xf32>,
        %mul3A_361 = arith.mulf %get3A_360, %gather3A_357 : vector<16xf32>
        %swap3A_362 = arith.index_cast %add3A_355 : i32 to index
        %swap3A_363 = arith.constant 0 : index
        %swap3A_364 = tpu.vector_load %arg14[%swap3A_362, %swap3A_363] {strides = array<i32>} : memref<128x128xf32, #tpu.memory_space<vmem>>, vector<16xf32>,
        tpu.vector_store %arg14[%swap3A_362, %swap3A_363], %mul3A_361 {strides = array<i32>} : memref<128x128xf32, #tpu.memory_space<vmem>>, vector<16xf32>,
        %get3A_365 = arith.index_cast %add3A_355 : i32 to index
        %get3A_366 = arith.constant 16 : index
        %get3A_367 = tpu.vector_load %arg14[%get3A_365, %get3A_366] {strides = array<i32>} : memref<128x128xf32, #tpu.memory_space<vmem>>, vector<16xf32>,
        %mul3A_368 = arith.mulf %get3A_367, %gather3A_357 : vector<16xf32>
        %swap3A_369 = arith.index_cast %add3A_355 : i32 to index
        %swap3A_370 = arith.constant 16 : index
        %swap3A_371 = tpu.vector_load %arg14[%swap3A_369, %swap3A_370] {strides = array<i32>} : memref<128x128xf32, #tpu.memory_space<vmem>>, vector<16xf32>,
        tpu.vector_store %arg14[%swap3A_369, %swap3A_370], %mul3A_368 {strides = array<i32>} : memref<128x128xf32, #tpu.memory_space<vmem>>, vector<16xf32>,
        %get3A_372 = arith.index_cast %add3A_355 : i32 to index
        %get3A_373 = arith.constant 32 : index
        %get3A_374 = tpu.vector_load %arg14[%get3A_372, %get3A_373] {strides = array<i32>} : memref<128x128xf32, #tpu.memory_space<vmem>>, vector<16xf32>,
        %mul3A_375 = arith.mulf %get3A_374, %gather3A_357 : vector<16xf32>
        %swap3A_376 = arith.index_cast %add3A_355 : i32 to index
        %swap3A_377 = arith.constant 32 : index
        %swap3A_378 = tpu.vector_load %arg14[%swap3A_376, %swap3A_377] {strides = array<i32>} : memref<128x128xf32, #tpu.memory_space<vmem>>, vector<16xf32>,
        tpu.vector_store %arg14[%swap3A_376, %swap3A_377], %mul3A_375 {strides = array<i32>} : memref<128x128xf32, #tpu.memory_space<vmem>>, vector<16xf32>,
        %get3A_379 = arith.index_cast %add3A_355 : i32 to index
        %get3A_380 = arith.constant 48 : index
        %get3A_381 = tpu.vector_load %arg14[%get3A_379, %get3A_380] {strides = array<i32>} : memref<128x128xf32, #tpu.memory_space<vmem>>, vector<16xf32>,
        %mul3A_382 = arith.mulf %get3A_381, %gather3A_357 : vector<16xf32>
        %swap3A_383 = arith.index_cast %add3A_355 : i32 to index
        %swap3A_384 = arith.constant 48 : index
        %swap3A_385 = tpu.vector_load %arg14[%swap3A_383, %swap3A_384] {strides = array<i32>} : memref<128x128xf32, #tpu.memory_space<vmem>>, vector<16xf32>,
        tpu.vector_store %arg14[%swap3A_383, %swap3A_384], %mul3A_382 {strides = array<i32>} : memref<128x128xf32, #tpu.memory_space<vmem>>, vector<16xf32>,
        %get3A_386 = arith.index_cast %add3A_355 : i32 to index
        %get3A_387 = arith.constant 64 : index
        %get3A_388 = tpu.vector_load %arg14[%get3A_386, %get3A_387] {strides = array<i32>} : memref<128x128xf32, #tpu.memory_space<vmem>>, vector<16xf32>,
        %mul3A_389 = arith.mulf %get3A_388, %gather3A_357 : vector<16xf32>
        %swap3A_390 = arith.index_cast %add3A_355 : i32 to index
        %swap3A_391 = arith.constant 64 : index
        %swap3A_392 = tpu.vector_load %arg14[%swap3A_390, %swap3A_391] {strides = array<i32>} : memref<128x128xf32, #tpu.memory_space<vmem>>, vector<16xf32>,
        tpu.vector_store %arg14[%swap3A_390, %swap3A_391], %mul3A_389 {strides = array<i32>} : memref<128x128xf32, #tpu.memory_space<vmem>>, vector<16xf32>,
        %get3A_393 = arith.index_cast %add3A_355 : i32 to index
        %get3A_394 = arith.constant 80 : index
        %get3A_395 = tpu.vector_load %arg14[%get3A_393, %get3A_394] {strides = array<i32>} : memref<128x128xf32, #tpu.memory_space<vmem>>, vector<16xf32>,
        %mul3A_396 = arith.mulf %get3A_395, %gather3A_357 : vector<16xf32>
        %swap3A_397 = arith.index_cast %add3A_355 : i32 to index
        %swap3A_398 = arith.constant 80 : index
        %swap3A_399 = tpu.vector_load %arg14[%swap3A_397, %swap3A_398] {strides = array<i32>} : memref<128x128xf32, #tpu.memory_space<vmem>>, vector<16xf32>,
        tpu.vector_store %arg14[%swap3A_397, %swap3A_398], %mul3A_396 {strides = array<i32>} : memref<128x128xf32, #tpu.memory_space<vmem>>, vector<16xf32>,
        %get3A_400 = arith.index_cast %add3A_355 : i32 to index
        %get3A_401 = arith.constant 96 : index
        %get3A_402 = tpu.vector_load %arg14[%get3A_400, %get3A_401] {strides = array<i32>} : memref<128x128xf32, #tpu.memory_space<vmem>>, vector<16xf32>,
        %mul3A_403 = arith.mulf %get3A_402, %gather3A_357 : vector<16xf32>
        %swap3A_404 = arith.index_cast %add3A_355 : i32 to index
        %swap3A_405 = arith.constant 96 : index
        %swap3A_406 = tpu.vector_load %arg14[%swap3A_404, %swap3A_405] {strides = array<i32>} : memref<128x128xf32, #tpu.memory_space<vmem>>, vector<16xf32>,
        tpu.vector_store %arg14[%swap3A_404, %swap3A_405], %mul3A_403 {strides = array<i32>} : memref<128x128xf32, #tpu.memory_space<vmem>>, vector<16xf32>,
        %get3A_407 = arith.index_cast %add3A_355 : i32 to index
        %get3A_408 = arith.constant 112 : index
        %get3A_409 = tpu.vector_load %arg14[%get3A_407, %get3A_408] {strides = array<i32>} : memref<128x128xf32, #tpu.memory_space<vmem>>, vector<16xf32>,
        %mul3A_410 = arith.mulf %get3A_409, %gather3A_357 : vector<16xf32>
        %swap3A_411 = arith.index_cast %add3A_355 : i32 to index
        %swap3A_412 = arith.constant 112 : index
        %swap3A_413 = tpu.vector_load %arg14[%swap3A_411, %swap3A_412] {strides = array<i32>} : memref<128x128xf32, #tpu.memory_space<vmem>>, vector<16xf32>,
        tpu.vector_store %arg14[%swap3A_411, %swap3A_412], %mul3A_410 {strides = array<i32>} : memref<128x128xf32, #tpu.memory_space<vmem>>, vector<16xf32>,
        %mul3A_414 = arith.constant 4 : i32
        %mul3A_415 = arith.muli %scan3A_226, %mul3A_414 : i32
        %add3A_416 = arith.constant 3 : i32
        %add3A_417 = arith.addi %mul3A_415, %add3A_416 : i32
        %broadcast_in_dim3A_418 = vector.broadcast %add3A_417 : i32 to vector<16xi32>
        %gather3A_419 = tpu.vector_load_idx %arg13[%broadcast_in_dim3A_418] : memref<128xf32, #tpu.memory_space<vmem>>[vector<16xi32>], vector<16xf32>,
        %get3A_420 = arith.index_cast %add3A_417 : i32 to index
        %get3A_421 = arith.constant 0 : index
        %get3A_422 = tpu.vector_load %arg14[%get3A_420, %get3A_421] {strides = array<i32>} : memref<128x128xf32, #tpu.memory_space<vmem>>, vector<16xf32>,
        %mul3A_423 = arith.mulf %get3A_422, %gather3A_419 : vector<16xf32>
        %swap3A_424 = arith.index_cast %add3A_417 : i32 to index
        %swap3A_425 = arith.constant 0 : index
        %swap3A_426 = tpu.vector_load %arg14[%swap3A_424, %swap3A_425] {strides = array<i32>} : memref<128x128xf32, #tpu.memory_space<vmem>>, vector<16xf32>,
        tpu.vector_store %arg14[%swap3A_424, %swap3A_425], %mul3A_423 {strides = array<i32>} : memref<128x128xf32, #tpu.memory_space<vmem>>, vector<16xf32>,
        %get3A_427 = arith.index_cast %add3A_417 : i32 to index
        %get3A_428 = arith.constant 16 : index
        %get3A_429 = tpu.vector_load %arg14[%get3A_427, %get3A_428] {strides = array<i32>} : memref<128x128xf32, #tpu.memory_space<vmem>>, vector<16xf32>,
        %mul3A_430 = arith.mulf %get3A_429, %gather3A_419 : vector<16xf32>
        %swap3A_431 = arith.index_cast %add3A_417 : i32 to index
        %swap3A_432 = arith.constant 16 : index
        %swap3A_433 = tpu.vector_load %arg14[%swap3A_431, %swap3A_432] {strides = array<i32>} : memref<128x128xf32, #tpu.memory_space<vmem>>, vector<16xf32>,
        tpu.vector_store %arg14[%swap3A_431, %swap3A_432], %mul3A_430 {strides = array<i32>} : memref<128x128xf32, #tpu.memory_space<vmem>>, vector<16xf32>,
        %get3A_434 = arith.index_cast %add3A_417 : i32 to index
        %get3A_435 = arith.constant 32 : index
        %get3A_436 = tpu.vector_load %arg14[%get3A_434, %get3A_435] {strides = array<i32>} : memref<128x128xf32, #tpu.memory_space<vmem>>, vector<16xf32>,
        %mul3A_437 = arith.mulf %get3A_436, %gather3A_419 : vector<16xf32>
        %swap3A_438 = arith.index_cast %add3A_417 : i32 to index
        %swap3A_439 = arith.constant 32 : index
        %swap3A_440 = tpu.vector_load %arg14[%swap3A_438, %swap3A_439] {strides = array<i32>} : memref<128x128xf32, #tpu.memory_space<vmem>>, vector<16xf32>,
        tpu.vector_store %arg14[%swap3A_438, %swap3A_439], %mul3A_437 {strides = array<i32>} : memref<128x128xf32, #tpu.memory_space<vmem>>, vector<16xf32>,
        %get3A_441 = arith.index_cast %add3A_417 : i32 to index
        %get3A_442 = arith.constant 48 : index
        %get3A_443 = tpu.vector_load %arg14[%get3A_441, %get3A_442] {strides = array<i32>} : memref<128x128xf32, #tpu.memory_space<vmem>>, vector<16xf32>,
        %mul3A_444 = arith.mulf %get3A_443, %gather3A_419 : vector<16xf32>
        %swap3A_445 = arith.index_cast %add3A_417 : i32 to index
        %swap3A_446 = arith.constant 48 : index
        %swap3A_447 = tpu.vector_load %arg14[%swap3A_445, %swap3A_446] {strides = array<i32>} : memref<128x128xf32, #tpu.memory_space<vmem>>, vector<16xf32>,
        tpu.vector_store %arg14[%swap3A_445, %swap3A_446], %mul3A_444 {strides = array<i32>} : memref<128x128xf32, #tpu.memory_space<vmem>>, vector<16xf32>,
        %get3A_448 = arith.index_cast %add3A_417 : i32 to index
        %get3A_449 = arith.constant 64 : index
        %get3A_450 = tpu.vector_load %arg14[%get3A_448, %get3A_449] {strides = array<i32>} : memref<128x128xf32, #tpu.memory_space<vmem>>, vector<16xf32>,
        %mul3A_451 = arith.mulf %get3A_450, %gather3A_419 : vector<16xf32>
        %swap3A_452 = arith.index_cast %add3A_417 : i32 to index
        %swap3A_453 = arith.constant 64 : index
        %swap3A_454 = tpu.vector_load %arg14[%swap3A_452, %swap3A_453] {strides = array<i32>} : memref<128x128xf32, #tpu.memory_space<vmem>>, vector<16xf32>,
        tpu.vector_store %arg14[%swap3A_452, %swap3A_453], %mul3A_451 {strides = array<i32>} : memref<128x128xf32, #tpu.memory_space<vmem>>, vector<16xf32>,
        %get3A_455 = arith.index_cast %add3A_417 : i32 to index
        %get3A_456 = arith.constant 80 : index
        %get3A_457 = tpu.vector_load %arg14[%get3A_455, %get3A_456] {strides = array<i32>} : memref<128x128xf32, #tpu.memory_space<vmem>>, vector<16xf32>,
        %mul3A_458 = arith.mulf %get3A_457, %gather3A_419 : vector<16xf32>
        %swap3A_459 = arith.index_cast %add3A_417 : i32 to index
        %swap3A_460 = arith.constant 80 : index
        %swap3A_461 = tpu.vector_load %arg14[%swap3A_459, %swap3A_460] {strides = array<i32>} : memref<128x128xf32, #tpu.memory_space<vmem>>, vector<16xf32>,
        tpu.vector_store %arg14[%swap3A_459, %swap3A_460], %mul3A_458 {strides = array<i32>} : memref<128x128xf32, #tpu.memory_space<vmem>>, vector<16xf32>,
        %get3A_462 = arith.index_cast %add3A_417 : i32 to index
        %get3A_463 = arith.constant 96 : index
        %get3A_464 = tpu.vector_load %arg14[%get3A_462, %get3A_463] {strides = array<i32>} : memref<128x128xf32, #tpu.memory_space<vmem>>, vector<16xf32>,
        %mul3A_465 = arith.mulf %get3A_464, %gather3A_419 : vector<16xf32>
        %swap3A_466 = arith.index_cast %add3A_417 : i32 to index
        %swap3A_467 = arith.constant 96 : index
        %swap3A_468 = tpu.vector_load %arg14[%swap3A_466, %swap3A_467] {strides = array<i32>} : memref<128x128xf32, #tpu.memory_space<vmem>>, vector<16xf32>,
        tpu.vector_store %arg14[%swap3A_466, %swap3A_467], %mul3A_465 {strides = array<i32>} : memref<128x128xf32, #tpu.memory_space<vmem>>, vector<16xf32>,
        %get3A_469 = arith.index_cast %add3A_417 : i32 to index
        %get3A_470 = arith.constant 112 : index
        %get3A_471 = tpu.vector_load %arg14[%get3A_469, %get3A_470] {strides = array<i32>} : memref<128x128xf32, #tpu.memory_space<vmem>>, vector<16xf32>,
        %mul3A_472 = arith.mulf %get3A_471, %gather3A_419 : vector<16xf32>
        %swap3A_473 = arith.index_cast %add3A_417 : i32 to index
        %swap3A_474 = arith.constant 112 : index
        %swap3A_475 = tpu.vector_load %arg14[%swap3A_473, %swap3A_474] {strides = array<i32>} : memref<128x128xf32, #tpu.memory_space<vmem>>, vector<16xf32>,
        tpu.vector_store %arg14[%swap3A_473, %swap3A_474], %mul3A_472 {strides = array<i32>} : memref<128x128xf32, #tpu.memory_space<vmem>>, vector<16xf32>,
        %scan3A_476 = arith.constant 0 : i32
        scf.yield %scan3A_476 : i32
      }
      %scan3A_224 = arith.constant 32 : i32
      "tpu.region"() ({
        %run_scoped3A = tpu.sem_alloc : memref<!tpu.dma_semaphore, #tpu.memory_space<semaphore_mem>>
        %dma_start3A_226 = arith.constant 0 : i32
        %dma_start3A_227 = tpu.memref_slice %arg17[%dma_start3A_226] : memref<10240xf32, #tpu.memory_space<vmem_shared>> -> memref<10240xf32, #tpu.memory_space<vmem_shared>>
        tpu.enqueue_indirect_dma source(%arg13 : memref<128xf32, #tpu.memory_space<vmem>>) target(%dma_start3A_227 : memref<10240xf32, #tpu.memory_space<vmem_shared>>) offsets(%arg12 : memref<128xi32, #tpu.memory_space<vmem>>) semaphore(%run_scoped3A : memref<!tpu.dma_semaphore, #tpu.memory_space<semaphore_mem>>) {add = true}
        %dma_wait3A_228 = arith.constant 0 : i32
        %dma_wait3A_229 = tpu.memref_slice %arg17[%dma_wait3A_228] : memref<10240xf32, #tpu.memory_space<vmem_shared>> -> memref<10240xf32, #tpu.memory_space<vmem_shared>>
        tpu.wait_indirect_dma semaphore(%run_scoped3A : memref<!tpu.dma_semaphore, #tpu.memory_space<semaphore_mem>>) src(%arg13 : memref<128xf32, #tpu.memory_space<vmem>>) dst(%dma_wait3A_229 : memref<10240xf32, #tpu.memory_space<vmem_shared>>)
        tpu.yield
      }) : () -> ()
      "tpu.region"() ({
        %run_scoped3A = tpu.sem_alloc : memref<!tpu.dma_semaphore, #tpu.memory_space<semaphore_mem>>
        %dma_start3A_226 = arith.constant 0 : i32
        %dma_start3A_227 = arith.constant 0 : i32
        %dma_start3A_228 = tpu.memref_slice %arg16[%dma_start3A_226, %dma_start3A_227] : memref<10240x128xf32, #tpu.memory_space<vmem_shared>> -> memref<10240x128xf32, #tpu.memory_space<vmem_shared>>
        tpu.enqueue_indirect_dma source(%arg14 : memref<128x128xf32, #tpu.memory_space<vmem>>) target(%dma_start3A_228 : memref<10240x128xf32, #tpu.memory_space<vmem_shared>>) offsets(%arg12 : memref<128xi32, #tpu.memory_space<vmem>>) semaphore(%run_scoped3A : memref<!tpu.dma_semaphore, #tpu.memory_space<semaphore_mem>>) {add = true}
        %dma_wait3A_229 = arith.constant 0 : i32
        %dma_wait3A_230 = arith.constant 0 : i32
        %dma_wait3A_231 = tpu.memref_slice %arg16[%dma_wait3A_229, %dma_wait3A_230] : memref<10240x128xf32, #tpu.memory_space<vmem_shared>> -> memref<10240x128xf32, #tpu.memory_space<vmem_shared>>
        tpu.wait_indirect_dma semaphore(%run_scoped3A : memref<!tpu.dma_semaphore, #tpu.memory_space<semaphore_mem>>) src(%arg14 : memref<128x128xf32, #tpu.memory_space<vmem>>) dst(%dma_wait3A_231 : memref<10240x128xf32, #tpu.memory_space<vmem_shared>>)
        tpu.yield
      }) : () -> ()
      %scan3A_225 = arith.constant 0 : i32
      scf.yield %scan3A_225 : i32
    }
    %scan3A_83 = arith.constant 81 : i32
    %barrier3A_84 = arith.constant 0 : index
    tpu.barrier barrier_id(%barrier3A_84)
    %mul3A_85 = arith.constant 640 : i32
    %mul3A_86 = arith.muli %arg1, %mul3A_85 : i32
    %mul3A_87 = arith.constant 10240 : i32
    %mul3A_88 = arith.muli %arg0, %mul3A_87 : i32
    %mul3A_89 = arith.constant 640 : i32
    %mul3A_90 = arith.muli %arg1, %mul3A_89 : i32
    %add3A_91 = arith.addi %mul3A_88, %mul3A_90 : i32
    "tpu.region"() ({
      %run_scoped3A = tpu.sem_alloc : memref<!tpu.dma_semaphore, #tpu.memory_space<semaphore_mem>>
      %dma_start3A = arith.constant 0 : i32
      %dma_start3A_99 = tpu.memref_slice %arg7[%add3A_91, %dma_start3A] : memref<20480x128xf32, #tpu.memory_space<hbm>> -> memref<640x128xf32, #tpu.memory_space<hbm>>
      %dma_start3A_100 = arith.constant 0 : i32
      %dma_start3A_101 = tpu.memref_slice %arg16[%mul3A_86, %dma_start3A_100] : memref<10240x128xf32, #tpu.memory_space<vmem_shared>> -> memref<640x128xf32, #tpu.memory_space<vmem_shared>>
      tpu.enqueue_dma source(%dma_start3A_101 : memref<640x128xf32, #tpu.memory_space<vmem_shared>>) target(%dma_start3A_99 : memref<640x128xf32, #tpu.memory_space<hbm>>) target_semaphore(%run_scoped3A : memref<!tpu.dma_semaphore, #tpu.memory_space<semaphore_mem>>)
      %dma_wait3A = arith.constant 0 : i32
      %dma_wait3A_102 = tpu.memref_slice %arg7[%add3A_91, %dma_wait3A] : memref<20480x128xf32, #tpu.memory_space<hbm>> -> memref<640x128xf32, #tpu.memory_space<hbm>>
      %dma_wait3A_103 = arith.constant 0 : i32
      %dma_wait3A_104 = tpu.memref_slice %arg16[%mul3A_86, %dma_wait3A_103] : memref<10240x128xf32, #tpu.memory_space<vmem_shared>> -> memref<640x128xf32, #tpu.memory_space<vmem_shared>>
      tpu.wait_dma2 semaphore(%run_scoped3A : memref<!tpu.dma_semaphore, #tpu.memory_space<semaphore_mem>>) src(%dma_wait3A_104 : memref<640x128xf32, #tpu.memory_space<vmem_shared>>) dst(%dma_wait3A_102 : memref<640x128xf32, #tpu.memory_space<hbm>>)
      tpu.yield
    }) : () -> ()
    %mul3A_92 = arith.constant 640 : i32
    %mul3A_93 = arith.muli %arg1, %mul3A_92 : i32
    %mul3A_94 = arith.constant 10240 : i32
    %mul3A_95 = arith.muli %arg0, %mul3A_94 : i32
    %mul3A_96 = arith.constant 640 : i32
    %mul3A_97 = arith.muli %arg1, %mul3A_96 : i32
    %add3A_98 = arith.addi %mul3A_95, %mul3A_97 : i32
    "tpu.region"() ({
      %run_scoped3A = tpu.sem_alloc : memref<!tpu.dma_semaphore, #tpu.memory_space<semaphore_mem>>
      %dma_start3A = tpu.memref_slice %arg8[%add3A_98] : memref<20480xf32, #tpu.memory_space<hbm>> -> memref<640xf32, #tpu.memory_space<hbm>>
      %dma_start3A_99 = tpu.memref_slice %arg17[%mul3A_93] : memref<10240xf32, #tpu.memory_space<vmem_shared>> -> memref<640xf32, #tpu.memory_space<vmem_shared>>
      tpu.enqueue_dma source(%dma_start3A_99 : memref<640xf32, #tpu.memory_space<vmem_shared>>) target(%dma_start3A : memref<640xf32, #tpu.memory_space<hbm>>) target_semaphore(%run_scoped3A : memref<!tpu.dma_semaphore, #tpu.memory_space<semaphore_mem>>)
      %dma_wait3A = tpu.memref_slice %arg8[%add3A_98] : memref<20480xf32, #tpu.memory_space<hbm>> -> memref<640xf32, #tpu.memory_space<hbm>>
      %dma_wait3A_100 = tpu.memref_slice %arg17[%mul3A_93] : memref<10240xf32, #tpu.memory_space<vmem_shared>> -> memref<640xf32, #tpu.memory_space<vmem_shared>>
      tpu.wait_dma2 semaphore(%run_scoped3A : memref<!tpu.dma_semaphore, #tpu.memory_space<semaphore_mem>>) src(%dma_wait3A_100 : memref<640xf32, #tpu.memory_space<vmem_shared>>) dst(%dma_wait3A : memref<640xf32, #tpu.memory_space<hbm>>)
      tpu.yield
    }) : () -> ()
    return
  }
}

module attributes {stable_mosaic.version = 14 : i64} {
  func.func @_dense1_body(%arg0: i32, %arg1: memref<512x128xf32, #tpu.memory_space<vmem>>, %arg2: memref<128x128xf32, #tpu.memory_space<vmem>>, %arg3: memref<128xf32, #tpu.memory_space<vmem>>, %arg4: memref<128xf32, #tpu.memory_space<vmem>>, %arg5: memref<512x128xf32, #tpu.memory_space<vmem>>, %arg6: memref<512x1xf32, #tpu.memory_space<vmem>>, %arg7: memref<512x1xf32, #tpu.memory_space<vmem>>) attributes {dimension_semantics = [#tpu.dimension_semantics<arbitrary>], iteration_bounds = array<i64: 20>, scalar_prefetch = 0 : i64, scratch_operands = 0 : i64, tpu.core_type = #tpu.core_type<tc>, window_params = [{transform_indices = @transform_0, window_bounds = array<i64: 512, 128>}, {pipeline_mode = #tpu.pipeline_mode<synchronous>, transform_indices = @transform_1, window_bounds = array<i64: 128, 128>}, {pipeline_mode = #tpu.pipeline_mode<synchronous>, transform_indices = @transform_2, window_bounds = array<i64: 128>}, {pipeline_mode = #tpu.pipeline_mode<synchronous>, transform_indices = @transform_3, window_bounds = array<i64: 128>}, {transform_indices = @transform_4, window_bounds = array<i64: 512, 128>}, {transform_indices = @transform_5, window_bounds = array<i64: 512, 1>}, {transform_indices = @transform_6, window_bounds = array<i64: 512, 1>}]} {
    %get3A = arith.constant 0 : index
    %get3A_0 = arith.constant 0 : index
    %get3A_1 = vector.load %arg1[%get3A, %get3A_0] : memref<512x128xf32, #tpu.memory_space<vmem>>, vector<512x128xf32>
    %get3A_2 = arith.constant 0 : index
    %get3A_3 = arith.constant 0 : index
    %get3A_4 = vector.load %arg2[%get3A_2, %get3A_3] : memref<128x128xf32, #tpu.memory_space<vmem>>, vector<128x128xf32>
    %dot_general3A = arith.constant dense<0.000000e+00> : vector<512x128xf32>
    %dot_general3A_5 = tpu.matmul %get3A_1, %get3A_4, %dot_general3A {dimension_numbers = #tpu.dot_dimension_numbers<[1], [0], [0], [1], [0, 0, 1, 1], [], []>, transpose_lhs_hint = false} : vector<512x128xf32>, vector<128x128xf32>, vector<512x128xf32> -> vector<512x128xf32>
    %swap3A = arith.constant 0 : index
    %swap3A_6 = arith.constant 0 : index
    %swap3A_7 = vector.load %arg5[%swap3A, %swap3A_6] : memref<512x128xf32, #tpu.memory_space<vmem>>, vector<512x128xf32>
    tpu.vector_store %arg5[%swap3A, %swap3A_6], %dot_general3A_5 {strides = array<i32>} : memref<512x128xf32, #tpu.memory_space<vmem>>, vector<512x128xf32>,
    %get3A_8 = arith.constant 0 : index
    %get3A_9 = vector.load %arg3[%get3A_8] : memref<128xf32, #tpu.memory_space<vmem>>, vector<128xf32>
    %dot_general3A_10 = arith.constant dense<0.000000e+00> : vector<512xf32>
    %dot_general3A_11 = tpu.matmul %dot_general3A_5, %get3A_9, %dot_general3A_10 {dimension_numbers = #tpu.dot_dimension_numbers<[1], [0], [0], [], [0, 0], [], []>, transpose_lhs_hint = false} : vector<512x128xf32>, vector<128xf32>, vector<512xf32> -> vector<512xf32>
    %broadcast_in_dim3A = vector.shape_cast %dot_general3A_11 : vector<512xf32> to vector<512x1xf32>
    %swap3A_12 = arith.constant 0 : index
    %swap3A_13 = arith.constant 0 : index
    %swap3A_14 = vector.load %arg6[%swap3A_12, %swap3A_13] : memref<512x1xf32, #tpu.memory_space<vmem>>, vector<512x1xf32>
    tpu.vector_store %arg6[%swap3A_12, %swap3A_13], %broadcast_in_dim3A {strides = array<i32>} : memref<512x1xf32, #tpu.memory_space<vmem>>, vector<512x1xf32>,
    %get3A_15 = arith.constant 0 : index
    %get3A_16 = vector.load %arg4[%get3A_15] : memref<128xf32, #tpu.memory_space<vmem>>, vector<128xf32>
    %dot_general3A_17 = arith.constant dense<0.000000e+00> : vector<512xf32>
    %dot_general3A_18 = tpu.matmul %dot_general3A_5, %get3A_16, %dot_general3A_17 {dimension_numbers = #tpu.dot_dimension_numbers<[1], [0], [0], [], [0, 0], [], []>, transpose_lhs_hint = false} : vector<512x128xf32>, vector<128xf32>, vector<512xf32> -> vector<512xf32>
    %broadcast_in_dim3A_19 = vector.shape_cast %dot_general3A_18 : vector<512xf32> to vector<512x1xf32>
    %swap3A_20 = arith.constant 0 : index
    %swap3A_21 = arith.constant 0 : index
    %swap3A_22 = vector.load %arg7[%swap3A_20, %swap3A_21] : memref<512x1xf32, #tpu.memory_space<vmem>>, vector<512x1xf32>
    tpu.vector_store %arg7[%swap3A_20, %swap3A_21], %broadcast_in_dim3A_19 {strides = array<i32>} : memref<512x1xf32, #tpu.memory_space<vmem>>, vector<512x1xf32>,
    return
  }
  func.func @transform_0(%arg0: i32) -> (i32, i32) {
    %c0_i32 = arith.constant 0 : i32
    %c0_i32_0 = arith.constant 0 : i32
    return %arg0, %c0_i32 : i32, i32
  }
  func.func @transform_1(%arg0: i32) -> (i32, i32) {
    %c0_i32 = arith.constant 0 : i32
    %c0_i32_0 = arith.constant 0 : i32
    %c0_i32_1 = arith.constant 0 : i32
    return %c0_i32, %c0_i32_0 : i32, i32
  }
  func.func @transform_2(%arg0: i32) -> i32 {
    %c0_i32 = arith.constant 0 : i32
    %c0_i32_0 = arith.constant 0 : i32
    return %c0_i32 : i32
  }
  func.func @transform_3(%arg0: i32) -> i32 {
    %c0_i32 = arith.constant 0 : i32
    %c0_i32_0 = arith.constant 0 : i32
    return %c0_i32 : i32
  }
  func.func @transform_4(%arg0: i32) -> (i32, i32) {
    %c0_i32 = arith.constant 0 : i32
    %c0_i32_0 = arith.constant 0 : i32
    return %arg0, %c0_i32 : i32, i32
  }
  func.func @transform_5(%arg0: i32) -> (i32, i32) {
    %c0_i32 = arith.constant 0 : i32
    %c0_i32_0 = arith.constant 0 : i32
    return %arg0, %c0_i32 : i32, i32
  }
  func.func @transform_6(%arg0: i32) -> (i32, i32) {
    %c0_i32 = arith.constant 0 : i32
    %c0_i32_0 = arith.constant 0 : i32
    return %arg0, %c0_i32 : i32, i32
  }
}

module attributes {stable_mosaic.version = 14 : i64} {
  func.func @_mid_body(%arg0: i32, %arg1: memref<2x512x128xf32, #tpu.memory_space<vmem>>, %arg2: memref<2x512x1xf32, #tpu.memory_space<vmem>>, %arg3: memref<128xf32, #tpu.memory_space<vmem>>, %arg4: memref<128x128xf32, #tpu.memory_space<vmem>>, %arg5: memref<128xf32, #tpu.memory_space<vmem>>, %arg6: memref<128xf32, #tpu.memory_space<vmem>>, %arg7: memref<512x128xf32, #tpu.memory_space<vmem>>, %arg8: memref<512x1xf32, #tpu.memory_space<vmem>>, %arg9: memref<512x1xf32, #tpu.memory_space<vmem>>) attributes {dimension_semantics = [#tpu.dimension_semantics<arbitrary>], iteration_bounds = array<i64: 20>, scalar_prefetch = 0 : i64, scratch_operands = 0 : i64, tpu.core_type = #tpu.core_type<tc>, window_params = [{transform_indices = @transform_0, window_bounds = array<i64: 2, 512, 128>}, {transform_indices = @transform_1, window_bounds = array<i64: 2, 512, 1>}, {pipeline_mode = #tpu.pipeline_mode<synchronous>, transform_indices = @transform_2, window_bounds = array<i64: 128>}, {pipeline_mode = #tpu.pipeline_mode<synchronous>, transform_indices = @transform_3, window_bounds = array<i64: 128, 128>}, {pipeline_mode = #tpu.pipeline_mode<synchronous>, transform_indices = @transform_4, window_bounds = array<i64: 128>}, {pipeline_mode = #tpu.pipeline_mode<synchronous>, transform_indices = @transform_5, window_bounds = array<i64: 128>}, {transform_indices = @transform_6, window_bounds = array<i64: 512, 128>}, {transform_indices = @transform_7, window_bounds = array<i64: 512, 1>}, {transform_indices = @transform_8, window_bounds = array<i64: 512, 1>}]} {
    %get3A = arith.constant 0 : index
    %get3A_0 = arith.constant 0 : index
    %get3A_1 = arith.constant 0 : index
    %get3A_2 = vector.load %arg1[%get3A, %get3A_0, %get3A_1] : memref<2x512x128xf32, #tpu.memory_space<vmem>>, vector<1x512x128xf32>
    %get3A_3 = vector.shape_cast %get3A_2 : vector<1x512x128xf32> to vector<512x128xf32>
    %get3A_4 = arith.constant 1 : index
    %get3A_5 = arith.constant 0 : index
    %get3A_6 = arith.constant 0 : index
    %get3A_7 = vector.load %arg1[%get3A_4, %get3A_5, %get3A_6] : memref<2x512x128xf32, #tpu.memory_space<vmem>>, vector<1x512x128xf32>
    %get3A_8 = vector.shape_cast %get3A_7 : vector<1x512x128xf32> to vector<512x128xf32>
    %add3A = arith.addf %get3A_3, %get3A_8 : vector<512x128xf32>
    %get3A_9 = arith.constant 0 : index
    %get3A_10 = arith.constant 0 : index
    %get3A_11 = arith.constant 0 : index
    %get3A_12 = vector.load %arg2[%get3A_9, %get3A_10, %get3A_11] : memref<2x512x1xf32, #tpu.memory_space<vmem>>, vector<1x512x1xf32>
    %get3A_13 = vector.shape_cast %get3A_12 : vector<1x512x1xf32> to vector<512x1xf32>
    %get3A_14 = arith.constant 1 : index
    %get3A_15 = arith.constant 0 : index
    %get3A_16 = arith.constant 0 : index
    %get3A_17 = vector.load %arg2[%get3A_14, %get3A_15, %get3A_16] : memref<2x512x1xf32, #tpu.memory_space<vmem>>, vector<1x512x1xf32>
    %get3A_18 = vector.shape_cast %get3A_17 : vector<1x512x1xf32> to vector<512x1xf32>
    %add3A_19 = arith.addf %get3A_13, %get3A_18 : vector<512x1xf32>
    %add3A_20 = arith.constant 1.000000e-16 : f32
    %add3A_21 = vector.broadcast %add3A_20 : f32 to vector<512x1xf32>
    %add3A_22 = arith.addf %add3A_19, %add3A_21 : vector<512x1xf32>
    %div3A = vector.broadcast %add3A_22 : vector<512x1xf32> to vector<512x128xf32>
    %div3A_23 = arith.divf %add3A, %div3A : vector<512x128xf32>
    %get3A_24 = arith.constant 0 : index
    %get3A_25 = vector.load %arg3[%get3A_24] : memref<128xf32, #tpu.memory_space<vmem>>, vector<128xf32>
    %broadcast_in_dim3A = vector.shape_cast %get3A_25 : vector<128xf32> to vector<1x128xf32>
    %add3A_26 = vector.broadcast %broadcast_in_dim3A : vector<1x128xf32> to vector<512x128xf32>
    %add3A_27 = arith.addf %div3A_23, %add3A_26 : vector<512x128xf32>
    %max3A = arith.constant 0.000000e+00 : f32
    %max3A_28 = vector.broadcast %max3A : f32 to vector<512x128xf32>
    %max3A_29 = arith.maximumf %add3A_27, %max3A_28 : vector<512x128xf32>
    %get3A_30 = arith.constant 0 : index
    %get3A_31 = arith.constant 0 : index
    %get3A_32 = vector.load %arg4[%get3A_30, %get3A_31] : memref<128x128xf32, #tpu.memory_space<vmem>>, vector<128x128xf32>
    %dot_general3A = arith.constant dense<0.000000e+00> : vector<512x128xf32>
    %dot_general3A_33 = tpu.matmul %max3A_29, %get3A_32, %dot_general3A {dimension_numbers = #tpu.dot_dimension_numbers<[1], [0], [0], [1], [0, 0, 1, 1], [], []>, transpose_lhs_hint = false} : vector<512x128xf32>, vector<128x128xf32>, vector<512x128xf32> -> vector<512x128xf32>
    %swap3A = arith.constant 0 : index
    %swap3A_34 = arith.constant 0 : index
    %swap3A_35 = vector.load %arg7[%swap3A, %swap3A_34] : memref<512x128xf32, #tpu.memory_space<vmem>>, vector<512x128xf32>
    tpu.vector_store %arg7[%swap3A, %swap3A_34], %dot_general3A_33 {strides = array<i32>} : memref<512x128xf32, #tpu.memory_space<vmem>>, vector<512x128xf32>,
    %get3A_36 = arith.constant 0 : index
    %get3A_37 = vector.load %arg5[%get3A_36] : memref<128xf32, #tpu.memory_space<vmem>>, vector<128xf32>
    %dot_general3A_38 = arith.constant dense<0.000000e+00> : vector<512xf32>
    %dot_general3A_39 = tpu.matmul %dot_general3A_33, %get3A_37, %dot_general3A_38 {dimension_numbers = #tpu.dot_dimension_numbers<[1], [0], [0], [], [0, 0], [], []>, transpose_lhs_hint = false} : vector<512x128xf32>, vector<128xf32>, vector<512xf32> -> vector<512xf32>
    %broadcast_in_dim3A_40 = vector.shape_cast %dot_general3A_39 : vector<512xf32> to vector<512x1xf32>
    %swap3A_41 = arith.constant 0 : index
    %swap3A_42 = arith.constant 0 : index
    %swap3A_43 = vector.load %arg8[%swap3A_41, %swap3A_42] : memref<512x1xf32, #tpu.memory_space<vmem>>, vector<512x1xf32>
    tpu.vector_store %arg8[%swap3A_41, %swap3A_42], %broadcast_in_dim3A_40 {strides = array<i32>} : memref<512x1xf32, #tpu.memory_space<vmem>>, vector<512x1xf32>,
    %get3A_44 = arith.constant 0 : index
    %get3A_45 = vector.load %arg6[%get3A_44] : memref<128xf32, #tpu.memory_space<vmem>>, vector<128xf32>
    %dot_general3A_46 = arith.constant dense<0.000000e+00> : vector<512xf32>
    %dot_general3A_47 = tpu.matmul %dot_general3A_33, %get3A_45, %dot_general3A_46 {dimension_numbers = #tpu.dot_dimension_numbers<[1], [0], [0], [], [0, 0], [], []>, transpose_lhs_hint = false} : vector<512x128xf32>, vector<128xf32>, vector<512xf32> -> vector<512xf32>
    %broadcast_in_dim3A_48 = vector.shape_cast %dot_general3A_47 : vector<512xf32> to vector<512x1xf32>
    %swap3A_49 = arith.constant 0 : index
    %swap3A_50 = arith.constant 0 : index
    %swap3A_51 = vector.load %arg9[%swap3A_49, %swap3A_50] : memref<512x1xf32, #tpu.memory_space<vmem>>, vector<512x1xf32>
    tpu.vector_store %arg9[%swap3A_49, %swap3A_50], %broadcast_in_dim3A_48 {strides = array<i32>} : memref<512x1xf32, #tpu.memory_space<vmem>>, vector<512x1xf32>,
    return
  }
  func.func @transform_0(%arg0: i32) -> (i32, i32, i32) {
    %c0_i32 = arith.constant 0 : i32
    %c0_i32_0 = arith.constant 0 : i32
    %c0_i32_1 = arith.constant 0 : i32
    return %c0_i32, %arg0, %c0_i32_0 : i32, i32, i32
  }
  func.func @transform_1(%arg0: i32) -> (i32, i32, i32) {
    %c0_i32 = arith.constant 0 : i32
    %c0_i32_0 = arith.constant 0 : i32
    %c0_i32_1 = arith.constant 0 : i32
    return %c0_i32, %arg0, %c0_i32_0 : i32, i32, i32
  }
  func.func @transform_2(%arg0: i32) -> i32 {
    %c0_i32 = arith.constant 0 : i32
    %c0_i32_0 = arith.constant 0 : i32
    return %c0_i32 : i32
  }
  func.func @transform_3(%arg0: i32) -> (i32, i32) {
    %c0_i32 = arith.constant 0 : i32
    %c0_i32_0 = arith.constant 0 : i32
    %c0_i32_1 = arith.constant 0 : i32
    return %c0_i32, %c0_i32_0 : i32, i32
  }
  func.func @transform_4(%arg0: i32) -> i32 {
    %c0_i32 = arith.constant 0 : i32
    %c0_i32_0 = arith.constant 0 : i32
    return %c0_i32 : i32
  }
  func.func @transform_5(%arg0: i32) -> i32 {
    %c0_i32 = arith.constant 0 : i32
    %c0_i32_0 = arith.constant 0 : i32
    return %c0_i32 : i32
  }
  func.func @transform_6(%arg0: i32) -> (i32, i32) {
    %c0_i32 = arith.constant 0 : i32
    %c0_i32_0 = arith.constant 0 : i32
    return %arg0, %c0_i32 : i32, i32
  }
  func.func @transform_7(%arg0: i32) -> (i32, i32) {
    %c0_i32 = arith.constant 0 : i32
    %c0_i32_0 = arith.constant 0 : i32
    return %arg0, %c0_i32 : i32, i32
  }
  func.func @transform_8(%arg0: i32) -> (i32, i32) {
    %c0_i32 = arith.constant 0 : i32
    %c0_i32_0 = arith.constant 0 : i32
    return %arg0, %c0_i32 : i32, i32
  }
}

module attributes {stable_mosaic.version = 14 : i64} {
  func.func @_final_body(%arg0: i32, %arg1: memref<2x512x128xf32, #tpu.memory_space<vmem>>, %arg2: memref<2x512x1xf32, #tpu.memory_space<vmem>>, %arg3: memref<128xf32, #tpu.memory_space<vmem>>, %arg4: memref<512x128xf32, #tpu.memory_space<vmem>>) attributes {dimension_semantics = [#tpu.dimension_semantics<arbitrary>], iteration_bounds = array<i64: 20>, scalar_prefetch = 0 : i64, scratch_operands = 0 : i64, tpu.core_type = #tpu.core_type<tc>, window_params = [{transform_indices = @transform_0, window_bounds = array<i64: 2, 512, 128>}, {transform_indices = @transform_1, window_bounds = array<i64: 2, 512, 1>}, {pipeline_mode = #tpu.pipeline_mode<synchronous>, transform_indices = @transform_2, window_bounds = array<i64: 128>}, {transform_indices = @transform_3, window_bounds = array<i64: 512, 128>}]} {
    %get3A = arith.constant 0 : index
    %get3A_0 = arith.constant 0 : index
    %get3A_1 = arith.constant 0 : index
    %get3A_2 = vector.load %arg1[%get3A, %get3A_0, %get3A_1] : memref<2x512x128xf32, #tpu.memory_space<vmem>>, vector<1x512x128xf32>
    %get3A_3 = vector.shape_cast %get3A_2 : vector<1x512x128xf32> to vector<512x128xf32>
    %get3A_4 = arith.constant 1 : index
    %get3A_5 = arith.constant 0 : index
    %get3A_6 = arith.constant 0 : index
    %get3A_7 = vector.load %arg1[%get3A_4, %get3A_5, %get3A_6] : memref<2x512x128xf32, #tpu.memory_space<vmem>>, vector<1x512x128xf32>
    %get3A_8 = vector.shape_cast %get3A_7 : vector<1x512x128xf32> to vector<512x128xf32>
    %add3A = arith.addf %get3A_3, %get3A_8 : vector<512x128xf32>
    %get3A_9 = arith.constant 0 : index
    %get3A_10 = arith.constant 0 : index
    %get3A_11 = arith.constant 0 : index
    %get3A_12 = vector.load %arg2[%get3A_9, %get3A_10, %get3A_11] : memref<2x512x1xf32, #tpu.memory_space<vmem>>, vector<1x512x1xf32>
    %get3A_13 = vector.shape_cast %get3A_12 : vector<1x512x1xf32> to vector<512x1xf32>
    %get3A_14 = arith.constant 1 : index
    %get3A_15 = arith.constant 0 : index
    %get3A_16 = arith.constant 0 : index
    %get3A_17 = vector.load %arg2[%get3A_14, %get3A_15, %get3A_16] : memref<2x512x1xf32, #tpu.memory_space<vmem>>, vector<1x512x1xf32>
    %get3A_18 = vector.shape_cast %get3A_17 : vector<1x512x1xf32> to vector<512x1xf32>
    %add3A_19 = arith.addf %get3A_13, %get3A_18 : vector<512x1xf32>
    %add3A_20 = arith.constant 1.000000e-16 : f32
    %add3A_21 = vector.broadcast %add3A_20 : f32 to vector<512x1xf32>
    %add3A_22 = arith.addf %add3A_19, %add3A_21 : vector<512x1xf32>
    %div3A = vector.broadcast %add3A_22 : vector<512x1xf32> to vector<512x128xf32>
    %div3A_23 = arith.divf %add3A, %div3A : vector<512x128xf32>
    %get3A_24 = arith.constant 0 : index
    %get3A_25 = vector.load %arg3[%get3A_24] : memref<128xf32, #tpu.memory_space<vmem>>, vector<128xf32>
    %broadcast_in_dim3A = vector.shape_cast %get3A_25 : vector<128xf32> to vector<1x128xf32>
    %add3A_26 = vector.broadcast %broadcast_in_dim3A : vector<1x128xf32> to vector<512x128xf32>
    %add3A_27 = arith.addf %div3A_23, %add3A_26 : vector<512x128xf32>
    %reduce_max3A = arith.constant dense<0xFF800000> : vector<512xf32>
    %reduce_max3A_28 = vector.multi_reduction <maximumf>, %add3A_27, %reduce_max3A [1] : vector<512x128xf32> to vector<512xf32>
    %broadcast_in_dim3A_29 = vector.shape_cast %reduce_max3A_28 : vector<512xf32> to vector<512x1xf32>
    %sub3A = vector.broadcast %broadcast_in_dim3A_29 : vector<512x1xf32> to vector<512x128xf32>
    %sub3A_30 = arith.subf %add3A_27, %sub3A : vector<512x128xf32>
    %exp3A = math.exp %sub3A_30 : vector<512x128xf32>
    %reduce_sum3A = arith.constant dense<0.000000e+00> : vector<512xf32>
    %reduce_sum3A_31 = vector.multi_reduction <add>, %exp3A, %reduce_sum3A [1] : vector<512x128xf32> to vector<512xf32>
    %broadcast_in_dim3A_32 = vector.shape_cast %reduce_sum3A_31 : vector<512xf32> to vector<512x1xf32>
    %log3A = math.log %broadcast_in_dim3A_32 : vector<512x1xf32>
    %sub3A_33 = vector.broadcast %broadcast_in_dim3A_29 : vector<512x1xf32> to vector<512x128xf32>
    %sub3A_34 = arith.subf %add3A_27, %sub3A_33 : vector<512x128xf32>
    %sub3A_35 = vector.broadcast %log3A : vector<512x1xf32> to vector<512x128xf32>
    %sub3A_36 = arith.subf %sub3A_34, %sub3A_35 : vector<512x128xf32>
    %swap3A = arith.constant 0 : index
    %swap3A_37 = arith.constant 0 : index
    %swap3A_38 = vector.load %arg4[%swap3A, %swap3A_37] : memref<512x128xf32, #tpu.memory_space<vmem>>, vector<512x128xf32>
    tpu.vector_store %arg4[%swap3A, %swap3A_37], %sub3A_36 {strides = array<i32>} : memref<512x128xf32, #tpu.memory_space<vmem>>, vector<512x128xf32>,
    return
  }
  func.func @transform_0(%arg0: i32) -> (i32, i32, i32) {
    %c0_i32 = arith.constant 0 : i32
    %c0_i32_0 = arith.constant 0 : i32
    %c0_i32_1 = arith.constant 0 : i32
    return %c0_i32, %arg0, %c0_i32_0 : i32, i32, i32
  }
  func.func @transform_1(%arg0: i32) -> (i32, i32, i32) {
    %c0_i32 = arith.constant 0 : i32
    %c0_i32_0 = arith.constant 0 : i32
    %c0_i32_1 = arith.constant 0 : i32
    return %c0_i32, %arg0, %c0_i32_0 : i32, i32, i32
  }
  func.func @transform_2(%arg0: i32) -> i32 {
    %c0_i32 = arith.constant 0 : i32
    %c0_i32_0 = arith.constant 0 : i32
    return %c0_i32 : i32
  }
  func.func @transform_3(%arg0: i32) -> (i32, i32) {
    %c0_i32 = arith.constant 0 : i32
    %c0_i32_0 = arith.constant 0 : i32
    return %arg0, %c0_i32 : i32, i32
  }
}

</mosaic_0001>

<sc_bundles>
// kernel: kernel.10.cloned.1.call-start
scs
__scs_entry_jumppad:
0x0: {  	(pc) =	sbr.rel $0x88, $3  }
0x1: {  	(tag) =	ssettag $0x0;
	lr =	simm.s32 $0x1  }
0x2: {  	[smem:$0x3F97] =	sst lr;
	_ =	strace $0xD0000000  }
0x3: {  	_ = 	snop  }
0x4: {  	_ = 	snop  }
0x5: {  	_ = 	snop  }
0x6: {  	_ = 	snop  }
0x7: {  	_ = 	snop  }
__scs_overlays_trampoline_lowered:
0x8: {  	[smem:$0x3FA6] =	sst s0  }
0x9: {  	[smem:$0x3FA7] =	sst s1  }
0xa: {  	[smem:$0x3FA8] =	sst s2  }
0xb: {  	[smem:$0x3FA9] =	sst s3  }
0xc: {  	[smem:$0x3FAA] =	sst s4  }
0xd: {  	[smem:$0x3FAB] =	sst s5  }
0xe: {  	[smem:$0x3FAC] =	sst s6  }
0xf: {  	[smem:$0x3FAD] =	sst s7  }
0x10: {  	[smem:$0x3FAE] =	sst s8  }
0x11: {  	[smem:$0x3FAF] =	sst s9;
	s0 =	simm.s32 @!p0 $0x0  }
0x12: {  	s1 =	sld [smem:$0x3F95];
	s0 =	simm.s32 @p0 $0x1  }
0x13: {  	[smem:$0x3FB0] =	sst s0;
	s0 =	simm.s32 @!p1 $0x0  }
0x14: {  	s2 =	sld [smem:$0x3F94];
	s0 =	simm.s32 @p1 $0x1  }
0x15: {  	[smem:$0x3FB1] =	sst s0;
	s0 =	simm.s32 @!p2 $0x0  }
0x16: {  	s3 =	sld [smem:$0x3FDB];
	s0 =	simm.s32 @p2 $0x1  }
0x17: {  	s4 =	simm.s32 $0x1BF5;
	[smem:$0x3FB3] =	sst s0  }
0x18: {  	s0 =	sld [smem:$0x3F96];
	_ =	swait.ge [sflag:s4], $0x0  }
0x19: {  	s7 =	sld [smem:$0x3F97]  }
0x1a: {  	s8 =	sadd.s32 $0xFFFFE003, lr  }
0x1b: {  	s9 =	sadd.s32 $0xFFFFFEF7, lr;
	s5 =	simm.s32 $0xFFFFFFFF;
	p2 =	slt.u32 s8, $0xFFFFF086  }
0x1c: {  	p1 =	slt.u32 s9, $0xF7A;
	s5 =	simm.s32 @!p2 $0x0  }
0x1d: {  	s5 =	simm.s32 @p1 $0x1;
	p0 =	seq.s32 s7, s2  }
0x1e: {  	s7 =	smul.u32 @!p0 $0xF7A, s2;
	p2 =	seq.s32 @!p0 s5, $0x0  }
0x1f: {  	s9 =	smul.u32 $0xF7A, s1;
	s8 =	simm.s32 @!p0 $0x1BF5;
	p2 =	por !p2, p0  }
0x20: {  	[sflag:s8] =	ssyncset.s32 @!p0 $0xFFFFF086;
	s6 =	sadd.s32 @!p0 s3, s7;
	s7 =	simm.s32 @!p0 $0x108  }
0x21: {  	s3 =	sadd.s32 s3, s9;
	s6 =	sadd.s32 @!p0 $0x88, s6;
	s7 =	simm.s32 @p2 $0x1082  }
0x22: {  	[simem:s7], [sflag:s8] =	dma.local @!p0 [hbm:s6], $0xF7A  }
0x23: {  	s9 =	sor.u32 $0xD0000000, s2;
	s6 =	simm.s32 $0x108;
	_ =	swait.ge @!p0 [sflag:s8], $0x0  }
0x24: {  	s3 =	sadd.s32 $0x88, s3;
	s6 =	simm.s32 @!p1 $0x1082;
	[sflag:s4] =	ssyncset.s32 $0xFFFFF086  }
0x25: {  	[simem:s6], [sflag:s4] =	dma.local [hbm:s3], $0xF7A  }
0x26: {  	[smem:$0x3F97] =	sst s1;
	(tag) =	ssettag s2;
	_ =	strace s9  }
0x27: {  	s1 =	sld [smem:$0x3FA7]  }
0x28: {  	s2 =	sld [smem:$0x3FA8]  }
0x29: {  	s4 =	sld [smem:$0x3FAA]  }
0x2a: {  	p0 =	seq.s32 s5, $0x0;
	s5 =	sld [smem:$0x3FAB]  }
0x2b: {  	s6 =	sld [smem:$0x3FAC]  }
0x2c: {  	s7 =	sld [smem:$0x3FAD]  }
0x2d: {  	s3 =	simm.s32 $0x108;
	s8 =	sld [smem:$0x3FAE]  }
0x2e: {  	s3 =	simm.s32 @!p0 $0x1082;
	s9 =	sld [smem:$0x3FAF]  }
0x2f: {  	lr =	sadd.s32 s0, s3;
	s0 =	sld [smem:$0x3FA6]  }
0x30: {  	s3 =	sld [smem:$0x3FA9]  }
0x31: {  	[smem:$0x3FB2] =	sst s10  }
0x32: {  	s10 =	sld [smem:$0x3FB0];
	_ =	sdelay $0x3  }
0x33: {  	p0 =	seq.s32 s10, $0x1;
	s10 =	sld [smem:$0x3FB2];
	_ =	sdelay $0x3  }
0x34: {  	[smem:$0x3FB2] =	sst s10  }
0x35: {  	s10 =	sld [smem:$0x3FB1];
	_ =	sdelay $0x3  }
0x36: {  	p1 =	seq.s32 s10, $0x1;
	s10 =	sld [smem:$0x3FB2];
	_ =	sdelay $0x3  }
0x37: {  	[smem:$0x3FB2] =	sst s10  }
0x38: {  	s10 =	sld [smem:$0x3FB3]  }
0x39: {  	_ = 	snop;
	(pc) =	sbr.ind lr, $3  }
0x3a: {  	_ = 	snop  }
0x3b: {  	_ = 	snop  }
0x3c: {  	p2 =	seq.s32 s10, $0x1;
	s10 =	sld [smem:$0x3FB2]  }
0x3d: {  	_ =	shalt  }
0x3e: {  	_ =	shalt  }
0x3f: {  	_ =	shalt  }
0x40: {  	_ =	shalt  }
0x41: {  	_ =	shalt  }
0x42: {  	_ =	shalt  }
0x43: {  	_ =	shalt  }
0x44: {  	_ =	shalt  }
0x45: {  	_ =	shalt  }
0x46: {  	_ =	shalt  }
0x47: {  	_ =	shalt  }
0x48: {  	_ =	shalt  }
0x49: {  	_ =	shalt  }
0x4a: {  	_ =	shalt  }
0x4b: {  	_ =	shalt  }
0x4c: {  	_ =	shalt  }
0x4d: {  	_ =	shalt  }
0x4e: {  	_ =	shalt  }
0x4f: {  	_ =	shalt  }
0x50: {  	_ =	shalt  }
0x51: {  	_ =	shalt  }
0x52: {  	_ =	shalt  }
0x53: {  	_ =	shalt  }
0x54: {  	_ =	shalt  }
0x55: {  	_ =	shalt  }
0x56: {  	_ =	shalt  }
0x57: {  	_ =	shalt  }
0x58: {  	_ =	shalt  }
0x59: {  	_ =	shalt  }
0x5a: {  	_ =	shalt  }
0x5b: {  	_ =	shalt  }
0x5c: {  	_ =	shalt  }
0x5d: {  	_ =	shalt  }
0x5e: {  	_ =	shalt  }
0x5f: {  	_ =	shalt  }
0x60: {  	_ =	shalt  }
0x61: {  	_ =	shalt  }
0x62: {  	_ =	shalt  }
0x63: {  	_ =	shalt  }
0x64: {  	_ =	shalt  }
0x65: {  	_ =	shalt  }
0x66: {  	_ =	shalt  }
0x67: {  	_ =	shalt  }
0x68: {  	_ =	shalt  }
0x69: {  	_ =	shalt  }
0x6a: {  	_ =	shalt  }
0x6b: {  	_ =	shalt  }
0x6c: {  	_ =	shalt  }
0x6d: {  	_ =	shalt  }
0x6e: {  	_ =	shalt  }
0x6f: {  	_ =	shalt  }
0x70: {  	_ =	shalt  }
0x71: {  	_ =	shalt  }
0x72: {  	_ =	shalt  }
0x73: {  	_ =	shalt  }
0x74: {  	_ =	shalt  }
0x75: {  	_ =	shalt  }
0x76: {  	_ =	shalt  }
0x77: {  	_ =	shalt  }
0x78: {  	_ =	shalt  }
0x79: {  	_ =	shalt  }
0x7a: {  	_ =	shalt  }
0x7b: {  	_ =	shalt  }
0x7c: {  	_ =	shalt  }
0x7d: {  	_ =	shalt  }
0x7e: {  	_ =	shalt  }
0x7f: {  	_ =	shalt  }
0x80: {  	_ =	shalt  }
0x81: {  	_ =	shalt  }
0x82: {  	_ =	shalt  }
0x83: {  	_ =	shalt  }
0x84: {  	_ =	shalt  }
0x85: {  	_ =	shalt  }
0x86: {  	_ =	shalt  }
0x87: {  	_ =	shalt  }
.Lfunc_end0:
.L_simem_size_0:
called_computation.1_lowered:
.L_overlay_start_0:
0x88: {  	s2 =	sld [smem:$0x3FD9]  }
0x89: {  	s3 =	sld [smem:$0x3FFE];
	_ =	sdelay $0x1  }
0x8a: {  	s1 =	srdreg.scid  }
0x8b: {  	s0 =	sand.u32 $0x1, s1  }
0x8c: {  	s17 =	sshll.u32 s0, $0xA;
	s2 =	sadd.s32 s3, s2  }
0x8d: {  	s2 =	sadd.s32 s2, s17  }
0x8e: {  	[smem:$0x3FBE] =	sst s2  }
0x8f: {  	_ = 	snop  }
0x90: {  	s2 =	sld [smem:$0x3FD0];
	(tm) =	ssettm $0x1  }
0x91: {  	s18 =	sld [smem:$0x3FFB];
	_ =	sdelay $0x3  }
0x92: {  	_ =	strace s18  }
0x93: {  	s3 =	sld [smem:$0x3FFC];
	_ =	sdelay $0x3  }
0x94: {  	_ =	strace s3  }
0x95: {  	s3 =	sld [smem:$0x3FFD];
	_ =	sdelay $0x3  }
0x96: {  	_ =	strace s3  }
0x97: {  	_ =	strace $0x8FFFFFFF  }
0x98: {  	s19 =	sld [smem:$0x3FDB];
	_ =	sdelay $0x1  }
0x99: {  	s4 =	simm.s32 $_scs_section_size  }
0x9a: {  	s5 =	simm.s32 $_size__tile_overlayer_lowered;
	s6 =	simm.s32 $_tile_overlayer_lowered  }
0x9b: {  	s22 =	simm.s32 $0x1BFF;
	s21 =	sshll.u32 s6, $0x1;
	s3 =	sadd.s32 s4, s19  }
0x9c: {  	s7 =	simm.s32 $0x0;
	s20 =	sshll.u32 s5, $0x1;
	s5 =	sadd.s32 s21, s3  }
0x9d: {  	[timem:s7], [sflag:s22] =	dma.local [hbm:s5], s20  }
0x9e: {  	_ =	swait.ge [sflag:s22], s20  }
0x9f: {  	s4 =	ssub.s32 $0x0, s20;
	[sflag:s22] =	ssyncset.done $0x0  }
0xa0: {  	[sflag:s22] =	ssyncadd.s32 s4;
	_ =	sdelay $0x1  }
0xa1: {  	s23 =	simm.s32 $0x1B8B  }
0xa2: {  	_ =	swait.ge [sflag:s23], $0x1  }
0xa3: {  	[sflag:s23] =	ssyncset.done $0x0  }
0xa4: {  	s25 =	simm.s32 $0x1B8E;
	s24 =	sld [smem:$0x3FFE];
	[sflag:s23] =	ssyncadd.s32 $0xFFFFFFFF  }
0xa5: {  	s26 =	simm.s32 $execute0_lowered;
	[smem:$0x3FD2] =	sst s25  }
0xa6: {  	s5 =	sshll.u32 s26, $0x1;
	_ =	strace $0x80000049;
	[dreg:$0x1] =	wrdreg $0xFFFFFFFF  }
0xa7: {  	s28 =	simm.s32 $_size_execute0_lowered;
	s3 =	sadd.s32 s3, s5;
	[dreg:$0x0] =	wrdreg $0x0  }
0xa8: {  	s5 =	sshll.u32 s28, $0x1;
	[dreg:$0x2] =	wrdreg s3  }
0xa9: {  	[dreg:$0x3] =	wrdreg s5  }
0xaa: {  	[dreg:$0x4] =	wrdreg $0xC0  }
0xab: {  	_ =	task [dreg:s7], $0x5FFFF  }
0xac: {  	[dreg:$0x1] =	wrdreg $0xFFFFFFFF  }
0xad: {  	[dreg:$0x0] =	wrdreg $0x60  }
0xae: {  	[dreg:$0x2] =	wrdreg s24  }
0xaf: {  	[dreg:$0x3] =	wrdreg s2  }
0xb0: {  	[dreg:$0x4] =	wrdreg $0x91800  }
0xb1: {  	[dreg:$0x5] =	wrdreg $0x1D1800  }
0xb2: {  	[dreg:$0x6] =	wrdreg $0x9  }
0xb3: {  	_ =	task.clear_ibuf [dreg:s7], $0x7FFFF;
	_ =	strace $0x90000049  }
0xb4: {  	s29 =	simm.s32 $0x9;
	_ =	strace $0x8000004B  }
0xb5: {  	_ =	swait.ge [sflag:s29], $0x1  }
0xb6: {  	[sflag:s29] =	ssyncadd.s32 $0xFFFFFFFF  }
0xb7: {  	_ =	strace $0x9000004B  }
0xb8: {  	_ =	sfence  }
0xb9: {  	s30 =	sld [smem:$0x0];
	_ =	sdelay $0x2  }
0xba: {  	s31 =	sshll.u32 s1, $0xD;
	s1 =	sshrl.u32 s1, $0x2  }
0xbb: {  	s3 =	sand.u32 $0x4000, s31;
	s1 =	sadd.s32 s1, s30  }
0xbc: {  	s0 =	sor.u32 s3, s0;
	s1 =	sshll.u32 s1, $0x11  }
0xbd: {  	s0 =	sor.u32 s1, s0  }
0xbe: {  	s0 =	sadd.s32 $0x8F2B, s0  }
0xbf: {  	[sflag:s0] =	ssyncadd.remote.s32 $0x1  }
0xc0: {  	_ =	sfence.sel $0xFFFF  }
0xc1: {  	[dreg:$0x0] =	wrdreg $0xFFFFFFFF;
	(pc) =	sbr.abs _section_cstart, $3  }
0xc2: {  	[dreg:$0x1] =	wrdreg $0xFFFFFFFF  }
0xc3: {  	_ =	task.clear_ibuf [dreg:s7], $0x2FFFF;
	_ =	strace $0x9FFFFFFF  }
0xc4: {  	(tm) =	ssettm $0x7FFFFFFF  }
0xc5: {  	_ =	shalt  }
tec
execute0_lowered:
.L_overlay_start_1:
0x0: {  	(tag) =	ssettag $0x1  }
0x1: {  	s0 =	rddreg [dreg:$0x0]  }
0x2: {  	s1 =	rddreg [dreg:$0x1]  }
0x3: {  	s3 =	rddreg [dreg:$0x2]  }
0x4: {  	s4 =	rddreg [dreg:$0x3];
	s2 =	srdreg.scid  }
0x5: {  	s15 =	stileid.u32;
	s5 =	simm.s32 $0x0;
	s28 =	simm.s32 $0x2800  }
0x6: {  	s29 =	simm.s32 $0x5000;
	s30 =	simm.s32 $0x5080;
	s31 =	simm.s32 $0x80  }
0x7: {  	s2 =	sand.u32 $0x1, s2;
	s8 =	smul.u32 $0x280, s15;
	[smem:$0x7FF] =	sst s5  }
0x8: {  	s6 =	sadd.s32 $0xC00, s0;
	s7 =	sadd.s32 $0x29800, s0;
	s10 =	sadd.s32 $0x28C00, s0  }
0x9: {  	s13 =	sadd.s32 $0x29200, s0;
	_ =	strace $0x8000004A;
	[dreg:$0x5] =	wrdreg s10  }
0xa: {  	s9 =	smul.u32 $0x2800, s2;
	[dreg:$0x6] =	wrdreg s13;
	s11 =	ssub.s32 $0x2, s2  }
0xb: {  	s13 =	smul.u32 $0x50000, s15;
	s2 =	sshll.u32 s2, $0x4;
	s12 =	sshrl.u32 s11, $0x1  }
0xc: {  	s21 =	sadd.s32 $0x80, s8;
	s2 =	sor.u32 s15, s2;
	s23 =	sadd.s32 $0x100, s8  }
0xd: {  	s17 =	sadd.s32 $0x180, s8;
	s9 =	sadd.s32 s8, s9;
	s16 =	ssub.s32 s11, s12  }
0xe: {  	s20 =	sshrl.u32 s13, $0x2;
	s22 =	sshll.u32 s21, $0x7;
	s11 =	sadd.s32 s8, s4  }
0xf: {  	s12 =	sadd.s32 s21, s4;
	s24 =	sshll.u32 s23, $0x7;
	s25 =	sshll.u32 s17, $0x7  }
0x10: {  	s8 =	sadd.s32 $0x200, s8;
	s17 =	sadd.s32 s17, s4;
	s14 =	sshll.u32 s9, $0x4  }
0x11: {  	s9 =	sshrl.u32 s9, $0x3;
	s10 =	sadd.s32 s20, s3;
	s13 =	sadd.s32 s22, s3  }
0x12: {  	[dreg:$0x8] =	wrdreg s12;
	s12 =	sadd.s32 s24, s3;
	s26 =	sshll.u32 s8, $0x7  }
0x13: {  	s19 =	sadd.s32 s8, s4;
	s20 =	smul.u32 $0x51, s2;
	s24 =	simm.s32 $0x5180  }
0x14: {  	s14 =	sadd.s32 s14, s0;
	s0 =	sadd.s32 s9, s0;
	[dreg:$0x7] =	wrdreg s13  }
0x15: {  	[dreg:$0x9] =	wrdreg s12;
	s13 =	sadd.s32 s23, s4;
	s12 =	sadd.s32 s25, s3  }
0x16: {  	s18 =	sadd.s32 s26, s3;
	s23 =	smax.u32 s16, $0x1;
	[dreg:$0xa] =	wrdreg s13  }
0x17: {  	s25 =	simm.s32 $0x2;
	s26 =	simm.s32 $0x5100;
	[dreg:$0xb] =	wrdreg s12  }
0x18: {  	v0 =	vimm.f32 $0.0e+00;
	s21 =	sadd.s32 $0x34400, s14;
	s22 =	sadd.s32 $0x33A00, s0;
	s0 =	simm.s32 $0x1  }
.LBB2_1:
0x19: {  	s2 =	simm.s32 $0x0;
	s8 =	simm.s32 $0x200  }
.LBB2_2:
0x1a: {  	p0 =	sne.s32 s8, $0xFE00;
	[tilespmem:s2+$0x51F0] =	vst v0  }
0x1b: {  	[tilespmem:s2+$0x5180] =	vst v0  }
0x1c: {  	[tilespmem:s2+$0x5190] =	vst v0  }
.Ltmp0:
0x1d: {  	[tilespmem:s2+$0x51A0] =	vst v0;
	(pc) =	sbr.rel @p0 .LBB2_2-.Ltmp0, $4  }
0x1e: {  	[tilespmem:s2+$0x51B0] =	vst v0  }
0x1f: {  	[tilespmem:s2+$0x51C0] =	vst v0  }
0x20: {  	[tilespmem:s2+$0x51D0] =	vst v0  }
0x21: {  	[tilespmem:s2+$0x51E0] =	vst v0;
	s2 =	sshra.s32 s8, $0x2;
	s8 =	sadd.s32 $0x200, s8  }
0x22: {  	[tilespmem:s2+$0x51F0] =	vst v0  }
0x23: {  	[tilespmem:s2+$0x5180] =	vst v0  }
0x24: {  	[tilespmem:s2+$0x5190] =	vst v0  }
0x25: {  	[tilespmem:s2+$0x51A0] =	vst v0  }
0x26: {  	[tilespmem:s2+$0x51B0] =	vst v0  }
0x27: {  	[tilespmem:s2+$0x51C0] =	vst v0  }
0x28: {  	[tilespmem:s2+$0x51D0] =	vst v0  }
0x29: {  	[tilespmem:s2+$0x51E0] =	vst v0  }
0x2a: {  	[tilespmem:$0x5100] =	vst v0  }
0x2b: {  	[tilespmem:$0x5110] =	vst v0  }
0x2c: {  	[tilespmem:$0x5120] =	vst v0  }
0x2d: {  	[tilespmem:$0x5130] =	vst v0  }
0x2e: {  	[tilespmem:$0x5140] =	vst v0  }
0x2f: {  	[tilespmem:$0x5150] =	vst v0  }
0x30: {  	[tilespmem:$0x5160] =	vst v0  }
0x31: {  	[tilespmem:$0x5170] =	vst v0  }
0x32: {  	[spmem:s10] =	stream.linear.scatter [tilespmem:s24], [sflag:$0x2], $0x4000, $0x38;
	[tilespmem:$0x1D400] =	vst v63  }
0x33: {  	_ =	swait.ge [sflag:s25], $0x4000  }
0x34: {  	[sflag:s25] =	ssyncset.done $0x0  }
0x35: {  	[sflag:s25] =	ssyncadd.s32 $0xFFFFC000  }
0x36: {  	[spmem:s11] =	stream.linear.scatter [tilespmem:s26], [sflag:$0x2], $0x80, $0x38;
	[tilespmem:$0x1D400] =	vst v63  }
0x37: {  	_ =	swait.ge [sflag:s25], $0x80  }
0x38: {  	[sflag:s25] =	ssyncset.done $0x0  }
0x39: {  	s9 =	rddreg [dreg:$0x7];
	[sflag:s25] =	ssyncadd.s32 $0xFFFFFF80  }
0x3a: {  	[spmem:s9] =	stream.linear.scatter [tilespmem:s24], [sflag:$0x2], $0x4000, $0x38;
	[tilespmem:$0x1D400] =	vst v63  }
0x3b: {  	_ =	swait.ge [sflag:s25], $0x4000  }
0x3c: {  	[sflag:s25] =	ssyncset.done $0x0  }
0x3d: {  	s12 =	rddreg [dreg:$0x8];
	[sflag:s25] =	ssyncadd.s32 $0xFFFFC000  }
0x3e: {  	[spmem:s12] =	stream.linear.scatter [tilespmem:s26], [sflag:$0x2], $0x80, $0x38;
	[tilespmem:$0x1D400] =	vst v63  }
0x3f: {  	_ =	swait.ge [sflag:s25], $0x80  }
0x40: {  	[sflag:s25] =	ssyncset.done $0x0  }
0x41: {  	s13 =	rddreg [dreg:$0x9];
	[sflag:s25] =	ssyncadd.s32 $0xFFFFFF80  }
0x42: {  	[spmem:s13] =	stream.linear.scatter [tilespmem:s24], [sflag:$0x2], $0x4000, $0x38;
	[tilespmem:$0x1D400] =	vst v63  }
0x43: {  	_ =	swait.ge [sflag:s25], $0x4000  }
0x44: {  	[sflag:s25] =	ssyncset.done $0x0  }
0x45: {  	s14 =	rddreg [dreg:$0xa];
	[sflag:s25] =	ssyncadd.s32 $0xFFFFC000  }
0x46: {  	[spmem:s14] =	stream.linear.scatter [tilespmem:s26], [sflag:$0x2], $0x80, $0x38;
	[tilespmem:$0x1D400] =	vst v63  }
0x47: {  	_ =	swait.ge [sflag:s25], $0x80  }
0x48: {  	[sflag:s25] =	ssyncset.done $0x0  }
0x49: {  	s15 =	rddreg [dreg:$0xb];
	[sflag:s25] =	ssyncadd.s32 $0xFFFFFF80  }
0x4a: {  	[spmem:s15] =	stream.linear.scatter [tilespmem:s24], [sflag:$0x2], $0x4000, $0x38;
	[tilespmem:$0x1D400] =	vst v63  }
0x4b: {  	_ =	swait.ge [sflag:s25], $0x4000  }
0x4c: {  	[sflag:s25] =	ssyncset.done $0x0  }
0x4d: {  	[sflag:s25] =	ssyncadd.s32 $0xFFFFC000  }
0x4e: {  	[spmem:s17] =	stream.linear.scatter [tilespmem:s26], [sflag:$0x2], $0x80, $0x38;
	[tilespmem:$0x1D400] =	vst v63  }
0x4f: {  	_ =	swait.ge [sflag:s25], $0x80  }
0x50: {  	[sflag:s25] =	ssyncset.done $0x0  }
0x51: {  	[sflag:s25] =	ssyncadd.s32 $0xFFFFFF80  }
0x52: {  	[spmem:s18] =	stream.linear.scatter [tilespmem:s24], [sflag:$0x2], $0x4000, $0x38;
	[tilespmem:$0x1D400] =	vst v63  }
0x53: {  	_ =	swait.ge [sflag:s25], $0x4000  }
0x54: {  	[sflag:s25] =	ssyncset.done $0x0  }
0x55: {  	[sflag:s25] =	ssyncadd.s32 $0xFFFFC000  }
0x56: {  	[spmem:s19] =	stream.linear.scatter [tilespmem:s26], [sflag:$0x2], $0x80, $0x38;
	[tilespmem:$0x1D400] =	vst v63  }
0x57: {  	_ =	swait.ge [sflag:s25], $0x80  }
0x58: {  	[sflag:s25] =	ssyncset.done $0x0  }
0x59: {  	s2 =	simm.s32 $0x0;
	s8 =	rddreg [dreg:$0x5];
	[sflag:s25] =	ssyncadd.s32 $0xFFFFFF80  }
0x5a: {  	[tilespmem:s2], [sflag:$0x2] =	stream.linear.gather [hbm4b:s8+s2], $0x2800, $0x38;
	[tilespmem:$0x1D400] =	vst v63  }
0x5b: {  	_ =	swait.ge [sflag:s25], $0x2800  }
0x5c: {  	[sflag:s25] =	ssyncset.done $0x0  }
0x5d: {  	s16 =	rddreg [dreg:$0x6];
	[sflag:s25] =	ssyncadd.s32 $0xFFFFD800  }
0x5e: {  	[tilespmem:s28], [sflag:$0x2] =	stream.linear.gather [hbm4b:s16+s2], $0x2800, $0x38;
	[tilespmem:$0x1D400] =	vst v63  }
0x5f: {  	_ =	swait.ge [sflag:s25], $0x2800  }
0x60: {  	[sflag:s25] =	ssyncset.done $0x0  }
0x61: {  	[sflag:s25] =	ssyncadd.s32 $0xFFFFD800  }
0x62: {  	s8 =	simm.s32 $0x0;
	[bflag:$0x0] =	sbarrier.arrive $0xFFFF  }
.LBB2_4:
0x63: {  	s9 =	sadd.s32 s20, s8  }
0x64: {  	s9 =	sshll.u32 s9, $0x4  }
0x65: {  	s12 =	sadd.s32 s1, s9  }
0x66: {  	[tilespmem:s29], [sflag:$0x2] =	stream.linear.gather [hbm4b:s12+s2], $0x80, $0x38;
	[tilespmem:$0x1D400] =	vst v63  }
0x67: {  	_ =	swait.ge [sflag:s25], $0x80  }
0x68: {  	[sflag:s25] =	ssyncset.done $0x0  }
0x69: {  	s9 =	sadd.s32 s7, s9;
	[sflag:s25] =	ssyncadd.s32 $0xFFFFFF80  }
0x6a: {  	[tilespmem:s30], [sflag:$0x2] =	stream.linear.gather [hbm4b:s9+s2], $0x80, $0x38;
	[tilespmem:$0x1D400] =	vst v63  }
0x6b: {  	_ =	swait.ge [sflag:s25], $0x80  }
0x6c: {  	[sflag:s25] =	ssyncset.done $0x0  }
0x6d: {  	[sflag:s25] =	ssyncadd.s32 $0xFFFFFF80  }
0x6e: {  	[tilespmem:s24], [sflag:$0x1] =	stream.indirect.gather [hbm4b:s6+s31], $0x80, s29, s31, $0xb8;
	[tilespmem:$0x1D400] =	vst v63  }
0x6f: {  	v1 =	vld [tilespmem:$0x5000]  }
0x70: {  	v2 =	vld [tilespmem:$0x5080];
	_ =	sdelay $0x6  }
0x71: {  	v1 =	vld.idx.msk [tilespmem:v1+s2+$0x0], $0xffff  }
0x72: {  	v2 =	vld.idx.msk [tilespmem:v2+s28+$0x0], $0xffff;
	_ =	sdelay $0x4  }
0x73: {  	v1 =	vadd.f32 v2, v1;
	_ =	sdelay $0x1  }
0x74: {  	v2 =	vmul.f32 $2.000000030e-01, v1;
	_ =	sdelay $0x1  }
0x75: {  	v1 =	vmax.f32 v1, v2  }
0x76: {  	v1 =	vmul.f32 $1.442695020e+00, v1;
	_ =	sdelay $0x1  }
0x77: {  	(erf) = vpow2.f32 v1;
	_ =	sdelay $0x2  }
0x78: {  	v1 =	vld [tilespmem:$0x5010]  }
0x79: {  	v2 =	vld [tilespmem:$0x5090];
	_ =	sdelay $0x4  }
0x7a: {  	v3 =	vpop (erf)  }
0x7b: {  	[tilespmem:$0x5100] =	vst v3  }
0x7c: {  	v1 =	vld.idx.msk [tilespmem:v1+s2+$0x0], $0xffff  }
0x7d: {  	v2 =	vld.idx.msk [tilespmem:v2+s28+$0x0], $0xffff;
	_ =	sdelay $0x4  }
0x7e: {  	v1 =	vadd.f32 v2, v1;
	_ =	sdelay $0x1  }
0x7f: {  	v2 =	vmul.f32 $2.000000030e-01, v1;
	_ =	sdelay $0x1  }
0x80: {  	v1 =	vmax.f32 v1, v2  }
0x81: {  	v1 =	vmul.f32 $1.442695020e+00, v1;
	_ =	sdelay $0x1  }
0x82: {  	(erf) = vpow2.f32 v1;
	_ =	sdelay $0x2  }
0x83: {  	v1 =	vld [tilespmem:$0x5020]  }
0x84: {  	v2 =	vld [tilespmem:$0x50A0];
	_ =	sdelay $0x4  }
0x85: {  	v3 =	vpop (erf)  }
0x86: {  	[tilespmem:$0x5110] =	vst v3  }
0x87: {  	v1 =	vld.idx.msk [tilespmem:v1+s2+$0x0], $0xffff  }
0x88: {  	v2 =	vld.idx.msk [tilespmem:v2+s28+$0x0], $0xffff;
	_ =	sdelay $0x4  }
0x89: {  	v1 =	vadd.f32 v2, v1;
	_ =	sdelay $0x1  }
0x8a: {  	v2 =	vmul.f32 $2.000000030e-01, v1;
	_ =	sdelay $0x1  }
0x8b: {  	v1 =	vmax.f32 v1, v2  }
0x8c: {  	v1 =	vmul.f32 $1.442695020e+00, v1;
	_ =	sdelay $0x1  }
0x8d: {  	(erf) = vpow2.f32 v1;
	_ =	sdelay $0x2  }
0x8e: {  	v1 =	vld [tilespmem:$0x5030]  }
0x8f: {  	v2 =	vld [tilespmem:$0x50B0];
	_ =	sdelay $0x4  }
0x90: {  	v3 =	vpop (erf)  }
0x91: {  	[tilespmem:$0x5120] =	vst v3  }
0x92: {  	v1 =	vld.idx.msk [tilespmem:v1+s2+$0x0], $0xffff  }
0x93: {  	v2 =	vld.idx.msk [tilespmem:v2+s28+$0x0], $0xffff;
	_ =	sdelay $0x4  }
0x94: {  	v1 =	vadd.f32 v2, v1;
	_ =	sdelay $0x1  }
0x95: {  	v2 =	vmul.f32 $2.000000030e-01, v1;
	_ =	sdelay $0x1  }
0x96: {  	v1 =	vmax.f32 v1, v2  }
0x97: {  	v1 =	vmul.f32 $1.442695020e+00, v1;
	_ =	sdelay $0x1  }
0x98: {  	(erf) = vpow2.f32 v1;
	_ =	sdelay $0x2  }
0x99: {  	v1 =	vld [tilespmem:$0x5040]  }
0x9a: {  	v2 =	vld [tilespmem:$0x50C0];
	_ =	sdelay $0x4  }
0x9b: {  	v3 =	vpop (erf)  }
0x9c: {  	[tilespmem:$0x5130] =	vst v3  }
0x9d: {  	v1 =	vld.idx.msk [tilespmem:v1+s2+$0x0], $0xffff  }
0x9e: {  	v2 =	vld.idx.msk [tilespmem:v2+s28+$0x0], $0xffff;
	_ =	sdelay $0x4  }
0x9f: {  	v1 =	vadd.f32 v2, v1;
	_ =	sdelay $0x1  }
0xa0: {  	v2 =	vmul.f32 $2.000000030e-01, v1;
	_ =	sdelay $0x1  }
0xa1: {  	v1 =	vmax.f32 v1, v2  }
0xa2: {  	v1 =	vmul.f32 $1.442695020e+00, v1;
	_ =	sdelay $0x1  }
0xa3: {  	(erf) = vpow2.f32 v1;
	_ =	sdelay $0x2  }
0xa4: {  	v1 =	vld [tilespmem:$0x5050]  }
0xa5: {  	v2 =	vld [tilespmem:$0x50D0];
	_ =	sdelay $0x4  }
0xa6: {  	v3 =	vpop (erf)  }
0xa7: {  	[tilespmem:$0x5140] =	vst v3  }
0xa8: {  	v1 =	vld.idx.msk [tilespmem:v1+s2+$0x0], $0xffff  }
0xa9: {  	v2 =	vld.idx.msk [tilespmem:v2+s28+$0x0], $0xffff;
	_ =	sdelay $0x4  }
0xaa: {  	v1 =	vadd.f32 v2, v1;
	_ =	sdelay $0x1  }
0xab: {  	v2 =	vmul.f32 $2.000000030e-01, v1;
	_ =	sdelay $0x1  }
0xac: {  	v1 =	vmax.f32 v1, v2  }
0xad: {  	v1 =	vmul.f32 $1.442695020e+00, v1;
	_ =	sdelay $0x1  }
0xae: {  	(erf) = vpow2.f32 v1;
	_ =	sdelay $0x2  }
0xaf: {  	v1 =	vld [tilespmem:$0x5060]  }
0xb0: {  	v2 =	vld [tilespmem:$0x50E0];
	_ =	sdelay $0x4  }
0xb1: {  	v3 =	vpop (erf)  }
0xb2: {  	[tilespmem:$0x5150] =	vst v3  }
0xb3: {  	v1 =	vld.idx.msk [tilespmem:v1+s2+$0x0], $0xffff  }
0xb4: {  	v2 =	vld.idx.msk [tilespmem:v2+s28+$0x0], $0xffff;
	_ =	sdelay $0x4  }
0xb5: {  	v1 =	vadd.f32 v2, v1;
	_ =	sdelay $0x1  }
0xb6: {  	v2 =	vmul.f32 $2.000000030e-01, v1;
	_ =	sdelay $0x1  }
0xb7: {  	v1 =	vmax.f32 v1, v2  }
0xb8: {  	v1 =	vmul.f32 $1.442695020e+00, v1;
	_ =	sdelay $0x1  }
0xb9: {  	(erf) = vpow2.f32 v1;
	_ =	sdelay $0x2  }
0xba: {  	v1 =	vld [tilespmem:$0x5070]  }
0xbb: {  	v2 =	vld [tilespmem:$0x50F0];
	_ =	sdelay $0x4  }
0xbc: {  	v3 =	vpop (erf)  }
0xbd: {  	[tilespmem:$0x5160] =	vst v3  }
0xbe: {  	v1 =	vld.idx.msk [tilespmem:v1+s2+$0x0], $0xffff  }
0xbf: {  	v2 =	vld.idx.msk [tilespmem:v2+s28+$0x0], $0xffff;
	_ =	sdelay $0x4  }
0xc0: {  	v1 =	vadd.f32 v2, v1;
	_ =	sdelay $0x1  }
0xc1: {  	v2 =	vmul.f32 $2.000000030e-01, v1;
	_ =	sdelay $0x1  }
0xc2: {  	v1 =	vmax.f32 v1, v2  }
0xc3: {  	v1 =	vmul.f32 $1.442695020e+00, v1;
	_ =	sdelay $0x1  }
0xc4: {  	(erf) = vpow2.f32 v1;
	_ =	sdelay $0x6  }
0xc5: {  	v1 =	vmov s2  }
0xc6: {  	v1 =	vand.u32 $0xFFFFFFFC, v1  }
0xc7: {  	v1 =	vbroadcast v1, $0x0;
	v2 =	vpop (erf)  }
0xc8: {  	[tilespmem:$0x5170] =	vst v2  }
0xc9: {  	_ =	swait.ge [sflag:s0], $0x4000  }
0xca: {  	[sflag:s0] =	ssyncset.done $0x0  }
0xcb: {  	s9 =	simm.s32 $0x5280;
	[sflag:s0] =	ssyncadd.s32 $0xFFFFC000  }
0xcc: {  	v2 =	vld [tilespmem:s9+$0xFFFFFF70]  }
0xcd: {  	v1 =	vld.idx.msk [tilespmem:v1+s26+$0x0], $0xffff  }
0xce: {  	v3 =	vld [tilespmem:s9+$0xFFFFFF00]  }
0xcf: {  	v4 =	vld [tilespmem:s9+$0xFFFFFF20]  }
0xd0: {  	v5 =	vld [tilespmem:s9+$0xFFFFFF50]  }
0xd1: {  	v6 =	vld [tilespmem:s9+$0xFFFFFF40]  }
0xd2: {  	v7 =	vld [tilespmem:s9+$0xFFFFFF60];
	v2 =	vmul.f32 v2, v1  }
0xd3: {  	s15 =	simm.s32 $0x1;
	v8 =	vld [tilespmem:s9+$0xFFFFFF30];
	v3 =	vmul.f32 v3, v1  }
0xd4: {  	v9 =	vld [tilespmem:s9+$0xFFFFFF10];
	v4 =	vmul.f32 v4, v1;
	[tilespmem:s9+$0xFFFFFF70] =	vst v2;
	v2 =	vmov s15  }
0xd5: {  	v5 =	vmul.f32 v5, v1;
	[tilespmem:s9+$0xFFFFFF00] =	vst v3;
	v2 =	vand.u32 $0xFFFFFFFD, v2  }
0xd6: {  	v3 =	vmul.f32 v6, v1;
	[tilespmem:s9+$0xFFFFFF20] =	vst v4;
	v2 =	vbroadcast v2, $0x0  }
0xd7: {  	v4 =	vmul.f32 v7, v1;
	[tilespmem:s9+$0xFFFFFF50] =	vst v5  }
0xd8: {  	v5 =	vmul.f32 v8, v1;
	[tilespmem:s9+$0xFFFFFF40] =	vst v3  }
0xd9: {  	v1 =	vmul.f32 v9, v1;
	[tilespmem:s9+$0xFFFFFF60] =	vst v4  }
0xda: {  	[tilespmem:s9+$0xFFFFFF30] =	vst v5  }
0xdb: {  	[tilespmem:s9+$0xFFFFFF10] =	vst v1;
	v1 =	vld [tilespmem:s9+$0xFFFFFF90]  }
0xdc: {  	v3 =	vld.idx.msk [tilespmem:v2+s26+$0x0], $0xffff  }
0xdd: {  	v2 =	vld [tilespmem:s9+$0xFFFFFFA0]  }
0xde: {  	v4 =	vld [tilespmem:s9+$0xFFFFFF80]  }
0xdf: {  	v5 =	vld [tilespmem:s9+$0xFFFFFFB0]  }
0xe0: {  	v6 =	vld [tilespmem:s9+$0xFFFFFFC0]  }
0xe1: {  	v7 =	vld [tilespmem:s9+$0xFFFFFFD0];
	v1 =	vmul.f32 v1, v3  }
0xe2: {  	s16 =	simm.s32 $0x2;
	v8 =	vld [tilespmem:s9+$0xFFFFFFF0];
	v2 =	vmul.f32 v2, v3  }
0xe3: {  	v63 =	vld [tilespmem:s9+$0xFFFFFFE0];
	v4 =	vmul.f32 v4, v3;
	[tilespmem:s9+$0xFFFFFF90] =	vst v1;
	v1 =	vmov s16  }
0xe4: {  	v5 =	vmul.f32 v5, v3;
	[tilespmem:s9+$0xFFFFFFA0] =	vst v2;
	v1 =	vand.u32 $0xFFFFFFFE, v1  }
0xe5: {  	v2 =	vmul.f32 v6, v3;
	[tilespmem:s9+$0xFFFFFF80] =	vst v4;
	v6 =	vld [tilespmem:s9+$0x60];
	v10 =	vbroadcast v1, $0x0  }
0xe6: {  	v4 =	vmul.f32 v7, v3;
	[tilespmem:s9+$0xFFFFFFB0] =	vst v5;
	v7 =	vld [tilespmem:s9+$0x0]  }
0xe7: {  	v5 =	vmul.f32 v8, v3;
	v1 =	vld [tilespmem:s9+$0x20];
	[tilespmem:s9+$0xFFFFFFC0] =	vst v2  }
0xe8: {  	v3 =	vmul.f32 v63, v3;
	v2 =	vld [tilespmem:s9+$0x30];
	[tilespmem:s9+$0xFFFFFFD0] =	vst v4  }
0xe9: {  	[tilespmem:s9+$0xFFFFFFF0] =	vst v5;
	v4 =	vld [tilespmem:s9+$0x40]  }
0xea: {  	[tilespmem:s9+$0xFFFFFFE0] =	vst v3;
	v5 =	vld [tilespmem:s9+$0x10]  }
0xeb: {  	s13 =	simm.s32 $0x4;
	s14 =	simm.s32 $0x5280;
	s12 =	simm.s32 $0x0;
	v3 =	vld.idx.msk [tilespmem:v10+s26+$0x0], $0xffff  }
.LBB2_5:
0xec: {  	p0 =	sne.s32 s13, $0x7C  }
0xed: {  	v8 =	vld [tilespmem:s9+$0x50];
	s14 =	sadd.s32 $0x200, s14;
	s15 =	smov.u32 s13;
	s13 =	sadd.s32 $0x4, s13  }
0xee: {  	v9 =	vld [tilespmem:s9+$0x70];
	_ =	sdelay $0x1  }
0xef: {  	v6 =	vmul.f32 v6, v3;
	v7 =	vmul.f32 v7, v3  }
0xf0: {  	v4 =	vmul.f32 v4, v3;
	v5 =	vmul.f32 v5, v3  }
0xf1: {  	v1 =	vmul.f32 v1, v3;
	v2 =	vmul.f32 v2, v3;
	[tilespmem:s9+$0x60] =	vst v6  }
0xf2: {  	[tilespmem:s9+$0x40] =	vst v4;
	v4 =	vmul.f32 v8, v3;
	v3 =	vmul.f32 v9, v3  }
0xf3: {  	s16 =	sadd.s32 $0x3, s12;
	s12 =	smov.u32 s15;
	[tilespmem:s9+$0x20] =	vst v1;
	v6 =	vld [tilespmem:s9+$0x80]  }
0xf4: {  	v1 =	vld [tilespmem:s14+$0x20];
	[tilespmem:s9+$0x0] =	vst v7;
	v7 =	vmov s16  }
0xf5: {  	[tilespmem:s9+$0x50] =	vst v4;
	v4 =	vld [tilespmem:s9+$0xE0]  }
0xf6: {  	[tilespmem:s9+$0x30] =	vst v2;
	v8 =	vld [tilespmem:s9+$0xC0]  }
0xf7: {  	v2 =	vld [tilespmem:s14+$0x30];
	[tilespmem:s9+$0x10] =	vst v5  }
0xf8: {  	[tilespmem:s9+$0x70] =	vst v3;
	v3 =	vld [tilespmem:s9+$0xA0]  }
0xf9: {  	v5 =	vld.idx.msk [tilespmem:v7+s26+$0x0], $0xffff  }
0xfa: {  	v7 =	vld [tilespmem:s9+$0x90]  }
0xfb: {  	v9 =	vld [tilespmem:s9+$0xB0]  }
0xfc: {  	v10 =	vld [tilespmem:s9+$0xD0]  }
0xfd: {  	v11 =	vld [tilespmem:s9+$0xF0];
	_ =	sdelay $0x1  }
0xfe: {  	v6 =	vmul.f32 v6, v5;
	v7 =	vmul.f32 v7, v5  }
0xff: {  	v3 =	vmul.f32 v3, v5;
	v9 =	vmul.f32 v9, v5  }
0x100: {  	v12 =	vmov s12;
	[tilespmem:s9+$0x80] =	vst v6;
	v6 =	vmul.f32 v8, v5;
	v8 =	vmul.f32 v10, v5  }
0x101: {  	v10 =	vand.u32 $0xFFFFFFFC, v12;
	[tilespmem:s9+$0xA0] =	vst v3;
	v3 =	vmul.f32 v4, v5;
	v4 =	vmul.f32 v11, v5  }
0x102: {  	v5 =	vbroadcast v10, $0x0;
	[tilespmem:s9+$0xC0] =	vst v6  }
0x103: {  	[tilespmem:s9+$0xF0] =	vst v4  }
0x104: {  	v4 =	vld [tilespmem:s14+$0xFFFFFF40];
	[tilespmem:s9+$0xE0] =	vst v3  }
0x105: {  	v3 =	vld [tilespmem:s14+$0xFFFFFF50];
	[tilespmem:s9+$0x90] =	vst v7  }
0x106: {  	v6 =	vld [tilespmem:s14+$0xFFFFFF60];
	[tilespmem:s9+$0xB0] =	vst v9  }
0x107: {  	v7 =	vld [tilespmem:s14+$0xFFFFFF70];
	[tilespmem:s9+$0xD0] =	vst v8;
	s9 =	smov.u32 s14  }
0x108: {  	v5 =	vld.idx.msk [tilespmem:v5+s26+$0x0], $0xffff  }
0x109: {  	v8 =	vld [tilespmem:s14+$0xFFFFFF00]  }
0x10a: {  	v9 =	vld [tilespmem:s14+$0xFFFFFF20]  }
0x10b: {  	v10 =	vld [tilespmem:s14+$0xFFFFFF10]  }
0x10c: {  	v11 =	vld [tilespmem:s14+$0xFFFFFF30];
	_ =	sdelay $0x1  }
0x10d: {  	v7 =	vmul.f32 v7, v5;
	v8 =	vmul.f32 v8, v5  }
0x10e: {  	s15 =	sadd.s32 $0x1, s12;
	v6 =	vmul.f32 v6, v5;
	v9 =	vmul.f32 v9, v5  }
0x10f: {  	v3 =	vmul.f32 v3, v5;
	v10 =	vmul.f32 v10, v5;
	[tilespmem:s14+$0xFFFFFF70] =	vst v7;
	v7 =	vmov s15  }
0x110: {  	v4 =	vmul.f32 v4, v5;
	[tilespmem:s14+$0xFFFFFF00] =	vst v8;
	v8 =	vmul.f32 v11, v5;
	v5 =	vand.u32 $0xFFFFFFFD, v7  }
0x111: {  	[tilespmem:s14+$0xFFFFFF20] =	vst v9;
	v5 =	vbroadcast v5, $0x0  }
0x112: {  	[tilespmem:s14+$0xFFFFFF50] =	vst v3  }
0x113: {  	[tilespmem:s14+$0xFFFFFF40] =	vst v4;
	v3 =	vld [tilespmem:s14+$0xFFFFFFF0]  }
0x114: {  	[tilespmem:s14+$0xFFFFFF60] =	vst v6;
	v4 =	vld [tilespmem:s14+$0xFFFFFFC0]  }
0x115: {  	[tilespmem:s14+$0xFFFFFF30] =	vst v8;
	v6 =	vld [tilespmem:s14+$0xFFFFFFD0]  }
0x116: {  	[tilespmem:s14+$0xFFFFFF10] =	vst v10;
	v7 =	vld [tilespmem:s14+$0xFFFFFF90]  }
0x117: {  	v5 =	vld.idx.msk [tilespmem:v5+s26+$0x0], $0xffff  }
0x118: {  	v8 =	vld [tilespmem:s14+$0xFFFFFF80]  }
0x119: {  	v9 =	vld [tilespmem:s14+$0xFFFFFFA0]  }
0x11a: {  	v10 =	vld [tilespmem:s14+$0xFFFFFFB0]  }
0x11b: {  	v11 =	vld [tilespmem:s14+$0xFFFFFFE0];
	_ =	sdelay $0x1  }
0x11c: {  	v7 =	vmul.f32 v7, v5;
	v8 =	vmul.f32 v8, v5  }
0x11d: {  	s15 =	sadd.s32 $0x2, s12;
	v6 =	vmul.f32 v6, v5;
	v9 =	vmul.f32 v9, v5  }
0x11e: {  	v4 =	vmul.f32 v4, v5;
	[tilespmem:s14+$0xFFFFFF90] =	vst v7;
	v7 =	vmul.f32 v10, v5;
	v10 =	vmov s15  }
0x11f: {  	v3 =	vmul.f32 v3, v5;
	[tilespmem:s14+$0xFFFFFFA0] =	vst v9;
	v9 =	vmul.f32 v11, v5;
	v5 =	vand.u32 $0xFFFFFFFE, v10  }
0x120: {  	[tilespmem:s14+$0xFFFFFF80] =	vst v8;
	v5 =	vbroadcast v5, $0x0  }
0x121: {  	[tilespmem:s14+$0xFFFFFFB0] =	vst v7  }
0x122: {  	[tilespmem:s14+$0xFFFFFFC0] =	vst v4  }
0x123: {  	[tilespmem:s14+$0xFFFFFFD0] =	vst v6  }
.Ltmp1:
0x124: {  	[tilespmem:s14+$0xFFFFFFF0] =	vst v3;
	v4 =	vld [tilespmem:s14+$0x40];
	(pc) =	sbr.rel @p0 .LBB2_5-.Ltmp1, $4  }
0x125: {  	[tilespmem:s14+$0xFFFFFFE0] =	vst v9;
	v6 =	vld [tilespmem:s14+$0x60]  }
0x126: {  	v3 =	vld.idx.msk [tilespmem:v5+s26+$0x0], $0xffff  }
0x127: {  	v7 =	vld [tilespmem:s14+$0x0]  }
0x128: {  	v5 =	vld [tilespmem:s14+$0x10]  }
0x129: {  	_ =	sdelay $0x1  }
0x12a: {  	v6 =	vmul.f32 v6, v3  }
0x12b: {  	v8 =	vld [tilespmem:s9+$0x50];
	v4 =	vmul.f32 v4, v3  }
0x12c: {  	v9 =	vld [tilespmem:s9+$0x70];
	v1 =	vmul.f32 v1, v3;
	[tilespmem:s9+$0x60] =	vst v6  }
0x12d: {  	v54 =	vmul.f32 v7, v3;
	[tilespmem:s9+$0x40] =	vst v4  }
0x12e: {  	s12 =	sadd.s32 $0x3, s12;
	[tilespmem:s9+$0x20] =	vst v1;
	v1 =	vmul.f32 v2, v3  }
0x12f: {  	v56 =	vmov s12;
	v5 =	vmul.f32 v5, v3;
	[tilespmem:s9+$0x0] =	vst v54  }
0x130: {  	v55 =	vmul.f32 v8, v3;
	[tilespmem:s9+$0x30] =	vst v1  }
0x131: {  	v3 =	vmul.f32 v9, v3;
	[tilespmem:s9+$0x10] =	vst v5  }
0x132: {  	[tilespmem:s9+$0x50] =	vst v55  }
0x133: {  	v2 =	vld [tilespmem:s9+$0x80];
	[tilespmem:s9+$0x70] =	vst v3  }
0x134: {  	v1 =	vld.idx.msk [tilespmem:v56+s26+$0x0], $0xffff  }
0x135: {  	v3 =	vld [tilespmem:s9+$0xA0]  }
0x136: {  	v59 =	vld [tilespmem:s9+$0xE0]  }
0x137: {  	v57 =	vld [tilespmem:s9+$0xC0]  }
0x138: {  	v58 =	vld [tilespmem:s9+$0xF0]  }
0x139: {  	v60 =	vld [tilespmem:s9+$0x90];
	v2 =	vmul.f32 v2, v1  }
0x13a: {  	v61 =	vld [tilespmem:s9+$0xB0];
	v3 =	vmul.f32 v3, v1  }
0x13b: {  	v62 =	vld [tilespmem:s9+$0xD0];
	v63 =	vmul.f32 v59, v1;
	[tilespmem:s9+$0x80] =	vst v2  }
0x13c: {  	v2 =	vmul.f32 v57, v1;
	[tilespmem:s9+$0xA0] =	vst v3  }
0x13d: {  	v3 =	vmul.f32 v58, v1;
	[tilespmem:s9+$0xE0] =	vst v63  }
0x13e: {  	[tilespmem:s9+$0xC0] =	vst v2;
	v2 =	vmul.f32 v60, v1  }
0x13f: {  	[tilespmem:s9+$0xF0] =	vst v3;
	v3 =	vmul.f32 v61, v1  }
0x140: {  	v1 =	vmul.f32 v62, v1;
	[tilespmem:s9+$0x90] =	vst v2  }
0x141: {  	[tilespmem:s9+$0xB0] =	vst v3  }
0x142: {  	[tilespmem:s9+$0xD0] =	vst v1  }
0x143: {  	[spmem:s4] =	stream.indirect.scatter.add.f32 [tilespmem:s26], [sflag:$0x2], $0x1, s30, s31, $0xb8;
	[tilespmem:$0x1D400] =	vst v63  }
0x144: {  	s8 =	sadd.s32 $0x1, s8;
	_ =	swait.ge [sflag:s25], $0x80  }
0x145: {  	p0 =	sne.s32 s8, $0x51;
	[sflag:s25] =	ssyncset.done $0x0  }
.Ltmp2:
0x146: {  	[sflag:s25] =	ssyncadd.s32 $0xFFFFFF80;
	(pc) =	sbr.rel @p0 .LBB2_4-.Ltmp2, $4  }
0x147: {  	[spmem:s3] =	stream.indirect.scatter.add.f32 [tilespmem:s24], [sflag:$0x2], $0x80, s30, s31, $0xb8;
	[tilespmem:$0x1D400] =	vst v63  }
0x148: {  	_ =	swait.ge [sflag:s25], $0x4000  }
0x149: {  	[sflag:s25] =	ssyncset.done $0x0  }
0x14a: {  	[sflag:s25] =	ssyncadd.s32 $0xFFFFC000  }
0x14b: {  	s2 =	stileid.u32  }
0x14c: {  	s2 =	sshll.u32 s2, $0x6  }
0x14d: {  	[bflag:$0x0] =	sbarrier.arrive $0xFFFF;
	s8 =	sshrl.u32 s10, $0x3;
	s2 =	sor.u32 $0x1C02, s2  }
0x14e: {  	[hbm:s21], [sflag:s2] =	dma.local [spmem:s8], $0x2800  }
0x14f: {  	s5 =	sadd.s32 $0x1, s5;
	_ =	swait.ge [sflag:s25], $0x2800  }
0x150: {  	p0 =	sne.s32 s5, s23;
	[sflag:s25] =	ssyncset.done $0x0  }
.Ltmp3:
0x151: {  	s16 =	sshrl.u32 s11, $0x3;
	[sflag:s25] =	ssyncadd.s32 $0xFFFFD800;
	(pc) =	sbr.rel @p0 .LBB2_1-.Ltmp3, $4  }
0x152: {  	[hbm:s22], [sflag:s2] =	dma.local [spmem:s16], $0x50  }
0x153: {  	_ =	swait.ge [sflag:s25], $0x50  }
0x154: {  	[sflag:s25] =	ssyncset.done $0x0  }
0x155: {  	[sflag:s25] =	ssyncadd.s32 $0xFFFFFFB0  }
0x156: {  	_ =	sfence.sel $0x180000  }
0x157: {  	[bflag:$0x0] =	sbarrier.arrive $0xFFFF  }
0x158: {  	_ =	strace $0x9000004A  }
0x159: {  	s0 =	stileid.u32;
	[bflag:$0x2] =	sbarrier.arrive $0xFFFF  }
0x15a: {  	p0 =	sne.s32 s0, $0x0;
	s0 =	rddreg [dreg:$0x4]  }
0x15b: {  	s0 =	sadd.s32 @!p0 $0x100000, s0  }
0x15c: {  	[sflag:s0] =	ssyncadd.tile.s32 @!p0 $0x1;
	_ =	shalt  }
.Lfunc_end2:
_tile_overlayer_lowered:
.L_overlay_start_2:
0x15d: {  	(tag) =	ssettag $0x2  }
0x15e: {  	s0 =	rddreg [dreg:$0x0];
	s2 =	stileid.u32  }
0x15f: {  	s1 =	rddreg [dreg:$0x1];
	p0 =	sne.s32 s2, $0x0  }
0x160: {  	s3 =	rddreg [dreg:$0x2];
	[bflag:$0x3] =	sbarrier.arrive $0xFFFF;
	s2 =	simm.s32 @!p0 $0x1C02  }
0x161: {  	[timem:s3], [sflag:s2] =	dma.local @!p0 [hbm:s0], s1  }
0x162: {  	s0 =	simm.s32 @!p0 $0x2  }
0x163: {  	_ =	swait.ge @!p0 [sflag:s0], s1  }
0x164: {  	s1 =	ssub.s32 @!p0 $0x0, s1;
	[sflag:s0] =	ssyncset.done @!p0 $0x0  }
0x165: {  	[sflag:s0] =	ssyncadd.s32 @!p0 s1  }
0x166: {  	[bflag:$0x3] =	sbarrier.arrive $0xFFFF  }
0x167: {  	_ =	shalt  }

// kernel: kernel.7.cloned.1.call-start
scs
__scs_entry_jumppad:
0x0: {  	(pc) =	sbr.rel $0x88, $3  }
0x1: {  	(tag) =	ssettag $0x0;
	lr =	simm.s32 $0x1  }
0x2: {  	[smem:$0x3F97] =	sst lr;
	_ =	strace $0xD0000000  }
0x3: {  	_ = 	snop  }
0x4: {  	_ = 	snop  }
0x5: {  	_ = 	snop  }
0x6: {  	_ = 	snop  }
0x7: {  	_ = 	snop  }
__scs_overlays_trampoline_lowered:
0x8: {  	[smem:$0x3FA6] =	sst s0  }
0x9: {  	[smem:$0x3FA7] =	sst s1  }
0xa: {  	[smem:$0x3FA8] =	sst s2  }
0xb: {  	[smem:$0x3FA9] =	sst s3  }
0xc: {  	[smem:$0x3FAA] =	sst s4  }
0xd: {  	[smem:$0x3FAB] =	sst s5  }
0xe: {  	[smem:$0x3FAC] =	sst s6  }
0xf: {  	[smem:$0x3FAD] =	sst s7  }
0x10: {  	[smem:$0x3FAE] =	sst s8  }
0x11: {  	[smem:$0x3FAF] =	sst s9;
	s0 =	simm.s32 @!p0 $0x0  }
0x12: {  	s1 =	sld [smem:$0x3F95];
	s0 =	simm.s32 @p0 $0x1  }
0x13: {  	[smem:$0x3FB0] =	sst s0;
	s0 =	simm.s32 @!p1 $0x0  }
0x14: {  	s2 =	sld [smem:$0x3F94];
	s0 =	simm.s32 @p1 $0x1  }
0x15: {  	[smem:$0x3FB1] =	sst s0;
	s0 =	simm.s32 @!p2 $0x0  }
0x16: {  	s3 =	sld [smem:$0x3FDB];
	s0 =	simm.s32 @p2 $0x1  }
0x17: {  	s4 =	simm.s32 $0x1BF5;
	[smem:$0x3FB3] =	sst s0  }
0x18: {  	s0 =	sld [smem:$0x3F96];
	_ =	swait.ge [sflag:s4], $0x0  }
0x19: {  	s7 =	sld [smem:$0x3F97]  }
0x1a: {  	s8 =	sadd.s32 $0xFFFFE003, lr  }
0x1b: {  	s9 =	sadd.s32 $0xFFFFFEF7, lr;
	s5 =	simm.s32 $0xFFFFFFFF;
	p2 =	slt.u32 s8, $0xFFFFF086  }
0x1c: {  	p1 =	slt.u32 s9, $0xF7A;
	s5 =	simm.s32 @!p2 $0x0  }
0x1d: {  	s5 =	simm.s32 @p1 $0x1;
	p0 =	seq.s32 s7, s2  }
0x1e: {  	s7 =	smul.u32 @!p0 $0xF7A, s2;
	p2 =	seq.s32 @!p0 s5, $0x0  }
0x1f: {  	s9 =	smul.u32 $0xF7A, s1;
	s8 =	simm.s32 @!p0 $0x1BF5;
	p2 =	por !p2, p0  }
0x20: {  	[sflag:s8] =	ssyncset.s32 @!p0 $0xFFFFF086;
	s6 =	sadd.s32 @!p0 s3, s7;
	s7 =	simm.s32 @!p0 $0x108  }
0x21: {  	s3 =	sadd.s32 s3, s9;
	s6 =	sadd.s32 @!p0 $0x88, s6;
	s7 =	simm.s32 @p2 $0x1082  }
0x22: {  	[simem:s7], [sflag:s8] =	dma.local @!p0 [hbm:s6], $0xF7A  }
0x23: {  	s9 =	sor.u32 $0xD0000000, s2;
	s6 =	simm.s32 $0x108;
	_ =	swait.ge @!p0 [sflag:s8], $0x0  }
0x24: {  	s3 =	sadd.s32 $0x88, s3;
	s6 =	simm.s32 @!p1 $0x1082;
	[sflag:s4] =	ssyncset.s32 $0xFFFFF086  }
0x25: {  	[simem:s6], [sflag:s4] =	dma.local [hbm:s3], $0xF7A  }
0x26: {  	[smem:$0x3F97] =	sst s1;
	(tag) =	ssettag s2;
	_ =	strace s9  }
0x27: {  	s1 =	sld [smem:$0x3FA7]  }
0x28: {  	s2 =	sld [smem:$0x3FA8]  }
0x29: {  	s4 =	sld [smem:$0x3FAA]  }
0x2a: {  	p0 =	seq.s32 s5, $0x0;
	s5 =	sld [smem:$0x3FAB]  }
0x2b: {  	s6 =	sld [smem:$0x3FAC]  }
0x2c: {  	s7 =	sld [smem:$0x3FAD]  }
0x2d: {  	s3 =	simm.s32 $0x108;
	s8 =	sld [smem:$0x3FAE]  }
0x2e: {  	s3 =	simm.s32 @!p0 $0x1082;
	s9 =	sld [smem:$0x3FAF]  }
0x2f: {  	lr =	sadd.s32 s0, s3;
	s0 =	sld [smem:$0x3FA6]  }
0x30: {  	s3 =	sld [smem:$0x3FA9]  }
0x31: {  	[smem:$0x3FB2] =	sst s10  }
0x32: {  	s10 =	sld [smem:$0x3FB0];
	_ =	sdelay $0x3  }
0x33: {  	p0 =	seq.s32 s10, $0x1;
	s10 =	sld [smem:$0x3FB2];
	_ =	sdelay $0x3  }
0x34: {  	[smem:$0x3FB2] =	sst s10  }
0x35: {  	s10 =	sld [smem:$0x3FB1];
	_ =	sdelay $0x3  }
0x36: {  	p1 =	seq.s32 s10, $0x1;
	s10 =	sld [smem:$0x3FB2];
	_ =	sdelay $0x3  }
0x37: {  	[smem:$0x3FB2] =	sst s10  }
0x38: {  	s10 =	sld [smem:$0x3FB3]  }
0x39: {  	_ = 	snop;
	(pc) =	sbr.ind lr, $3  }
0x3a: {  	_ = 	snop  }
0x3b: {  	_ = 	snop  }
0x3c: {  	p2 =	seq.s32 s10, $0x1;
	s10 =	sld [smem:$0x3FB2]  }
0x3d: {  	_ =	shalt  }
0x3e: {  	_ =	shalt  }
0x3f: {  	_ =	shalt  }
0x40: {  	_ =	shalt  }
0x41: {  	_ =	shalt  }
0x42: {  	_ =	shalt  }
0x43: {  	_ =	shalt  }
0x44: {  	_ =	shalt  }
0x45: {  	_ =	shalt  }
0x46: {  	_ =	shalt  }
0x47: {  	_ =	shalt  }
0x48: {  	_ =	shalt  }
0x49: {  	_ =	shalt  }
0x4a: {  	_ =	shalt  }
0x4b: {  	_ =	shalt  }
0x4c: {  	_ =	shalt  }
0x4d: {  	_ =	shalt  }
0x4e: {  	_ =	shalt  }
0x4f: {  	_ =	shalt  }
0x50: {  	_ =	shalt  }
0x51: {  	_ =	shalt  }
0x52: {  	_ =	shalt  }
0x53: {  	_ =	shalt  }
0x54: {  	_ =	shalt  }
0x55: {  	_ =	shalt  }
0x56: {  	_ =	shalt  }
0x57: {  	_ =	shalt  }
0x58: {  	_ =	shalt  }
0x59: {  	_ =	shalt  }
0x5a: {  	_ =	shalt  }
0x5b: {  	_ =	shalt  }
0x5c: {  	_ =	shalt  }
0x5d: {  	_ =	shalt  }
0x5e: {  	_ =	shalt  }
0x5f: {  	_ =	shalt  }
0x60: {  	_ =	shalt  }
0x61: {  	_ =	shalt  }
0x62: {  	_ =	shalt  }
0x63: {  	_ =	shalt  }
0x64: {  	_ =	shalt  }
0x65: {  	_ =	shalt  }
0x66: {  	_ =	shalt  }
0x67: {  	_ =	shalt  }
0x68: {  	_ =	shalt  }
0x69: {  	_ =	shalt  }
0x6a: {  	_ =	shalt  }
0x6b: {  	_ =	shalt  }
0x6c: {  	_ =	shalt  }
0x6d: {  	_ =	shalt  }
0x6e: {  	_ =	shalt  }
0x6f: {  	_ =	shalt  }
0x70: {  	_ =	shalt  }
0x71: {  	_ =	shalt  }
0x72: {  	_ =	shalt  }
0x73: {  	_ =	shalt  }
0x74: {  	_ =	shalt  }
0x75: {  	_ =	shalt  }
0x76: {  	_ =	shalt  }
0x77: {  	_ =	shalt  }
0x78: {  	_ =	shalt  }
0x79: {  	_ =	shalt  }
0x7a: {  	_ =	shalt  }
0x7b: {  	_ =	shalt  }
0x7c: {  	_ =	shalt  }
0x7d: {  	_ =	shalt  }
0x7e: {  	_ =	shalt  }
0x7f: {  	_ =	shalt  }
0x80: {  	_ =	shalt  }
0x81: {  	_ =	shalt  }
0x82: {  	_ =	shalt  }
0x83: {  	_ =	shalt  }
0x84: {  	_ =	shalt  }
0x85: {  	_ =	shalt  }
0x86: {  	_ =	shalt  }
0x87: {  	_ =	shalt  }
.Lfunc_end0:
.L_simem_size_0:
called_computation_lowered:
.L_overlay_start_0:
0x88: {  	s2 =	sld [smem:$0x3FD9]  }
0x89: {  	s3 =	sld [smem:$0x3FFE];
	_ =	sdelay $0x1  }
0x8a: {  	s1 =	srdreg.scid  }
0x8b: {  	s0 =	sand.u32 $0x1, s1  }
0x8c: {  	s17 =	sshll.u32 s0, $0xA;
	s2 =	sadd.s32 s3, s2  }
0x8d: {  	s2 =	sadd.s32 s2, s17  }
0x8e: {  	[smem:$0x3FBE] =	sst s2  }
0x8f: {  	_ = 	snop  }
0x90: {  	s2 =	sld [smem:$0x3FD0];
	(tm) =	ssettm $0x1  }
0x91: {  	s18 =	sld [smem:$0x3FFB];
	_ =	sdelay $0x3  }
0x92: {  	_ =	strace s18  }
0x93: {  	s3 =	sld [smem:$0x3FFC];
	_ =	sdelay $0x3  }
0x94: {  	_ =	strace s3  }
0x95: {  	s3 =	sld [smem:$0x3FFD];
	_ =	sdelay $0x3  }
0x96: {  	_ =	strace s3  }
0x97: {  	_ =	strace $0x8FFFFFFF  }
0x98: {  	s19 =	sld [smem:$0x3FDB];
	_ =	sdelay $0x1  }
0x99: {  	s4 =	simm.s32 $_scs_section_size  }
0x9a: {  	s5 =	simm.s32 $_size__tile_overlayer_lowered;
	s6 =	simm.s32 $_tile_overlayer_lowered  }
0x9b: {  	s22 =	simm.s32 $0x1BFF;
	s21 =	sshll.u32 s6, $0x1;
	s3 =	sadd.s32 s4, s19  }
0x9c: {  	s7 =	simm.s32 $0x0;
	s20 =	sshll.u32 s5, $0x1;
	s5 =	sadd.s32 s21, s3  }
0x9d: {  	[timem:s7], [sflag:s22] =	dma.local [hbm:s5], s20  }
0x9e: {  	_ =	swait.ge [sflag:s22], s20  }
0x9f: {  	s4 =	ssub.s32 $0x0, s20;
	[sflag:s22] =	ssyncset.done $0x0  }
0xa0: {  	[sflag:s22] =	ssyncadd.s32 s4;
	_ =	sdelay $0x1  }
0xa1: {  	s23 =	simm.s32 $0x1B8B  }
0xa2: {  	_ =	swait.ge [sflag:s23], $0x1  }
0xa3: {  	[sflag:s23] =	ssyncset.done $0x0  }
0xa4: {  	s25 =	simm.s32 $0x1B8E;
	s24 =	sld [smem:$0x3FFE];
	[sflag:s23] =	ssyncadd.s32 $0xFFFFFFFF  }
0xa5: {  	s26 =	simm.s32 $execute0_lowered;
	[smem:$0x3FD2] =	sst s25  }
0xa6: {  	s5 =	sshll.u32 s26, $0x1;
	_ =	strace $0x80000046;
	[dreg:$0x1] =	wrdreg $0xFFFFFFFF  }
0xa7: {  	s28 =	simm.s32 $_size_execute0_lowered;
	s3 =	sadd.s32 s3, s5;
	[dreg:$0x0] =	wrdreg $0x0  }
0xa8: {  	s5 =	sshll.u32 s28, $0x1;
	[dreg:$0x2] =	wrdreg s3  }
0xa9: {  	[dreg:$0x3] =	wrdreg s5  }
0xaa: {  	[dreg:$0x4] =	wrdreg $0xC0  }
0xab: {  	_ =	task [dreg:s7], $0x5FFFF  }
0xac: {  	[dreg:$0x1] =	wrdreg $0xFFFFFFFF  }
0xad: {  	[dreg:$0x0] =	wrdreg $0x60  }
0xae: {  	[dreg:$0x2] =	wrdreg s24  }
0xaf: {  	[dreg:$0x3] =	wrdreg s2  }
0xb0: {  	[dreg:$0x4] =	wrdreg $0x91800  }
0xb1: {  	[dreg:$0x5] =	wrdreg $0x1D1800  }
0xb2: {  	[dreg:$0x6] =	wrdreg $0x9  }
0xb3: {  	_ =	task.clear_ibuf [dreg:s7], $0x7FFFF;
	_ =	strace $0x90000046  }
0xb4: {  	s29 =	simm.s32 $0x9;
	_ =	strace $0x80000048  }
0xb5: {  	_ =	swait.ge [sflag:s29], $0x1  }
0xb6: {  	[sflag:s29] =	ssyncadd.s32 $0xFFFFFFFF  }
0xb7: {  	_ =	strace $0x90000048  }
0xb8: {  	_ =	sfence  }
0xb9: {  	s30 =	sld [smem:$0x0];
	_ =	sdelay $0x2  }
0xba: {  	s31 =	sshll.u32 s1, $0xD;
	s1 =	sshrl.u32 s1, $0x2  }
0xbb: {  	s3 =	sand.u32 $0x4000, s31;
	s1 =	sadd.s32 s1, s30  }
0xbc: {  	s0 =	sor.u32 s3, s0;
	s1 =	sshll.u32 s1, $0x11  }
0xbd: {  	s0 =	sor.u32 s1, s0  }
0xbe: {  	s0 =	sadd.s32 $0x8F2B, s0  }
0xbf: {  	[sflag:s0] =	ssyncadd.remote.s32 $0x1  }
0xc0: {  	_ =	sfence.sel $0xFFFF  }
0xc1: {  	[dreg:$0x0] =	wrdreg $0xFFFFFFFF;
	(pc) =	sbr.abs _section_cstart, $3  }
0xc2: {  	[dreg:$0x1] =	wrdreg $0xFFFFFFFF  }
0xc3: {  	_ =	task.clear_ibuf [dreg:s7], $0x2FFFF;
	_ =	strace $0x9FFFFFFF  }
0xc4: {  	(tm) =	ssettm $0x7FFFFFFF  }
0xc5: {  	_ =	shalt  }
tec
execute0_lowered:
.L_overlay_start_1:
0x0: {  	(tag) =	ssettag $0x1  }
0x1: {  	s0 =	rddreg [dreg:$0x0]  }
0x2: {  	s1 =	rddreg [dreg:$0x1]  }
0x3: {  	s3 =	rddreg [dreg:$0x2]  }
0x4: {  	s4 =	rddreg [dreg:$0x3];
	s2 =	srdreg.scid  }
0x5: {  	s15 =	stileid.u32;
	s5 =	simm.s32 $0x0;
	s28 =	simm.s32 $0x2800  }
0x6: {  	s29 =	simm.s32 $0x5000;
	s30 =	simm.s32 $0x5080;
	s31 =	simm.s32 $0x80  }
0x7: {  	s2 =	sand.u32 $0x1, s2;
	s8 =	smul.u32 $0x280, s15;
	[smem:$0x7FF] =	sst s5  }
0x8: {  	s6 =	sadd.s32 $0xC00, s0;
	s7 =	sadd.s32 $0x29800, s0;
	s10 =	sadd.s32 $0x28C00, s0  }
0x9: {  	s13 =	sadd.s32 $0x29200, s0;
	_ =	strace $0x80000047;
	[dreg:$0x5] =	wrdreg s10  }
0xa: {  	s9 =	smul.u32 $0x2800, s2;
	[dreg:$0x6] =	wrdreg s13;
	s11 =	ssub.s32 $0x2, s2  }
0xb: {  	s13 =	smul.u32 $0x50000, s15;
	s2 =	sshll.u32 s2, $0x4;
	s12 =	sshrl.u32 s11, $0x1  }
0xc: {  	s21 =	sadd.s32 $0x80, s8;
	s2 =	sor.u32 s15, s2;
	s23 =	sadd.s32 $0x100, s8  }
0xd: {  	s17 =	sadd.s32 $0x180, s8;
	s9 =	sadd.s32 s8, s9;
	s16 =	ssub.s32 s11, s12  }
0xe: {  	s20 =	sshrl.u32 s13, $0x2;
	s22 =	sshll.u32 s21, $0x7;
	s11 =	sadd.s32 s8, s4  }
0xf: {  	s12 =	sadd.s32 s21, s4;
	s24 =	sshll.u32 s23, $0x7;
	s25 =	sshll.u32 s17, $0x7  }
0x10: {  	s8 =	sadd.s32 $0x200, s8;
	s17 =	sadd.s32 s17, s4;
	s14 =	sshll.u32 s9, $0x4  }
0x11: {  	s9 =	sshrl.u32 s9, $0x3;
	s10 =	sadd.s32 s20, s3;
	s13 =	sadd.s32 s22, s3  }
0x12: {  	[dreg:$0x8] =	wrdreg s12;
	s12 =	sadd.s32 s24, s3;
	s26 =	sshll.u32 s8, $0x7  }
0x13: {  	s19 =	sadd.s32 s8, s4;
	s20 =	smul.u32 $0x51, s2;
	s24 =	simm.s32 $0x5180  }
0x14: {  	s14 =	sadd.s32 s14, s0;
	s0 =	sadd.s32 s9, s0;
	[dreg:$0x7] =	wrdreg s13  }
0x15: {  	[dreg:$0x9] =	wrdreg s12;
	s13 =	sadd.s32 s23, s4;
	s12 =	sadd.s32 s25, s3  }
0x16: {  	s18 =	sadd.s32 s26, s3;
	s23 =	smax.u32 s16, $0x1;
	[dreg:$0xa] =	wrdreg s13  }
0x17: {  	s25 =	simm.s32 $0x2;
	s26 =	simm.s32 $0x5100;
	[dreg:$0xb] =	wrdreg s12  }
0x18: {  	v0 =	vimm.f32 $0.0e+00;
	s21 =	sadd.s32 $0x34400, s14;
	s22 =	sadd.s32 $0x33A00, s0;
	s0 =	simm.s32 $0x1  }
.LBB2_1:
0x19: {  	s2 =	simm.s32 $0x0;
	s8 =	simm.s32 $0x200  }
.LBB2_2:
0x1a: {  	p0 =	sne.s32 s8, $0xFE00;
	[tilespmem:s2+$0x51F0] =	vst v0  }
0x1b: {  	[tilespmem:s2+$0x5180] =	vst v0  }
0x1c: {  	[tilespmem:s2+$0x5190] =	vst v0  }
.Ltmp0:
0x1d: {  	[tilespmem:s2+$0x51A0] =	vst v0;
	(pc) =	sbr.rel @p0 .LBB2_2-.Ltmp0, $4  }
0x1e: {  	[tilespmem:s2+$0x51B0] =	vst v0  }
0x1f: {  	[tilespmem:s2+$0x51C0] =	vst v0  }
0x20: {  	[tilespmem:s2+$0x51D0] =	vst v0  }
0x21: {  	[tilespmem:s2+$0x51E0] =	vst v0;
	s2 =	sshra.s32 s8, $0x2;
	s8 =	sadd.s32 $0x200, s8  }
0x22: {  	[tilespmem:s2+$0x51F0] =	vst v0  }
0x23: {  	[tilespmem:s2+$0x5180] =	vst v0  }
0x24: {  	[tilespmem:s2+$0x5190] =	vst v0  }
0x25: {  	[tilespmem:s2+$0x51A0] =	vst v0  }
0x26: {  	[tilespmem:s2+$0x51B0] =	vst v0  }
0x27: {  	[tilespmem:s2+$0x51C0] =	vst v0  }
0x28: {  	[tilespmem:s2+$0x51D0] =	vst v0  }
0x29: {  	[tilespmem:s2+$0x51E0] =	vst v0  }
0x2a: {  	[tilespmem:$0x5100] =	vst v0  }
0x2b: {  	[tilespmem:$0x5110] =	vst v0  }
0x2c: {  	[tilespmem:$0x5120] =	vst v0  }
0x2d: {  	[tilespmem:$0x5130] =	vst v0  }
0x2e: {  	[tilespmem:$0x5140] =	vst v0  }
0x2f: {  	[tilespmem:$0x5150] =	vst v0  }
0x30: {  	[tilespmem:$0x5160] =	vst v0  }
0x31: {  	[tilespmem:$0x5170] =	vst v0  }
0x32: {  	[spmem:s10] =	stream.linear.scatter [tilespmem:s24], [sflag:$0x2], $0x4000, $0x38;
	[tilespmem:$0x1D400] =	vst v63  }
0x33: {  	_ =	swait.ge [sflag:s25], $0x4000  }
0x34: {  	[sflag:s25] =	ssyncset.done $0x0  }
0x35: {  	[sflag:s25] =	ssyncadd.s32 $0xFFFFC000  }
0x36: {  	[spmem:s11] =	stream.linear.scatter [tilespmem:s26], [sflag:$0x2], $0x80, $0x38;
	[tilespmem:$0x1D400] =	vst v63  }
0x37: {  	_ =	swait.ge [sflag:s25], $0x80  }
0x38: {  	[sflag:s25] =	ssyncset.done $0x0  }
0x39: {  	s9 =	rddreg [dreg:$0x7];
	[sflag:s25] =	ssyncadd.s32 $0xFFFFFF80  }
0x3a: {  	[spmem:s9] =	stream.linear.scatter [tilespmem:s24], [sflag:$0x2], $0x4000, $0x38;
	[tilespmem:$0x1D400] =	vst v63  }
0x3b: {  	_ =	swait.ge [sflag:s25], $0x4000  }
0x3c: {  	[sflag:s25] =	ssyncset.done $0x0  }
0x3d: {  	s12 =	rddreg [dreg:$0x8];
	[sflag:s25] =	ssyncadd.s32 $0xFFFFC000  }
0x3e: {  	[spmem:s12] =	stream.linear.scatter [tilespmem:s26], [sflag:$0x2], $0x80, $0x38;
	[tilespmem:$0x1D400] =	vst v63  }
0x3f: {  	_ =	swait.ge [sflag:s25], $0x80  }
0x40: {  	[sflag:s25] =	ssyncset.done $0x0  }
0x41: {  	s13 =	rddreg [dreg:$0x9];
	[sflag:s25] =	ssyncadd.s32 $0xFFFFFF80  }
0x42: {  	[spmem:s13] =	stream.linear.scatter [tilespmem:s24], [sflag:$0x2], $0x4000, $0x38;
	[tilespmem:$0x1D400] =	vst v63  }
0x43: {  	_ =	swait.ge [sflag:s25], $0x4000  }
0x44: {  	[sflag:s25] =	ssyncset.done $0x0  }
0x45: {  	s14 =	rddreg [dreg:$0xa];
	[sflag:s25] =	ssyncadd.s32 $0xFFFFC000  }
0x46: {  	[spmem:s14] =	stream.linear.scatter [tilespmem:s26], [sflag:$0x2], $0x80, $0x38;
	[tilespmem:$0x1D400] =	vst v63  }
0x47: {  	_ =	swait.ge [sflag:s25], $0x80  }
0x48: {  	[sflag:s25] =	ssyncset.done $0x0  }
0x49: {  	s15 =	rddreg [dreg:$0xb];
	[sflag:s25] =	ssyncadd.s32 $0xFFFFFF80  }
0x4a: {  	[spmem:s15] =	stream.linear.scatter [tilespmem:s24], [sflag:$0x2], $0x4000, $0x38;
	[tilespmem:$0x1D400] =	vst v63  }
0x4b: {  	_ =	swait.ge [sflag:s25], $0x4000  }
0x4c: {  	[sflag:s25] =	ssyncset.done $0x0  }
0x4d: {  	[sflag:s25] =	ssyncadd.s32 $0xFFFFC000  }
0x4e: {  	[spmem:s17] =	stream.linear.scatter [tilespmem:s26], [sflag:$0x2], $0x80, $0x38;
	[tilespmem:$0x1D400] =	vst v63  }
0x4f: {  	_ =	swait.ge [sflag:s25], $0x80  }
0x50: {  	[sflag:s25] =	ssyncset.done $0x0  }
0x51: {  	[sflag:s25] =	ssyncadd.s32 $0xFFFFFF80  }
0x52: {  	[spmem:s18] =	stream.linear.scatter [tilespmem:s24], [sflag:$0x2], $0x4000, $0x38;
	[tilespmem:$0x1D400] =	vst v63  }
0x53: {  	_ =	swait.ge [sflag:s25], $0x4000  }
0x54: {  	[sflag:s25] =	ssyncset.done $0x0  }
0x55: {  	[sflag:s25] =	ssyncadd.s32 $0xFFFFC000  }
0x56: {  	[spmem:s19] =	stream.linear.scatter [tilespmem:s26], [sflag:$0x2], $0x80, $0x38;
	[tilespmem:$0x1D400] =	vst v63  }
0x57: {  	_ =	swait.ge [sflag:s25], $0x80  }
0x58: {  	[sflag:s25] =	ssyncset.done $0x0  }
0x59: {  	s2 =	simm.s32 $0x0;
	s8 =	rddreg [dreg:$0x5];
	[sflag:s25] =	ssyncadd.s32 $0xFFFFFF80  }
0x5a: {  	[tilespmem:s2], [sflag:$0x2] =	stream.linear.gather [hbm4b:s8+s2], $0x2800, $0x38;
	[tilespmem:$0x1D400] =	vst v63  }
0x5b: {  	_ =	swait.ge [sflag:s25], $0x2800  }
0x5c: {  	[sflag:s25] =	ssyncset.done $0x0  }
0x5d: {  	s16 =	rddreg [dreg:$0x6];
	[sflag:s25] =	ssyncadd.s32 $0xFFFFD800  }
0x5e: {  	[tilespmem:s28], [sflag:$0x2] =	stream.linear.gather [hbm4b:s16+s2], $0x2800, $0x38;
	[tilespmem:$0x1D400] =	vst v63  }
0x5f: {  	_ =	swait.ge [sflag:s25], $0x2800  }
0x60: {  	[sflag:s25] =	ssyncset.done $0x0  }
0x61: {  	[sflag:s25] =	ssyncadd.s32 $0xFFFFD800  }
0x62: {  	s8 =	simm.s32 $0x0;
	[bflag:$0x0] =	sbarrier.arrive $0xFFFF  }
.LBB2_4:
0x63: {  	s9 =	sadd.s32 s20, s8  }
0x64: {  	s9 =	sshll.u32 s9, $0x4  }
0x65: {  	s12 =	sadd.s32 s1, s9  }
0x66: {  	[tilespmem:s29], [sflag:$0x2] =	stream.linear.gather [hbm4b:s12+s2], $0x80, $0x38;
	[tilespmem:$0x1D400] =	vst v63  }
0x67: {  	_ =	swait.ge [sflag:s25], $0x80  }
0x68: {  	[sflag:s25] =	ssyncset.done $0x0  }
0x69: {  	s9 =	sadd.s32 s7, s9;
	[sflag:s25] =	ssyncadd.s32 $0xFFFFFF80  }
0x6a: {  	[tilespmem:s30], [sflag:$0x2] =	stream.linear.gather [hbm4b:s9+s2], $0x80, $0x38;
	[tilespmem:$0x1D400] =	vst v63  }
0x6b: {  	_ =	swait.ge [sflag:s25], $0x80  }
0x6c: {  	[sflag:s25] =	ssyncset.done $0x0  }
0x6d: {  	[sflag:s25] =	ssyncadd.s32 $0xFFFFFF80  }
0x6e: {  	[tilespmem:s24], [sflag:$0x1] =	stream.indirect.gather [hbm4b:s6+s31], $0x80, s29, s31, $0xb8;
	[tilespmem:$0x1D400] =	vst v63  }
0x6f: {  	v1 =	vld [tilespmem:$0x5000]  }
0x70: {  	v2 =	vld [tilespmem:$0x5080];
	_ =	sdelay $0x6  }
0x71: {  	v1 =	vld.idx.msk [tilespmem:v1+s2+$0x0], $0xffff  }
0x72: {  	v2 =	vld.idx.msk [tilespmem:v2+s28+$0x0], $0xffff;
	_ =	sdelay $0x4  }
0x73: {  	v1 =	vadd.f32 v2, v1;
	_ =	sdelay $0x1  }
0x74: {  	v2 =	vmul.f32 $2.000000030e-01, v1;
	_ =	sdelay $0x1  }
0x75: {  	v1 =	vmax.f32 v1, v2  }
0x76: {  	v1 =	vmul.f32 $1.442695020e+00, v1;
	_ =	sdelay $0x1  }
0x77: {  	(erf) = vpow2.f32 v1;
	_ =	sdelay $0x2  }
0x78: {  	v1 =	vld [tilespmem:$0x5010]  }
0x79: {  	v2 =	vld [tilespmem:$0x5090];
	_ =	sdelay $0x4  }
0x7a: {  	v3 =	vpop (erf)  }
0x7b: {  	[tilespmem:$0x5100] =	vst v3  }
0x7c: {  	v1 =	vld.idx.msk [tilespmem:v1+s2+$0x0], $0xffff  }
0x7d: {  	v2 =	vld.idx.msk [tilespmem:v2+s28+$0x0], $0xffff;
	_ =	sdelay $0x4  }
0x7e: {  	v1 =	vadd.f32 v2, v1;
	_ =	sdelay $0x1  }
0x7f: {  	v2 =	vmul.f32 $2.000000030e-01, v1;
	_ =	sdelay $0x1  }
0x80: {  	v1 =	vmax.f32 v1, v2  }
0x81: {  	v1 =	vmul.f32 $1.442695020e+00, v1;
	_ =	sdelay $0x1  }
0x82: {  	(erf) = vpow2.f32 v1;
	_ =	sdelay $0x2  }
0x83: {  	v1 =	vld [tilespmem:$0x5020]  }
0x84: {  	v2 =	vld [tilespmem:$0x50A0];
	_ =	sdelay $0x4  }
0x85: {  	v3 =	vpop (erf)  }
0x86: {  	[tilespmem:$0x5110] =	vst v3  }
0x87: {  	v1 =	vld.idx.msk [tilespmem:v1+s2+$0x0], $0xffff  }
0x88: {  	v2 =	vld.idx.msk [tilespmem:v2+s28+$0x0], $0xffff;
	_ =	sdelay $0x4  }
0x89: {  	v1 =	vadd.f32 v2, v1;
	_ =	sdelay $0x1  }
0x8a: {  	v2 =	vmul.f32 $2.000000030e-01, v1;
	_ =	sdelay $0x1  }
0x8b: {  	v1 =	vmax.f32 v1, v2  }
0x8c: {  	v1 =	vmul.f32 $1.442695020e+00, v1;
	_ =	sdelay $0x1  }
0x8d: {  	(erf) = vpow2.f32 v1;
	_ =	sdelay $0x2  }
0x8e: {  	v1 =	vld [tilespmem:$0x5030]  }
0x8f: {  	v2 =	vld [tilespmem:$0x50B0];
	_ =	sdelay $0x4  }
0x90: {  	v3 =	vpop (erf)  }
0x91: {  	[tilespmem:$0x5120] =	vst v3  }
0x92: {  	v1 =	vld.idx.msk [tilespmem:v1+s2+$0x0], $0xffff  }
0x93: {  	v2 =	vld.idx.msk [tilespmem:v2+s28+$0x0], $0xffff;
	_ =	sdelay $0x4  }
0x94: {  	v1 =	vadd.f32 v2, v1;
	_ =	sdelay $0x1  }
0x95: {  	v2 =	vmul.f32 $2.000000030e-01, v1;
	_ =	sdelay $0x1  }
0x96: {  	v1 =	vmax.f32 v1, v2  }
0x97: {  	v1 =	vmul.f32 $1.442695020e+00, v1;
	_ =	sdelay $0x1  }
0x98: {  	(erf) = vpow2.f32 v1;
	_ =	sdelay $0x2  }
0x99: {  	v1 =	vld [tilespmem:$0x5040]  }
0x9a: {  	v2 =	vld [tilespmem:$0x50C0];
	_ =	sdelay $0x4  }
0x9b: {  	v3 =	vpop (erf)  }
0x9c: {  	[tilespmem:$0x5130] =	vst v3  }
0x9d: {  	v1 =	vld.idx.msk [tilespmem:v1+s2+$0x0], $0xffff  }
0x9e: {  	v2 =	vld.idx.msk [tilespmem:v2+s28+$0x0], $0xffff;
	_ =	sdelay $0x4  }
0x9f: {  	v1 =	vadd.f32 v2, v1;
	_ =	sdelay $0x1  }
0xa0: {  	v2 =	vmul.f32 $2.000000030e-01, v1;
	_ =	sdelay $0x1  }
0xa1: {  	v1 =	vmax.f32 v1, v2  }
0xa2: {  	v1 =	vmul.f32 $1.442695020e+00, v1;
	_ =	sdelay $0x1  }
0xa3: {  	(erf) = vpow2.f32 v1;
	_ =	sdelay $0x2  }
0xa4: {  	v1 =	vld [tilespmem:$0x5050]  }
0xa5: {  	v2 =	vld [tilespmem:$0x50D0];
	_ =	sdelay $0x4  }
0xa6: {  	v3 =	vpop (erf)  }
0xa7: {  	[tilespmem:$0x5140] =	vst v3  }
0xa8: {  	v1 =	vld.idx.msk [tilespmem:v1+s2+$0x0], $0xffff  }
0xa9: {  	v2 =	vld.idx.msk [tilespmem:v2+s28+$0x0], $0xffff;
	_ =	sdelay $0x4  }
0xaa: {  	v1 =	vadd.f32 v2, v1;
	_ =	sdelay $0x1  }
0xab: {  	v2 =	vmul.f32 $2.000000030e-01, v1;
	_ =	sdelay $0x1  }
0xac: {  	v1 =	vmax.f32 v1, v2  }
0xad: {  	v1 =	vmul.f32 $1.442695020e+00, v1;
	_ =	sdelay $0x1  }
0xae: {  	(erf) = vpow2.f32 v1;
	_ =	sdelay $0x2  }
0xaf: {  	v1 =	vld [tilespmem:$0x5060]  }
0xb0: {  	v2 =	vld [tilespmem:$0x50E0];
	_ =	sdelay $0x4  }
0xb1: {  	v3 =	vpop (erf)  }
0xb2: {  	[tilespmem:$0x5150] =	vst v3  }
0xb3: {  	v1 =	vld.idx.msk [tilespmem:v1+s2+$0x0], $0xffff  }
0xb4: {  	v2 =	vld.idx.msk [tilespmem:v2+s28+$0x0], $0xffff;
	_ =	sdelay $0x4  }
0xb5: {  	v1 =	vadd.f32 v2, v1;
	_ =	sdelay $0x1  }
0xb6: {  	v2 =	vmul.f32 $2.000000030e-01, v1;
	_ =	sdelay $0x1  }
0xb7: {  	v1 =	vmax.f32 v1, v2  }
0xb8: {  	v1 =	vmul.f32 $1.442695020e+00, v1;
	_ =	sdelay $0x1  }
0xb9: {  	(erf) = vpow2.f32 v1;
	_ =	sdelay $0x2  }
0xba: {  	v1 =	vld [tilespmem:$0x5070]  }
0xbb: {  	v2 =	vld [tilespmem:$0x50F0];
	_ =	sdelay $0x4  }
0xbc: {  	v3 =	vpop (erf)  }
0xbd: {  	[tilespmem:$0x5160] =	vst v3  }
0xbe: {  	v1 =	vld.idx.msk [tilespmem:v1+s2+$0x0], $0xffff  }
0xbf: {  	v2 =	vld.idx.msk [tilespmem:v2+s28+$0x0], $0xffff;
	_ =	sdelay $0x4  }
0xc0: {  	v1 =	vadd.f32 v2, v1;
	_ =	sdelay $0x1  }
0xc1: {  	v2 =	vmul.f32 $2.000000030e-01, v1;
	_ =	sdelay $0x1  }
0xc2: {  	v1 =	vmax.f32 v1, v2  }
0xc3: {  	v1 =	vmul.f32 $1.442695020e+00, v1;
	_ =	sdelay $0x1  }
0xc4: {  	(erf) = vpow2.f32 v1;
	_ =	sdelay $0x6  }
0xc5: {  	v1 =	vmov s2  }
0xc6: {  	v1 =	vand.u32 $0xFFFFFFFC, v1  }
0xc7: {  	v1 =	vbroadcast v1, $0x0;
	v2 =	vpop (erf)  }
0xc8: {  	[tilespmem:$0x5170] =	vst v2  }
0xc9: {  	_ =	swait.ge [sflag:s0], $0x4000  }
0xca: {  	[sflag:s0] =	ssyncset.done $0x0  }
0xcb: {  	s9 =	simm.s32 $0x5280;
	[sflag:s0] =	ssyncadd.s32 $0xFFFFC000  }
0xcc: {  	v2 =	vld [tilespmem:s9+$0xFFFFFF70]  }
0xcd: {  	v1 =	vld.idx.msk [tilespmem:v1+s26+$0x0], $0xffff  }
0xce: {  	v3 =	vld [tilespmem:s9+$0xFFFFFF00]  }
0xcf: {  	v4 =	vld [tilespmem:s9+$0xFFFFFF20]  }
0xd0: {  	v5 =	vld [tilespmem:s9+$0xFFFFFF50]  }
0xd1: {  	v6 =	vld [tilespmem:s9+$0xFFFFFF40]  }
0xd2: {  	v7 =	vld [tilespmem:s9+$0xFFFFFF60];
	v2 =	vmul.f32 v2, v1  }
0xd3: {  	s15 =	simm.s32 $0x1;
	v8 =	vld [tilespmem:s9+$0xFFFFFF30];
	v3 =	vmul.f32 v3, v1  }
0xd4: {  	v9 =	vld [tilespmem:s9+$0xFFFFFF10];
	v4 =	vmul.f32 v4, v1;
	[tilespmem:s9+$0xFFFFFF70] =	vst v2;
	v2 =	vmov s15  }
0xd5: {  	v5 =	vmul.f32 v5, v1;
	[tilespmem:s9+$0xFFFFFF00] =	vst v3;
	v2 =	vand.u32 $0xFFFFFFFD, v2  }
0xd6: {  	v3 =	vmul.f32 v6, v1;
	[tilespmem:s9+$0xFFFFFF20] =	vst v4;
	v2 =	vbroadcast v2, $0x0  }
0xd7: {  	v4 =	vmul.f32 v7, v1;
	[tilespmem:s9+$0xFFFFFF50] =	vst v5  }
0xd8: {  	v5 =	vmul.f32 v8, v1;
	[tilespmem:s9+$0xFFFFFF40] =	vst v3  }
0xd9: {  	v1 =	vmul.f32 v9, v1;
	[tilespmem:s9+$0xFFFFFF60] =	vst v4  }
0xda: {  	[tilespmem:s9+$0xFFFFFF30] =	vst v5  }
0xdb: {  	[tilespmem:s9+$0xFFFFFF10] =	vst v1;
	v1 =	vld [tilespmem:s9+$0xFFFFFF90]  }
0xdc: {  	v3 =	vld.idx.msk [tilespmem:v2+s26+$0x0], $0xffff  }
0xdd: {  	v2 =	vld [tilespmem:s9+$0xFFFFFFA0]  }
0xde: {  	v4 =	vld [tilespmem:s9+$0xFFFFFF80]  }
0xdf: {  	v5 =	vld [tilespmem:s9+$0xFFFFFFB0]  }
0xe0: {  	v6 =	vld [tilespmem:s9+$0xFFFFFFC0]  }
0xe1: {  	v7 =	vld [tilespmem:s9+$0xFFFFFFD0];
	v1 =	vmul.f32 v1, v3  }
0xe2: {  	s16 =	simm.s32 $0x2;
	v8 =	vld [tilespmem:s9+$0xFFFFFFF0];
	v2 =	vmul.f32 v2, v3  }
0xe3: {  	v63 =	vld [tilespmem:s9+$0xFFFFFFE0];
	v4 =	vmul.f32 v4, v3;
	[tilespmem:s9+$0xFFFFFF90] =	vst v1;
	v1 =	vmov s16  }
0xe4: {  	v5 =	vmul.f32 v5, v3;
	[tilespmem:s9+$0xFFFFFFA0] =	vst v2;
	v1 =	vand.u32 $0xFFFFFFFE, v1  }
0xe5: {  	v2 =	vmul.f32 v6, v3;
	[tilespmem:s9+$0xFFFFFF80] =	vst v4;
	v6 =	vld [tilespmem:s9+$0x60];
	v10 =	vbroadcast v1, $0x0  }
0xe6: {  	v4 =	vmul.f32 v7, v3;
	[tilespmem:s9+$0xFFFFFFB0] =	vst v5;
	v7 =	vld [tilespmem:s9+$0x0]  }
0xe7: {  	v5 =	vmul.f32 v8, v3;
	v1 =	vld [tilespmem:s9+$0x20];
	[tilespmem:s9+$0xFFFFFFC0] =	vst v2  }
0xe8: {  	v3 =	vmul.f32 v63, v3;
	v2 =	vld [tilespmem:s9+$0x30];
	[tilespmem:s9+$0xFFFFFFD0] =	vst v4  }
0xe9: {  	[tilespmem:s9+$0xFFFFFFF0] =	vst v5;
	v4 =	vld [tilespmem:s9+$0x40]  }
0xea: {  	[tilespmem:s9+$0xFFFFFFE0] =	vst v3;
	v5 =	vld [tilespmem:s9+$0x10]  }
0xeb: {  	s13 =	simm.s32 $0x4;
	s14 =	simm.s32 $0x5280;
	s12 =	simm.s32 $0x0;
	v3 =	vld.idx.msk [tilespmem:v10+s26+$0x0], $0xffff  }
.LBB2_5:
0xec: {  	p0 =	sne.s32 s13, $0x7C  }
0xed: {  	v8 =	vld [tilespmem:s9+$0x50];
	s14 =	sadd.s32 $0x200, s14;
	s15 =	smov.u32 s13;
	s13 =	sadd.s32 $0x4, s13  }
0xee: {  	v9 =	vld [tilespmem:s9+$0x70];
	_ =	sdelay $0x1  }
0xef: {  	v6 =	vmul.f32 v6, v3;
	v7 =	vmul.f32 v7, v3  }
0xf0: {  	v4 =	vmul.f32 v4, v3;
	v5 =	vmul.f32 v5, v3  }
0xf1: {  	v1 =	vmul.f32 v1, v3;
	v2 =	vmul.f32 v2, v3;
	[tilespmem:s9+$0x60] =	vst v6  }
0xf2: {  	[tilespmem:s9+$0x40] =	vst v4;
	v4 =	vmul.f32 v8, v3;
	v3 =	vmul.f32 v9, v3  }
0xf3: {  	s16 =	sadd.s32 $0x3, s12;
	s12 =	smov.u32 s15;
	[tilespmem:s9+$0x20] =	vst v1;
	v6 =	vld [tilespmem:s9+$0x80]  }
0xf4: {  	v1 =	vld [tilespmem:s14+$0x20];
	[tilespmem:s9+$0x0] =	vst v7;
	v7 =	vmov s16  }
0xf5: {  	[tilespmem:s9+$0x50] =	vst v4;
	v4 =	vld [tilespmem:s9+$0xE0]  }
0xf6: {  	[tilespmem:s9+$0x30] =	vst v2;
	v8 =	vld [tilespmem:s9+$0xC0]  }
0xf7: {  	v2 =	vld [tilespmem:s14+$0x30];
	[tilespmem:s9+$0x10] =	vst v5  }
0xf8: {  	[tilespmem:s9+$0x70] =	vst v3;
	v3 =	vld [tilespmem:s9+$0xA0]  }
0xf9: {  	v5 =	vld.idx.msk [tilespmem:v7+s26+$0x0], $0xffff  }
0xfa: {  	v7 =	vld [tilespmem:s9+$0x90]  }
0xfb: {  	v9 =	vld [tilespmem:s9+$0xB0]  }
0xfc: {  	v10 =	vld [tilespmem:s9+$0xD0]  }
0xfd: {  	v11 =	vld [tilespmem:s9+$0xF0];
	_ =	sdelay $0x1  }
0xfe: {  	v6 =	vmul.f32 v6, v5;
	v7 =	vmul.f32 v7, v5  }
0xff: {  	v3 =	vmul.f32 v3, v5;
	v9 =	vmul.f32 v9, v5  }
0x100: {  	v12 =	vmov s12;
	[tilespmem:s9+$0x80] =	vst v6;
	v6 =	vmul.f32 v8, v5;
	v8 =	vmul.f32 v10, v5  }
0x101: {  	v10 =	vand.u32 $0xFFFFFFFC, v12;
	[tilespmem:s9+$0xA0] =	vst v3;
	v3 =	vmul.f32 v4, v5;
	v4 =	vmul.f32 v11, v5  }
0x102: {  	v5 =	vbroadcast v10, $0x0;
	[tilespmem:s9+$0xC0] =	vst v6  }
0x103: {  	[tilespmem:s9+$0xF0] =	vst v4  }
0x104: {  	v4 =	vld [tilespmem:s14+$0xFFFFFF40];
	[tilespmem:s9+$0xE0] =	vst v3  }
0x105: {  	v3 =	vld [tilespmem:s14+$0xFFFFFF50];
	[tilespmem:s9+$0x90] =	vst v7  }
0x106: {  	v6 =	vld [tilespmem:s14+$0xFFFFFF60];
	[tilespmem:s9+$0xB0] =	vst v9  }
0x107: {  	v7 =	vld [tilespmem:s14+$0xFFFFFF70];
	[tilespmem:s9+$0xD0] =	vst v8;
	s9 =	smov.u32 s14  }
0x108: {  	v5 =	vld.idx.msk [tilespmem:v5+s26+$0x0], $0xffff  }
0x109: {  	v8 =	vld [tilespmem:s14+$0xFFFFFF00]  }
0x10a: {  	v9 =	vld [tilespmem:s14+$0xFFFFFF20]  }
0x10b: {  	v10 =	vld [tilespmem:s14+$0xFFFFFF10]  }
0x10c: {  	v11 =	vld [tilespmem:s14+$0xFFFFFF30];
	_ =	sdelay $0x1  }
0x10d: {  	v7 =	vmul.f32 v7, v5;
	v8 =	vmul.f32 v8, v5  }
0x10e: {  	s15 =	sadd.s32 $0x1, s12;
	v6 =	vmul.f32 v6, v5;
	v9 =	vmul.f32 v9, v5  }
0x10f: {  	v3 =	vmul.f32 v3, v5;
	v10 =	vmul.f32 v10, v5;
	[tilespmem:s14+$0xFFFFFF70] =	vst v7;
	v7 =	vmov s15  }
0x110: {  	v4 =	vmul.f32 v4, v5;
	[tilespmem:s14+$0xFFFFFF00] =	vst v8;
	v8 =	vmul.f32 v11, v5;
	v5 =	vand.u32 $0xFFFFFFFD, v7  }
0x111: {  	[tilespmem:s14+$0xFFFFFF20] =	vst v9;
	v5 =	vbroadcast v5, $0x0  }
0x112: {  	[tilespmem:s14+$0xFFFFFF50] =	vst v3  }
0x113: {  	[tilespmem:s14+$0xFFFFFF40] =	vst v4;
	v3 =	vld [tilespmem:s14+$0xFFFFFFF0]  }
0x114: {  	[tilespmem:s14+$0xFFFFFF60] =	vst v6;
	v4 =	vld [tilespmem:s14+$0xFFFFFFC0]  }
0x115: {  	[tilespmem:s14+$0xFFFFFF30] =	vst v8;
	v6 =	vld [tilespmem:s14+$0xFFFFFFD0]  }
0x116: {  	[tilespmem:s14+$0xFFFFFF10] =	vst v10;
	v7 =	vld [tilespmem:s14+$0xFFFFFF90]  }
0x117: {  	v5 =	vld.idx.msk [tilespmem:v5+s26+$0x0], $0xffff  }
0x118: {  	v8 =	vld [tilespmem:s14+$0xFFFFFF80]  }
0x119: {  	v9 =	vld [tilespmem:s14+$0xFFFFFFA0]  }
0x11a: {  	v10 =	vld [tilespmem:s14+$0xFFFFFFB0]  }
0x11b: {  	v11 =	vld [tilespmem:s14+$0xFFFFFFE0];
	_ =	sdelay $0x1  }
0x11c: {  	v7 =	vmul.f32 v7, v5;
	v8 =	vmul.f32 v8, v5  }
0x11d: {  	s15 =	sadd.s32 $0x2, s12;
	v6 =	vmul.f32 v6, v5;
	v9 =	vmul.f32 v9, v5  }
0x11e: {  	v4 =	vmul.f32 v4, v5;
	[tilespmem:s14+$0xFFFFFF90] =	vst v7;
	v7 =	vmul.f32 v10, v5;
	v10 =	vmov s15  }
0x11f: {  	v3 =	vmul.f32 v3, v5;
	[tilespmem:s14+$0xFFFFFFA0] =	vst v9;
	v9 =	vmul.f32 v11, v5;
	v5 =	vand.u32 $0xFFFFFFFE, v10  }
0x120: {  	[tilespmem:s14+$0xFFFFFF80] =	vst v8;
	v5 =	vbroadcast v5, $0x0  }
0x121: {  	[tilespmem:s14+$0xFFFFFFB0] =	vst v7  }
0x122: {  	[tilespmem:s14+$0xFFFFFFC0] =	vst v4  }
0x123: {  	[tilespmem:s14+$0xFFFFFFD0] =	vst v6  }
.Ltmp1:
0x124: {  	[tilespmem:s14+$0xFFFFFFF0] =	vst v3;
	v4 =	vld [tilespmem:s14+$0x40];
	(pc) =	sbr.rel @p0 .LBB2_5-.Ltmp1, $4  }
0x125: {  	[tilespmem:s14+$0xFFFFFFE0] =	vst v9;
	v6 =	vld [tilespmem:s14+$0x60]  }
0x126: {  	v3 =	vld.idx.msk [tilespmem:v5+s26+$0x0], $0xffff  }
0x127: {  	v7 =	vld [tilespmem:s14+$0x0]  }
0x128: {  	v5 =	vld [tilespmem:s14+$0x10]  }
0x129: {  	_ =	sdelay $0x1  }
0x12a: {  	v6 =	vmul.f32 v6, v3  }
0x12b: {  	v8 =	vld [tilespmem:s9+$0x50];
	v4 =	vmul.f32 v4, v3  }
0x12c: {  	v9 =	vld [tilespmem:s9+$0x70];
	v1 =	vmul.f32 v1, v3;
	[tilespmem:s9+$0x60] =	vst v6  }
0x12d: {  	v54 =	vmul.f32 v7, v3;
	[tilespmem:s9+$0x40] =	vst v4  }
0x12e: {  	s12 =	sadd.s32 $0x3, s12;
	[tilespmem:s9+$0x20] =	vst v1;
	v1 =	vmul.f32 v2, v3  }
0x12f: {  	v56 =	vmov s12;
	v5 =	vmul.f32 v5, v3;
	[tilespmem:s9+$0x0] =	vst v54  }
0x130: {  	v55 =	vmul.f32 v8, v3;
	[tilespmem:s9+$0x30] =	vst v1  }
0x131: {  	v3 =	vmul.f32 v9, v3;
	[tilespmem:s9+$0x10] =	vst v5  }
0x132: {  	[tilespmem:s9+$0x50] =	vst v55  }
0x133: {  	v2 =	vld [tilespmem:s9+$0x80];
	[tilespmem:s9+$0x70] =	vst v3  }
0x134: {  	v1 =	vld.idx.msk [tilespmem:v56+s26+$0x0], $0xffff  }
0x135: {  	v3 =	vld [tilespmem:s9+$0xA0]  }
0x136: {  	v59 =	vld [tilespmem:s9+$0xE0]  }
0x137: {  	v57 =	vld [tilespmem:s9+$0xC0]  }
0x138: {  	v58 =	vld [tilespmem:s9+$0xF0]  }
0x139: {  	v60 =	vld [tilespmem:s9+$0x90];
	v2 =	vmul.f32 v2, v1  }
0x13a: {  	v61 =	vld [tilespmem:s9+$0xB0];
	v3 =	vmul.f32 v3, v1  }
0x13b: {  	v62 =	vld [tilespmem:s9+$0xD0];
	v63 =	vmul.f32 v59, v1;
	[tilespmem:s9+$0x80] =	vst v2  }
0x13c: {  	v2 =	vmul.f32 v57, v1;
	[tilespmem:s9+$0xA0] =	vst v3  }
0x13d: {  	v3 =	vmul.f32 v58, v1;
	[tilespmem:s9+$0xE0] =	vst v63  }
0x13e: {  	[tilespmem:s9+$0xC0] =	vst v2;
	v2 =	vmul.f32 v60, v1  }
0x13f: {  	[tilespmem:s9+$0xF0] =	vst v3;
	v3 =	vmul.f32 v61, v1  }
0x140: {  	v1 =	vmul.f32 v62, v1;
	[tilespmem:s9+$0x90] =	vst v2  }
0x141: {  	[tilespmem:s9+$0xB0] =	vst v3  }
0x142: {  	[tilespmem:s9+$0xD0] =	vst v1  }
0x143: {  	[spmem:s4] =	stream.indirect.scatter.add.f32 [tilespmem:s26], [sflag:$0x2], $0x1, s30, s31, $0xb8;
	[tilespmem:$0x1D400] =	vst v63  }
0x144: {  	s8 =	sadd.s32 $0x1, s8;
	_ =	swait.ge [sflag:s25], $0x80  }
0x145: {  	p0 =	sne.s32 s8, $0x51;
	[sflag:s25] =	ssyncset.done $0x0  }
.Ltmp2:
0x146: {  	[sflag:s25] =	ssyncadd.s32 $0xFFFFFF80;
	(pc) =	sbr.rel @p0 .LBB2_4-.Ltmp2, $4  }
0x147: {  	[spmem:s3] =	stream.indirect.scatter.add.f32 [tilespmem:s24], [sflag:$0x2], $0x80, s30, s31, $0xb8;
	[tilespmem:$0x1D400] =	vst v63  }
0x148: {  	_ =	swait.ge [sflag:s25], $0x4000  }
0x149: {  	[sflag:s25] =	ssyncset.done $0x0  }
0x14a: {  	[sflag:s25] =	ssyncadd.s32 $0xFFFFC000  }
0x14b: {  	s2 =	stileid.u32  }
0x14c: {  	s2 =	sshll.u32 s2, $0x6  }
0x14d: {  	[bflag:$0x0] =	sbarrier.arrive $0xFFFF;
	s8 =	sshrl.u32 s10, $0x3;
	s2 =	sor.u32 $0x1C02, s2  }
0x14e: {  	[hbm:s21], [sflag:s2] =	dma.local [spmem:s8], $0x2800  }
0x14f: {  	s5 =	sadd.s32 $0x1, s5;
	_ =	swait.ge [sflag:s25], $0x2800  }
0x150: {  	p0 =	sne.s32 s5, s23;
	[sflag:s25] =	ssyncset.done $0x0  }
.Ltmp3:
0x151: {  	s16 =	sshrl.u32 s11, $0x3;
	[sflag:s25] =	ssyncadd.s32 $0xFFFFD800;
	(pc) =	sbr.rel @p0 .LBB2_1-.Ltmp3, $4  }
0x152: {  	[hbm:s22], [sflag:s2] =	dma.local [spmem:s16], $0x50  }
0x153: {  	_ =	swait.ge [sflag:s25], $0x50  }
0x154: {  	[sflag:s25] =	ssyncset.done $0x0  }
0x155: {  	[sflag:s25] =	ssyncadd.s32 $0xFFFFFFB0  }
0x156: {  	_ =	sfence.sel $0x180000  }
0x157: {  	[bflag:$0x0] =	sbarrier.arrive $0xFFFF  }
0x158: {  	_ =	strace $0x90000047  }
0x159: {  	s0 =	stileid.u32;
	[bflag:$0x2] =	sbarrier.arrive $0xFFFF  }
0x15a: {  	p0 =	sne.s32 s0, $0x0;
	s0 =	rddreg [dreg:$0x4]  }
0x15b: {  	s0 =	sadd.s32 @!p0 $0x100000, s0  }
0x15c: {  	[sflag:s0] =	ssyncadd.tile.s32 @!p0 $0x1;
	_ =	shalt  }
.Lfunc_end2:
_tile_overlayer_lowered:
.L_overlay_start_2:
0x15d: {  	(tag) =	ssettag $0x2  }
0x15e: {  	s0 =	rddreg [dreg:$0x0];
	s2 =	stileid.u32  }
0x15f: {  	s1 =	rddreg [dreg:$0x1];
	p0 =	sne.s32 s2, $0x0  }
0x160: {  	s3 =	rddreg [dreg:$0x2];
	[bflag:$0x3] =	sbarrier.arrive $0xFFFF;
	s2 =	simm.s32 @!p0 $0x1C02  }
0x161: {  	[timem:s3], [sflag:s2] =	dma.local @!p0 [hbm:s0], s1  }
0x162: {  	s0 =	simm.s32 @!p0 $0x2  }
0x163: {  	_ =	swait.ge @!p0 [sflag:s0], s1  }
0x164: {  	s1 =	ssub.s32 @!p0 $0x0, s1;
	[sflag:s0] =	ssyncset.done @!p0 $0x0  }
0x165: {  	[sflag:s0] =	ssyncadd.s32 @!p0 s1  }
0x166: {  	[bflag:$0x3] =	sbarrier.arrive $0xFFFF  }
0x167: {  	_ =	shalt  }

</sc_bundles>
